<compile_context>
chip_gen: v7x
topology: tpu7x:2x2x1
jax: 0.10.2.dev20260603
libtpu: 0.0.44.dev20260713+nightly
codegen_flags: <defaults>
</compile_context>

<pallas_src>
import functools

import jax
import jax.numpy as jnp
from jax import lax
from jax.experimental import pallas as pl
from jax.experimental.pallas import tpu as pltpu
from jax.experimental.pallas import tpu_sc as plsc

ENTITY_SIZE = 32
NUM_BINS = 16
NC, NS, LANES = 2, 16, 16
NW = NC * NS

_SIZES = dict(move=1024, item=512, ability=384, minor=128, se=256, mt=640,
              b01=169, b23=169, b45=169, b6s=78, dmg=2047)
_OFF = {}
_acc = 0
for _k, _v in _SIZES.items():
    _OFF[_k] = _acc
    _acc += _v
ROWS = _acc


def _build_packed_table(table_move, table_item, table_ability, table_status,
                        table_edge_type, table_major, table_minor, table_turn,
                        W_boosts, b_boosts, W_damage, b_damage, W_side, b_side):
    d = ENTITY_SIZE
    vals = jnp.arange(13, dtype=jnp.float32) - 6.0
    boost = vals[None, :, None] * W_boosts[:, None, :]

    def pair(a, b):
        return (a[:, None, :] + b[None, :, :]).reshape(-1, d)

    v = jnp.arange(-1023, 1024, dtype=jnp.int32)
    raw = v / 1023.0
    divisor = 2048.0 / NUM_BINS
    tok = jnp.floor((v + 1023) / divisor)
    tok = jnp.where(v == 0, NUM_BINS + 1, tok)
    onehot = jax.nn.one_hot(tok, NUM_BINS + 1)
    feats = jnp.concatenate([raw[:, None], jnp.abs(raw)[:, None],
                             jnp.sign(v).astype(jnp.float32)[:, None], onehot],
                            axis=-1)
    dmg_rows = feats @ W_damage + (b_damage + b_boosts)[None, :]
    bits = ((jnp.arange(3, dtype=jnp.int32)[:, None]
             & jnp.asarray([1, 2], jnp.int32)[None, :]) != 0).astype(jnp.float32)
    side_rows = jnp.concatenate([jnp.zeros((3, d), jnp.float32),
                                 bits @ W_side + b_side[None, :]], axis=0)
    tab = jnp.concatenate([
        table_move, table_item, table_ability, table_minor,
        pair(table_status, table_edge_type),
        pair(table_major, table_turn),
        pair(boost[0], boost[1]),
        pair(boost[2], boost[3]),
        pair(boost[4], boost[5]),
        pair(boost[6], side_rows),
        dmg_rows,
    ], axis=0)
    tab_bf = tab.astype(jnp.bfloat16).reshape(ROWS, 2, d // 2)
    tab_bf = jnp.swapaxes(tab_bf, 1, 2)
    packed = lax.bitcast_convert_type(tab_bf, jnp.int32)
    r = jnp.arange(ROWS, dtype=jnp.int32)[:, None]
    c = jnp.arange(16, dtype=jnp.int32)[None, :]
    return jnp.take_along_axis(packed, c ^ (r & 15), axis=1)


def _make_gather_sum(n_tokens):
    per_w = n_tokens // NW
    chunk = 256
    n_chunks = per_w // chunk
    groups = chunk // LANES
    mesh = plsc.VectorSubcoreMesh(core_axis_name="c", subcore_axis_name="s")

    @functools.partial(
        pl.kernel,
        out_type=jax.ShapeDtypeStruct((16, n_tokens), jnp.int32),
        mesh=mesh,
        scratch_types=[
            pltpu.VMEM((ROWS * 16 // 128, 128), jnp.int32),
            pltpu.VMEM((48, 128), jnp.int32),
            pltpu.VMEM((16, chunk), jnp.int32),
        ],
        compiler_params=pltpu.CompilerParams(needs_layout_passes=False,
                                             disable_bounds_checks=True),
    )
    def gather_sum(table_hbm, edges_hbm, out_hbm, table_v, edges_v, out_v):
        wid = lax.axis_index("s") * NC + lax.axis_index("c")
        pltpu.sync_copy(table_hbm, table_v)
        lanes = lax.iota(jnp.int32, LANES)

        erows = n_tokens * 19 // 128

        def chunk_body(c, carry):
            base = wid * per_w + c * chunk
            word0 = base * 19
            start_row = jnp.minimum((word0 >> 7) & -8, erows - 48)
            start_row = pl.multiple_of(start_row, 8)
            pltpu.sync_copy(edges_hbm.at[pl.ds(start_row, 48)], edges_v)
            off = word0 - (start_row << 7)

            def group_body(g, carry2):
                tok = lanes + g * LANES
                tok19 = tok * 19 + off

                def fld(f):
                    fw = tok19 + f
                    return plsc.load_gather(edges_v, [fw >> 7, fw & 127])

                has1 = (fld(0) >= 0).astype(jnp.int32)
                rows = [
                    fld(2),
                    _OFF["item"] + fld(3),
                    _OFF["ability"] + fld(4),
                    _OFF["minor"] + fld(7),
                    _OFF["se"] + fld(5) * 16 + fld(8),
                    _OFF["mt"] + fld(6) * 20 + fld(17),
                    _OFF["b01"] + (fld(9) + 6) * 13 + fld(10) + 6,
                    _OFF["b23"] + (fld(11) + 6) * 13 + fld(12) + 6,
                    _OFF["b45"] + (fld(13) + 6) * 13 + fld(14) + 6,
                    _OFF["b6s"] + (fld(15) + 6) * 6 + fld(18) + 3 * has1,
                    _OFF["dmg"] + 1023 + fld(16),
                ]
                rows = [(r >> 3, ((r & 7) << 4) | (r & 15)) for r in rows]
                for w in range(16):
                    terms = [
                        plsc.bitcast(
                            plsc.load_gather(table_v, [rhi, cb ^ w]),
                            jnp.bfloat16)
                        for rhi, cb in rows
                    ]
                    while len(terms) > 1:
                        terms = ([terms[i] + terms[i + 1]
                                  for i in range(0, len(terms) - 1, 2)]
                                 + ([terms[-1]] if len(terms) % 2 else []))
                    out_v[w, pl.ds(g * LANES, LANES)] = plsc.bitcast(
                        terms[0], jnp.int32)
                return carry2

            lax.fori_loop(0, groups, group_body, 0)
            pltpu.sync_copy(out_v, out_hbm.at[:, pl.ds(base, chunk)])
            return carry

        lax.fori_loop(0, n_chunks, chunk_body, 0)

    return gather_sum


def _tc_combine(masks_t, emb1, emb2, gsum_i32, W1, W2, bias):
    b, t, d = emb1.shape
    bb = 16
    grid = b // bb
    nb = bb * t

    def body(m_ref, e1_ref, e2_ref, g_ref, w1_ref, w2_ref, b_ref, eye_ref,
             out_ref):
        m = m_ref[...]
        m1 = (m[0] >= 0).astype(jnp.float32)[:, :, None]
        m2 = (m[1] >= 0).astype(jnp.float32)[:, :, None]
        p1 = jnp.dot(e1_ref[...].reshape(nb, d), w1_ref[...],
                     preferred_element_type=jnp.float32)
        p2 = jnp.dot(e2_ref[...].reshape(nb, d), w2_ref[...],
                     preferred_element_type=jnp.float32)
        x = g_ref[...]
        lo = pltpu.bitcast(x << 16, jnp.float32)
        hi = pltpu.bitcast(jnp.bitwise_and(x, jnp.int32(-65536)), jnp.float32)
        g32t = jnp.concatenate([lo, hi], axis=0)
        g32 = lax.dot_general(g32t, eye_ref[...], (((0,), (0,)), ((), ())),
                              preferred_element_type=jnp.float32)
        out_ref[...] = (m1 * p1.reshape(bb, t, d) + m2 * p2.reshape(bb, t, d)
                        + (g32 + b_ref[...]).reshape(bb, t, d))

    return pl.pallas_call(
        body,
        grid=(grid,),
        in_specs=[
            pl.BlockSpec((2, bb, t), lambda i: (0, i, 0)),
            pl.BlockSpec((bb, t, d), lambda i: (i, 0, 0)),
            pl.BlockSpec((bb, t, d), lambda i: (i, 0, 0)),
            pl.BlockSpec((16, nb), lambda i: (0, i)),
            pl.BlockSpec((d, d), lambda i: (0, 0)),
            pl.BlockSpec((d, d), lambda i: (0, 0)),
            pl.BlockSpec((1, d), lambda i: (0, 0)),
            pl.BlockSpec((d, d), lambda i: (0, 0)),
        ],
        out_specs=pl.BlockSpec((bb, t, d), lambda i: (i, 0, 0)),
        out_shape=jax.ShapeDtypeStruct((b, t, d), jnp.float32),
    )(masks_t, emb1, emb2, gsum_i32, W1, W2, bias,
      jnp.eye(d, dtype=jnp.float32))


def kernel(edges, poke1_embeddings, poke2_embeddings, W1, b1, W2, b2,
           table_move, table_item, table_ability, table_status,
           table_edge_type, table_major, table_minor, table_turn,
           W_boosts, b_boosts, W_damage, b_damage, W_side, b_side):
    b, t, _ = edges.shape
    d = ENTITY_SIZE
    n = b * t
    packed = _build_packed_table(
        table_move, table_item, table_ability, table_status, table_edge_type,
        table_major, table_minor, table_turn, W_boosts, b_boosts,
        W_damage, b_damage, W_side, b_side)
    gsum_i32 = _make_gather_sum(n)(packed.reshape(ROWS * 16 // 128, 128),
                                   edges.reshape(n * 19 // 128, 128))
    masks_t = jnp.transpose(edges, (2, 0, 1))[0:2]
    return _tc_combine(masks_t, poke1_embeddings, poke2_embeddings,
                       gsum_i32, W1, W2, (b1 + b2)[None, :])

# --- scband reference (transcript-rebuilt; emitter-appended) ---
"""Pipeline reference for scband-edge-encoder-60576218742859 (READ-ONLY COPY).

The authoritative reference and input builder live on the scoring server;
editing this copy changes nothing except your own understanding.
"""

import jax, jax.numpy as jnp
import numpy as np

ENTITY_SIZE = 32
NUM_MOVES = 1024
NUM_ITEMS = 512
NUM_ABILITIES = 384
NUM_STATUS = 16
NUM_EDGE_TYPES = 16
NUM_MAJOR_ARGS = 32
NUM_MINOR_ARGS = 128
NUM_TURN_ORDER = 20
NUM_BINS = 16
B, T = 1024, 200

# FeatureEdge layout (19 int fields per edge):
# 0 POKE1_INDEX, 1 POKE2_INDEX, 2 MOVE_TOKEN, 3 ITEM_TOKEN, 4 ABILITY_TOKEN,
# 5 STATUS_TOKEN, 6 MAJOR_ARG, 7 MINOR_ARG, 8 EDGE_TYPE_TOKEN,
# 9..15 BOOST_ATK..BOOST_EVASION (7 values), 16 DAMAGE_TOKEN, 17 TURN_ORDER_VALUE, 18 EDGE_AFFECTING_SIDE


def _binary_scale(x, world_dim):
    num_bits = (world_dim - 1).bit_length()
    bit_mask = jnp.asarray(1 << np.arange(num_bits), dtype=jnp.int32)
    return (jnp.bitwise_and(x[..., None], bit_mask) != 0).astype(jnp.float32)


def _forward(edges, poke1_embeddings, poke2_embeddings, W1, b1, W2, b2,
             table_move, table_item, table_ability, table_status,
             table_edge_type, table_major, table_minor, table_turn,
             W_boosts, b_boosts, W_damage, b_damage, W_side, b_side):
    e = edges
    has_poke1 = (e[..., 0] >= 0)[..., None]
    p1 = jnp.where(has_poke1, poke1_embeddings, 0.0) @ W1 + b1
    p2 = jnp.where((e[..., 1] >= 0)[..., None], poke2_embeddings, 0.0) @ W2 + b2
    move = table_move[e[..., 2]]
    item = table_item[e[..., 3]]
    ability = table_ability[e[..., 4]]
    status = table_status[e[..., 5]]
    major = table_major[e[..., 6]]
    minor = table_minor[e[..., 7]]
    edge_type = table_edge_type[e[..., 8]]
    boosts = e[..., 9:16].astype(jnp.float32) @ W_boosts + b_boosts
    damage_token = e[..., 16]
    damage_raw = damage_token / 1023.0
    divisor = 2048.0 / NUM_BINS
    tok = jnp.floor((damage_token + 1023) / divisor)
    tok = jnp.where(damage_token == 0, NUM_BINS + 1, tok)
    damage_onehot = jax.nn.one_hot(tok, NUM_BINS + 1)
    damage_features = jnp.concatenate([
        damage_raw[..., None],
        jnp.abs(damage_raw)[..., None],
        jnp.sign(damage_token).astype(jnp.float32)[..., None],
        damage_onehot,
    ], axis=-1)
    dmg = damage_features @ W_damage + b_damage
    turn = table_turn[e[..., 17]]
    side = _binary_scale(e[..., 18].astype(jnp.int32), 3) @ W_side + b_side
    combined = (p1 + p2 + move + item + ability + status + boosts + dmg
                + turn + edge_type + major + minor
                + jnp.where(has_poke1, side, 0.0))
    return combined


def setup_inputs(seed: int = 0) -> dict:
    key = jax.random.key(seed)
    ks = jax.random.split(key, 30)

    poke1_idx = jax.random.randint(ks[0], (B, T), -1, 12)
    poke2_idx = jax.random.randint(ks[1], (B, T), -1, 12)
    move = jax.random.randint(ks[2], (B, T), 0, NUM_MOVES)
    item = jax.random.randint(ks[3], (B, T), 0, NUM_ITEMS)
    ability = jax.random.randint(ks[4], (B, T), 0, NUM_ABILITIES)
    status = jax.random.randint(ks[5], (B, T), 0, NUM_STATUS)
    major = jax.random.randint(ks[6], (B, T), 0, NUM_MAJOR_ARGS)
    minor = jax.random.randint(ks[7], (B, T), 0, NUM_MINOR_ARGS)
    edge_type = jax.random.randint(ks[8], (B, T), 0, NUM_EDGE_TYPES)
    boosts = jax.random.randint(ks[9], (B, T, 7), -6, 7)
    damage = jax.random.randint(ks[10], (B, T), -1023, 1024)
    turn = jax.random.randint(ks[11], (B, T), 0, NUM_TURN_ORDER)
    side = jax.random.randint(ks[12], (B, T), 0, 3)

    head = jnp.stack([poke1_idx, poke2_idx, move, item, ability, status, major, minor, edge_type], axis=-1)
    tail = jnp.stack([damage, turn, side], axis=-1)
    edges = jnp.concatenate([head, boosts, tail], axis=-1).astype(jnp.int32)

    s = 0.02
    d = ENTITY_SIZE
    inp = {
        'edges': edges,
        'poke1_embeddings': jax.random.normal(ks[13], (B, T, d), dtype=jnp.float32),
        'poke2_embeddings': jax.random.normal(ks[14], (B, T, d), dtype=jnp.float32),
        'W1': jax.random.normal(ks[15], (d, d), dtype=jnp.float32) * s,
        'b1': jnp.zeros((d,), dtype=jnp.float32),
        'W2': jax.random.normal(ks[16], (d, d), dtype=jnp.float32) * s,
        'b2': jnp.zeros((d,), dtype=jnp.float32),
        'table_move': jax.random.normal(ks[17], (NUM_MOVES, d), dtype=jnp.float32) * s,
        'table_item': jax.random.normal(ks[18], (NUM_ITEMS, d), dtype=jnp.float32) * s,
        'table_ability': jax.random.normal(ks[19], (NUM_ABILITIES, d), dtype=jnp.float32) * s,
        'table_status': jax.random.normal(ks[20], (NUM_STATUS, d), dtype=jnp.float32) * s,
        'table_edge_type': jax.random.normal(ks[21], (NUM_EDGE_TYPES, d), dtype=jnp.float32) * s,
        'table_major': jax.random.normal(ks[22], (NUM_MAJOR_ARGS, d), dtype=jnp.float32) * s,
        'table_minor': jax.random.normal(ks[23], (NUM_MINOR_ARGS, d), dtype=jnp.float32) * s,
        'table_turn': jax.random.normal(ks[24], (NUM_TURN_ORDER, d), dtype=jnp.float32) * s,
        'W_boosts': jax.random.normal(ks[25], (7, d), dtype=jnp.float32) * s,
        'b_boosts': jnp.zeros((d,), dtype=jnp.float32),
        'W_damage': jax.random.normal(ks[26], (3 + NUM_BINS + 1, d), dtype=jnp.float32) * s,
        'b_damage': jnp.zeros((d,), dtype=jnp.float32),
        'W_side': jax.random.normal(ks[27], (2, d), dtype=jnp.float32) * s,
        'b_side': jnp.zeros((d,), dtype=jnp.float32),
    }
    return inp


def reference(edges, poke1_embeddings, poke2_embeddings, W1, b1, W2, b2,
              table_move, table_item, table_ability, table_status,
              table_edge_type, table_major, table_minor, table_turn,
              W_boosts, b_boosts, W_damage, b_damage, W_side, b_side):
    return _forward(edges, poke1_embeddings, poke2_embeddings, W1, b1, W2, b2,
                    table_move, table_item, table_ability, table_status,
                    table_edge_type, table_major, table_minor, table_turn,
                    W_boosts, b_boosts, W_damage, b_damage, W_side, b_side)

if __name__ == "__main__":
    import jax
    _d = setup_inputs()
    print(jax.jit(kernel)(*tuple(_d.values())))

</pallas_src>

<mosaic_0001>
#map = affine_map<(d0, d1) -> (0, 0)>
module attributes {stable_mosaic.version = 14 : i64} {
  func.func @gather_sum(%arg0: i32, %arg1: i32, %arg2: memref<697x128xi32, #tpu.memory_space<hbm>>, %arg3: memref<30400x128xi32, #tpu.memory_space<hbm>>, %arg4: memref<16x204800xi32, #tpu.memory_space<hbm>>, %arg5: memref<697x128xi32, #tpu.memory_space<vmem>>, %arg6: memref<48x128xi32, #tpu.memory_space<vmem>>, %arg7: memref<16x256xi32, #tpu.memory_space<vmem>>) attributes {dimension_semantics = [#tpu.dimension_semantics<core_parallel>, #tpu.dimension_semantics<subcore_parallel>], iteration_bounds = array<i64: 2, 16>, scalar_prefetch = 0 : i64, scratch_operands = 3 : i64, tpu.core_type = #tpu.core_type<sc_vector_subcore>, window_params = [{transform_indices = #map}, {transform_indices = #map}, {transform_indices = #map}]} {
    %mul3A = arith.constant 2 : i32
    %mul3A_0 = arith.muli %arg1, %mul3A : i32
    %add3A = arith.addi %mul3A_0, %arg0 : i32
    "tpu.region"() ({
      %run_scoped3A = tpu.sem_alloc : memref<!tpu.dma_semaphore, #tpu.memory_space<semaphore_mem>>
      tpu.enqueue_dma source(%arg2 : memref<697x128xi32, #tpu.memory_space<hbm>>) target(%arg5 : memref<697x128xi32, #tpu.memory_space<vmem>>) target_semaphore(%run_scoped3A : memref<!tpu.dma_semaphore, #tpu.memory_space<semaphore_mem>>)
      tpu.wait_dma2 semaphore(%run_scoped3A : memref<!tpu.dma_semaphore, #tpu.memory_space<semaphore_mem>>) src(%arg2 : memref<697x128xi32, #tpu.memory_space<hbm>>) dst(%arg5 : memref<697x128xi32, #tpu.memory_space<vmem>>)
      tpu.yield
    }) : () -> ()
    %iota3A = tpu.iota {dimensions = array<i32: 0>} : vector<16xi32>
    %scan3A = arith.constant 0 : i32
    %scan3A_1 = arith.constant 0 : i32
    %scan3A_2 = arith.constant 25 : i32
    %scan3A_3 = arith.addi %scan3A_1, %scan3A_2 : i32
    %scan3A_4 = arith.constant 1 : i32
    scf.for %scan3A_6 = %scan3A_1 to %scan3A_3 step %scan3A_4  : i32 {
      %mul3A_7 = arith.constant 6400 : i32
      %mul3A_8 = arith.muli %add3A, %mul3A_7 : i32
      %mul3A_9 = arith.constant 256 : i32
      %mul3A_10 = arith.muli %scan3A_6, %mul3A_9 : i32
      %add3A_11 = arith.addi %mul3A_8, %mul3A_10 : i32
      %mul3A_12 = arith.constant 19 : i32
      %mul3A_13 = arith.muli %add3A_11, %mul3A_12 : i32
      %shift_right_arithmetic3A = arith.constant 7 : i32
      %shift_right_arithmetic3A_14 = arith.shrsi %mul3A_13, %shift_right_arithmetic3A : i32
      %and3A = arith.constant -8 : i32
      %and3A_15 = arith.andi %shift_right_arithmetic3A_14, %and3A : i32
      %min3A = arith.constant 30352 : i32
      %min3A_16 = arith.minsi %and3A_15, %min3A : i32
      %multiple_of3A = tpu.assume_multiple %min3A_16, 8 : i32
      "tpu.region"() ({
        %run_scoped3A = tpu.sem_alloc : memref<!tpu.dma_semaphore, #tpu.memory_space<semaphore_mem>>
        %dma_start3A = arith.constant 0 : i32
        %dma_start3A_24 = tpu.memref_slice %arg3[%multiple_of3A, %dma_start3A] : memref<30400x128xi32, #tpu.memory_space<hbm>> -> memref<48x128xi32, #tpu.memory_space<hbm>>
        %dma_start3A_25 = arith.constant 0 : i32
        %dma_start3A_26 = tpu.memref_slice %arg3[%multiple_of3A, %dma_start3A_25] : memref<30400x128xi32, #tpu.memory_space<hbm>> -> memref<48x128xi32, #tpu.memory_space<hbm>>
        tpu.enqueue_dma source(%dma_start3A_26 : memref<48x128xi32, #tpu.memory_space<hbm>>) target(%arg6 : memref<48x128xi32, #tpu.memory_space<vmem>>) target_semaphore(%run_scoped3A : memref<!tpu.dma_semaphore, #tpu.memory_space<semaphore_mem>>)
        %dma_wait3A = arith.constant 0 : i32
        %dma_wait3A_27 = tpu.memref_slice %arg3[%multiple_of3A, %dma_wait3A] : memref<30400x128xi32, #tpu.memory_space<hbm>> -> memref<48x128xi32, #tpu.memory_space<hbm>>
        %dma_wait3A_28 = arith.constant 0 : i32
        %dma_wait3A_29 = tpu.memref_slice %arg3[%multiple_of3A, %dma_wait3A_28] : memref<30400x128xi32, #tpu.memory_space<hbm>> -> memref<48x128xi32, #tpu.memory_space<hbm>>
        tpu.wait_dma2 semaphore(%run_scoped3A : memref<!tpu.dma_semaphore, #tpu.memory_space<semaphore_mem>>) src(%dma_wait3A_29 : memref<48x128xi32, #tpu.memory_space<hbm>>) dst(%arg6 : memref<48x128xi32, #tpu.memory_space<vmem>>)
        tpu.yield
      }) : () -> ()
      %shift_left3A = arith.constant 7 : i32
      %shift_left3A_17 = arith.shli %multiple_of3A, %shift_left3A : i32
      %sub3A = arith.subi %mul3A_13, %shift_left3A_17 : i32
      %scan3A_18 = arith.constant 0 : i32
      %scan3A_19 = arith.constant 0 : i32
      %scan3A_20 = arith.constant 16 : i32
      %scan3A_21 = arith.addi %scan3A_19, %scan3A_20 : i32
      %scan3A_22 = arith.constant 1 : i32
      scf.for %scan3A_24 = %scan3A_19 to %scan3A_21 step %scan3A_22  : i32 {
        %mul3A_25 = arith.constant 16 : i32
        %mul3A_26 = arith.muli %scan3A_24, %mul3A_25 : i32
        %add3A_27 = vector.broadcast %mul3A_26 : i32 to vector<16xi32>
        %add3A_28 = arith.addi %iota3A, %add3A_27 : vector<16xi32>
        %mul3A_29 = arith.constant 19 : i32
        %mul3A_30 = vector.broadcast %mul3A_29 : i32 to vector<16xi32>
        %mul3A_31 = arith.muli %add3A_28, %mul3A_30 : vector<16xi32>
        %add3A_32 = vector.broadcast %sub3A : i32 to vector<16xi32>
        %add3A_33 = arith.addi %mul3A_31, %add3A_32 : vector<16xi32>
        %add3A_34 = arith.constant 0 : i32
        %add3A_35 = vector.broadcast %add3A_34 : i32 to vector<16xi32>
        %add3A_36 = arith.addi %add3A_33, %add3A_35 : vector<16xi32>
        %shift_right_arithmetic3A_37 = arith.constant 7 : i32
        %shift_right_arithmetic3A_38 = vector.broadcast %shift_right_arithmetic3A_37 : i32 to vector<16xi32>
        %shift_right_arithmetic3A_39 = arith.shrsi %add3A_36, %shift_right_arithmetic3A_38 : vector<16xi32>
        %and3A_40 = arith.constant 127 : i32
        %and3A_41 = vector.broadcast %and3A_40 : i32 to vector<16xi32>
        %and3A_42 = arith.andi %add3A_36, %and3A_41 : vector<16xi32>
        %gather3A = tpu.vector_load_idx %arg6[%shift_right_arithmetic3A_39, %and3A_42] : memref<48x128xi32, #tpu.memory_space<vmem>>[vector<16xi32>, vector<16xi32>], vector<16xi32>,
        %ge3A = arith.constant 0 : i32
        %ge3A_43 = vector.broadcast %ge3A : i32 to vector<16xi32>
        %ge3A_44 = arith.cmpi sge, %gather3A, %ge3A_43 : vector<16xi32>
        %convert_element_type3A = arith.extui %ge3A_44 : vector<16xi1> to vector<16xi32>
        %add3A_45 = arith.constant 2 : i32
        %add3A_46 = vector.broadcast %add3A_45 : i32 to vector<16xi32>
        %add3A_47 = arith.addi %add3A_33, %add3A_46 : vector<16xi32>
        %shift_right_arithmetic3A_48 = arith.constant 7 : i32
        %shift_right_arithmetic3A_49 = vector.broadcast %shift_right_arithmetic3A_48 : i32 to vector<16xi32>
        %shift_right_arithmetic3A_50 = arith.shrsi %add3A_47, %shift_right_arithmetic3A_49 : vector<16xi32>
        %and3A_51 = arith.constant 127 : i32
        %and3A_52 = vector.broadcast %and3A_51 : i32 to vector<16xi32>
        %and3A_53 = arith.andi %add3A_47, %and3A_52 : vector<16xi32>
        %gather3A_54 = tpu.vector_load_idx %arg6[%shift_right_arithmetic3A_50, %and3A_53] : memref<48x128xi32, #tpu.memory_space<vmem>>[vector<16xi32>, vector<16xi32>], vector<16xi32>,
        %add3A_55 = arith.constant 3 : i32
        %add3A_56 = vector.broadcast %add3A_55 : i32 to vector<16xi32>
        %add3A_57 = arith.addi %add3A_33, %add3A_56 : vector<16xi32>
        %shift_right_arithmetic3A_58 = arith.constant 7 : i32
        %shift_right_arithmetic3A_59 = vector.broadcast %shift_right_arithmetic3A_58 : i32 to vector<16xi32>
        %shift_right_arithmetic3A_60 = arith.shrsi %add3A_57, %shift_right_arithmetic3A_59 : vector<16xi32>
        %and3A_61 = arith.constant 127 : i32
        %and3A_62 = vector.broadcast %and3A_61 : i32 to vector<16xi32>
        %and3A_63 = arith.andi %add3A_57, %and3A_62 : vector<16xi32>
        %gather3A_64 = tpu.vector_load_idx %arg6[%shift_right_arithmetic3A_60, %and3A_63] : memref<48x128xi32, #tpu.memory_space<vmem>>[vector<16xi32>, vector<16xi32>], vector<16xi32>,
        %add3A_65 = arith.constant 1024 : i32
        %add3A_66 = vector.broadcast %add3A_65 : i32 to vector<16xi32>
        %add3A_67 = arith.addi %add3A_66, %gather3A_64 : vector<16xi32>
        %add3A_68 = arith.constant 4 : i32
        %add3A_69 = vector.broadcast %add3A_68 : i32 to vector<16xi32>
        %add3A_70 = arith.addi %add3A_33, %add3A_69 : vector<16xi32>
        %shift_right_arithmetic3A_71 = arith.constant 7 : i32
        %shift_right_arithmetic3A_72 = vector.broadcast %shift_right_arithmetic3A_71 : i32 to vector<16xi32>
        %shift_right_arithmetic3A_73 = arith.shrsi %add3A_70, %shift_right_arithmetic3A_72 : vector<16xi32>
        %and3A_74 = arith.constant 127 : i32
        %and3A_75 = vector.broadcast %and3A_74 : i32 to vector<16xi32>
        %and3A_76 = arith.andi %add3A_70, %and3A_75 : vector<16xi32>
        %gather3A_77 = tpu.vector_load_idx %arg6[%shift_right_arithmetic3A_73, %and3A_76] : memref<48x128xi32, #tpu.memory_space<vmem>>[vector<16xi32>, vector<16xi32>], vector<16xi32>,
        %add3A_78 = arith.constant 1536 : i32
        %add3A_79 = vector.broadcast %add3A_78 : i32 to vector<16xi32>
        %add3A_80 = arith.addi %add3A_79, %gather3A_77 : vector<16xi32>
        %add3A_81 = arith.constant 7 : i32
        %add3A_82 = vector.broadcast %add3A_81 : i32 to vector<16xi32>
        %add3A_83 = arith.addi %add3A_33, %add3A_82 : vector<16xi32>
        %shift_right_arithmetic3A_84 = arith.constant 7 : i32
        %shift_right_arithmetic3A_85 = vector.broadcast %shift_right_arithmetic3A_84 : i32 to vector<16xi32>
        %shift_right_arithmetic3A_86 = arith.shrsi %add3A_83, %shift_right_arithmetic3A_85 : vector<16xi32>
        %and3A_87 = arith.constant 127 : i32
        %and3A_88 = vector.broadcast %and3A_87 : i32 to vector<16xi32>
        %and3A_89 = arith.andi %add3A_83, %and3A_88 : vector<16xi32>
        %gather3A_90 = tpu.vector_load_idx %arg6[%shift_right_arithmetic3A_86, %and3A_89] : memref<48x128xi32, #tpu.memory_space<vmem>>[vector<16xi32>, vector<16xi32>], vector<16xi32>,
        %add3A_91 = arith.constant 1920 : i32
        %add3A_92 = vector.broadcast %add3A_91 : i32 to vector<16xi32>
        %add3A_93 = arith.addi %add3A_92, %gather3A_90 : vector<16xi32>
        %add3A_94 = arith.constant 5 : i32
        %add3A_95 = vector.broadcast %add3A_94 : i32 to vector<16xi32>
        %add3A_96 = arith.addi %add3A_33, %add3A_95 : vector<16xi32>
        %shift_right_arithmetic3A_97 = arith.constant 7 : i32
        %shift_right_arithmetic3A_98 = vector.broadcast %shift_right_arithmetic3A_97 : i32 to vector<16xi32>
        %shift_right_arithmetic3A_99 = arith.shrsi %add3A_96, %shift_right_arithmetic3A_98 : vector<16xi32>
        %and3A_100 = arith.constant 127 : i32
        %and3A_101 = vector.broadcast %and3A_100 : i32 to vector<16xi32>
        %and3A_102 = arith.andi %add3A_96, %and3A_101 : vector<16xi32>
        %gather3A_103 = tpu.vector_load_idx %arg6[%shift_right_arithmetic3A_99, %and3A_102] : memref<48x128xi32, #tpu.memory_space<vmem>>[vector<16xi32>, vector<16xi32>], vector<16xi32>,
        %mul3A_104 = arith.constant 16 : i32
        %mul3A_105 = vector.broadcast %mul3A_104 : i32 to vector<16xi32>
        %mul3A_106 = arith.muli %gather3A_103, %mul3A_105 : vector<16xi32>
        %add3A_107 = arith.constant 2048 : i32
        %add3A_108 = vector.broadcast %add3A_107 : i32 to vector<16xi32>
        %add3A_109 = arith.addi %add3A_108, %mul3A_106 : vector<16xi32>
        %add3A_110 = arith.constant 8 : i32
        %add3A_111 = vector.broadcast %add3A_110 : i32 to vector<16xi32>
        %add3A_112 = arith.addi %add3A_33, %add3A_111 : vector<16xi32>
        %shift_right_arithmetic3A_113 = arith.constant 7 : i32
        %shift_right_arithmetic3A_114 = vector.broadcast %shift_right_arithmetic3A_113 : i32 to vector<16xi32>
        %shift_right_arithmetic3A_115 = arith.shrsi %add3A_112, %shift_right_arithmetic3A_114 : vector<16xi32>
        %and3A_116 = arith.constant 127 : i32
        %and3A_117 = vector.broadcast %and3A_116 : i32 to vector<16xi32>
        %and3A_118 = arith.andi %add3A_112, %and3A_117 : vector<16xi32>
        %gather3A_119 = tpu.vector_load_idx %arg6[%shift_right_arithmetic3A_115, %and3A_118] : memref<48x128xi32, #tpu.memory_space<vmem>>[vector<16xi32>, vector<16xi32>], vector<16xi32>,
        %add3A_120 = arith.addi %add3A_109, %gather3A_119 : vector<16xi32>
        %add3A_121 = arith.constant 6 : i32
        %add3A_122 = vector.broadcast %add3A_121 : i32 to vector<16xi32>
        %add3A_123 = arith.addi %add3A_33, %add3A_122 : vector<16xi32>
        %shift_right_arithmetic3A_124 = arith.constant 7 : i32
        %shift_right_arithmetic3A_125 = vector.broadcast %shift_right_arithmetic3A_124 : i32 to vector<16xi32>
        %shift_right_arithmetic3A_126 = arith.shrsi %add3A_123, %shift_right_arithmetic3A_125 : vector<16xi32>
        %and3A_127 = arith.constant 127 : i32
        %and3A_128 = vector.broadcast %and3A_127 : i32 to vector<16xi32>
        %and3A_129 = arith.andi %add3A_123, %and3A_128 : vector<16xi32>
        %gather3A_130 = tpu.vector_load_idx %arg6[%shift_right_arithmetic3A_126, %and3A_129] : memref<48x128xi32, #tpu.memory_space<vmem>>[vector<16xi32>, vector<16xi32>], vector<16xi32>,
        %mul3A_131 = arith.constant 20 : i32
        %mul3A_132 = vector.broadcast %mul3A_131 : i32 to vector<16xi32>
        %mul3A_133 = arith.muli %gather3A_130, %mul3A_132 : vector<16xi32>
        %add3A_134 = arith.constant 2304 : i32
        %add3A_135 = vector.broadcast %add3A_134 : i32 to vector<16xi32>
        %add3A_136 = arith.addi %add3A_135, %mul3A_133 : vector<16xi32>
        %add3A_137 = arith.constant 17 : i32
        %add3A_138 = vector.broadcast %add3A_137 : i32 to vector<16xi32>
        %add3A_139 = arith.addi %add3A_33, %add3A_138 : vector<16xi32>
        %shift_right_arithmetic3A_140 = arith.constant 7 : i32
        %shift_right_arithmetic3A_141 = vector.broadcast %shift_right_arithmetic3A_140 : i32 to vector<16xi32>
        %shift_right_arithmetic3A_142 = arith.shrsi %add3A_139, %shift_right_arithmetic3A_141 : vector<16xi32>
        %and3A_143 = arith.constant 127 : i32
        %and3A_144 = vector.broadcast %and3A_143 : i32 to vector<16xi32>
        %and3A_145 = arith.andi %add3A_139, %and3A_144 : vector<16xi32>
        %gather3A_146 = tpu.vector_load_idx %arg6[%shift_right_arithmetic3A_142, %and3A_145] : memref<48x128xi32, #tpu.memory_space<vmem>>[vector<16xi32>, vector<16xi32>], vector<16xi32>,
        %add3A_147 = arith.addi %add3A_136, %gather3A_146 : vector<16xi32>
        %add3A_148 = arith.constant 9 : i32
        %add3A_149 = vector.broadcast %add3A_148 : i32 to vector<16xi32>
        %add3A_150 = arith.addi %add3A_33, %add3A_149 : vector<16xi32>
        %shift_right_arithmetic3A_151 = arith.constant 7 : i32
        %shift_right_arithmetic3A_152 = vector.broadcast %shift_right_arithmetic3A_151 : i32 to vector<16xi32>
        %shift_right_arithmetic3A_153 = arith.shrsi %add3A_150, %shift_right_arithmetic3A_152 : vector<16xi32>
        %and3A_154 = arith.constant 127 : i32
        %and3A_155 = vector.broadcast %and3A_154 : i32 to vector<16xi32>
        %and3A_156 = arith.andi %add3A_150, %and3A_155 : vector<16xi32>
        %gather3A_157 = tpu.vector_load_idx %arg6[%shift_right_arithmetic3A_153, %and3A_156] : memref<48x128xi32, #tpu.memory_space<vmem>>[vector<16xi32>, vector<16xi32>], vector<16xi32>,
        %add3A_158 = arith.constant 6 : i32
        %add3A_159 = vector.broadcast %add3A_158 : i32 to vector<16xi32>
        %add3A_160 = arith.addi %gather3A_157, %add3A_159 : vector<16xi32>
        %mul3A_161 = arith.constant 13 : i32
        %mul3A_162 = vector.broadcast %mul3A_161 : i32 to vector<16xi32>
        %mul3A_163 = arith.muli %add3A_160, %mul3A_162 : vector<16xi32>
        %add3A_164 = arith.constant 2944 : i32
        %add3A_165 = vector.broadcast %add3A_164 : i32 to vector<16xi32>
        %add3A_166 = arith.addi %add3A_165, %mul3A_163 : vector<16xi32>
        %add3A_167 = arith.constant 10 : i32
        %add3A_168 = vector.broadcast %add3A_167 : i32 to vector<16xi32>
        %add3A_169 = arith.addi %add3A_33, %add3A_168 : vector<16xi32>
        %shift_right_arithmetic3A_170 = arith.constant 7 : i32
        %shift_right_arithmetic3A_171 = vector.broadcast %shift_right_arithmetic3A_170 : i32 to vector<16xi32>
        %shift_right_arithmetic3A_172 = arith.shrsi %add3A_169, %shift_right_arithmetic3A_171 : vector<16xi32>
        %and3A_173 = arith.constant 127 : i32
        %and3A_174 = vector.broadcast %and3A_173 : i32 to vector<16xi32>
        %and3A_175 = arith.andi %add3A_169, %and3A_174 : vector<16xi32>
        %gather3A_176 = tpu.vector_load_idx %arg6[%shift_right_arithmetic3A_172, %and3A_175] : memref<48x128xi32, #tpu.memory_space<vmem>>[vector<16xi32>, vector<16xi32>], vector<16xi32>,
        %add3A_177 = arith.addi %add3A_166, %gather3A_176 : vector<16xi32>
        %add3A_178 = arith.constant 6 : i32
        %add3A_179 = vector.broadcast %add3A_178 : i32 to vector<16xi32>
        %add3A_180 = arith.addi %add3A_177, %add3A_179 : vector<16xi32>
        %add3A_181 = arith.constant 11 : i32
        %add3A_182 = vector.broadcast %add3A_181 : i32 to vector<16xi32>
        %add3A_183 = arith.addi %add3A_33, %add3A_182 : vector<16xi32>
        %shift_right_arithmetic3A_184 = arith.constant 7 : i32
        %shift_right_arithmetic3A_185 = vector.broadcast %shift_right_arithmetic3A_184 : i32 to vector<16xi32>
        %shift_right_arithmetic3A_186 = arith.shrsi %add3A_183, %shift_right_arithmetic3A_185 : vector<16xi32>
        %and3A_187 = arith.constant 127 : i32
        %and3A_188 = vector.broadcast %and3A_187 : i32 to vector<16xi32>
        %and3A_189 = arith.andi %add3A_183, %and3A_188 : vector<16xi32>
        %gather3A_190 = tpu.vector_load_idx %arg6[%shift_right_arithmetic3A_186, %and3A_189] : memref<48x128xi32, #tpu.memory_space<vmem>>[vector<16xi32>, vector<16xi32>], vector<16xi32>,
        %add3A_191 = arith.constant 6 : i32
        %add3A_192 = vector.broadcast %add3A_191 : i32 to vector<16xi32>
        %add3A_193 = arith.addi %gather3A_190, %add3A_192 : vector<16xi32>
        %mul3A_194 = arith.constant 13 : i32
        %mul3A_195 = vector.broadcast %mul3A_194 : i32 to vector<16xi32>
        %mul3A_196 = arith.muli %add3A_193, %mul3A_195 : vector<16xi32>
        %add3A_197 = arith.constant 3113 : i32
        %add3A_198 = vector.broadcast %add3A_197 : i32 to vector<16xi32>
        %add3A_199 = arith.addi %add3A_198, %mul3A_196 : vector<16xi32>
        %add3A_200 = arith.constant 12 : i32
        %add3A_201 = vector.broadcast %add3A_200 : i32 to vector<16xi32>
        %add3A_202 = arith.addi %add3A_33, %add3A_201 : vector<16xi32>
        %shift_right_arithmetic3A_203 = arith.constant 7 : i32
        %shift_right_arithmetic3A_204 = vector.broadcast %shift_right_arithmetic3A_203 : i32 to vector<16xi32>
        %shift_right_arithmetic3A_205 = arith.shrsi %add3A_202, %shift_right_arithmetic3A_204 : vector<16xi32>
        %and3A_206 = arith.constant 127 : i32
        %and3A_207 = vector.broadcast %and3A_206 : i32 to vector<16xi32>
        %and3A_208 = arith.andi %add3A_202, %and3A_207 : vector<16xi32>
        %gather3A_209 = tpu.vector_load_idx %arg6[%shift_right_arithmetic3A_205, %and3A_208] : memref<48x128xi32, #tpu.memory_space<vmem>>[vector<16xi32>, vector<16xi32>], vector<16xi32>,
        %add3A_210 = arith.addi %add3A_199, %gather3A_209 : vector<16xi32>
        %add3A_211 = arith.constant 6 : i32
        %add3A_212 = vector.broadcast %add3A_211 : i32 to vector<16xi32>
        %add3A_213 = arith.addi %add3A_210, %add3A_212 : vector<16xi32>
        %add3A_214 = arith.constant 13 : i32
        %add3A_215 = vector.broadcast %add3A_214 : i32 to vector<16xi32>
        %add3A_216 = arith.addi %add3A_33, %add3A_215 : vector<16xi32>
        %shift_right_arithmetic3A_217 = arith.constant 7 : i32
        %shift_right_arithmetic3A_218 = vector.broadcast %shift_right_arithmetic3A_217 : i32 to vector<16xi32>
        %shift_right_arithmetic3A_219 = arith.shrsi %add3A_216, %shift_right_arithmetic3A_218 : vector<16xi32>
        %and3A_220 = arith.constant 127 : i32
        %and3A_221 = vector.broadcast %and3A_220 : i32 to vector<16xi32>
        %and3A_222 = arith.andi %add3A_216, %and3A_221 : vector<16xi32>
        %gather3A_223 = tpu.vector_load_idx %arg6[%shift_right_arithmetic3A_219, %and3A_222] : memref<48x128xi32, #tpu.memory_space<vmem>>[vector<16xi32>, vector<16xi32>], vector<16xi32>,
        %add3A_224 = arith.constant 6 : i32
        %add3A_225 = vector.broadcast %add3A_224 : i32 to vector<16xi32>
        %add3A_226 = arith.addi %gather3A_223, %add3A_225 : vector<16xi32>
        %mul3A_227 = arith.constant 13 : i32
        %mul3A_228 = vector.broadcast %mul3A_227 : i32 to vector<16xi32>
        %mul3A_229 = arith.muli %add3A_226, %mul3A_228 : vector<16xi32>
        %add3A_230 = arith.constant 3282 : i32
        %add3A_231 = vector.broadcast %add3A_230 : i32 to vector<16xi32>
        %add3A_232 = arith.addi %add3A_231, %mul3A_229 : vector<16xi32>
        %add3A_233 = arith.constant 14 : i32
        %add3A_234 = vector.broadcast %add3A_233 : i32 to vector<16xi32>
        %add3A_235 = arith.addi %add3A_33, %add3A_234 : vector<16xi32>
        %shift_right_arithmetic3A_236 = arith.constant 7 : i32
        %shift_right_arithmetic3A_237 = vector.broadcast %shift_right_arithmetic3A_236 : i32 to vector<16xi32>
        %shift_right_arithmetic3A_238 = arith.shrsi %add3A_235, %shift_right_arithmetic3A_237 : vector<16xi32>
        %and3A_239 = arith.constant 127 : i32
        %and3A_240 = vector.broadcast %and3A_239 : i32 to vector<16xi32>
        %and3A_241 = arith.andi %add3A_235, %and3A_240 : vector<16xi32>
        %gather3A_242 = tpu.vector_load_idx %arg6[%shift_right_arithmetic3A_238, %and3A_241] : memref<48x128xi32, #tpu.memory_space<vmem>>[vector<16xi32>, vector<16xi32>], vector<16xi32>,
        %add3A_243 = arith.addi %add3A_232, %gather3A_242 : vector<16xi32>
        %add3A_244 = arith.constant 6 : i32
        %add3A_245 = vector.broadcast %add3A_244 : i32 to vector<16xi32>
        %add3A_246 = arith.addi %add3A_243, %add3A_245 : vector<16xi32>
        %add3A_247 = arith.constant 15 : i32
        %add3A_248 = vector.broadcast %add3A_247 : i32 to vector<16xi32>
        %add3A_249 = arith.addi %add3A_33, %add3A_248 : vector<16xi32>
        %shift_right_arithmetic3A_250 = arith.constant 7 : i32
        %shift_right_arithmetic3A_251 = vector.broadcast %shift_right_arithmetic3A_250 : i32 to vector<16xi32>
        %shift_right_arithmetic3A_252 = arith.shrsi %add3A_249, %shift_right_arithmetic3A_251 : vector<16xi32>
        %and3A_253 = arith.constant 127 : i32
        %and3A_254 = vector.broadcast %and3A_253 : i32 to vector<16xi32>
        %and3A_255 = arith.andi %add3A_249, %and3A_254 : vector<16xi32>
        %gather3A_256 = tpu.vector_load_idx %arg6[%shift_right_arithmetic3A_252, %and3A_255] : memref<48x128xi32, #tpu.memory_space<vmem>>[vector<16xi32>, vector<16xi32>], vector<16xi32>,
        %add3A_257 = arith.constant 6 : i32
        %add3A_258 = vector.broadcast %add3A_257 : i32 to vector<16xi32>
        %add3A_259 = arith.addi %gather3A_256, %add3A_258 : vector<16xi32>
        %mul3A_260 = arith.constant 6 : i32
        %mul3A_261 = vector.broadcast %mul3A_260 : i32 to vector<16xi32>
        %mul3A_262 = arith.muli %add3A_259, %mul3A_261 : vector<16xi32>
        %add3A_263 = arith.constant 3451 : i32
        %add3A_264 = vector.broadcast %add3A_263 : i32 to vector<16xi32>
        %add3A_265 = arith.addi %add3A_264, %mul3A_262 : vector<16xi32>
        %add3A_266 = arith.constant 18 : i32
        %add3A_267 = vector.broadcast %add3A_266 : i32 to vector<16xi32>
        %add3A_268 = arith.addi %add3A_33, %add3A_267 : vector<16xi32>
        %shift_right_arithmetic3A_269 = arith.constant 7 : i32
        %shift_right_arithmetic3A_270 = vector.broadcast %shift_right_arithmetic3A_269 : i32 to vector<16xi32>
        %shift_right_arithmetic3A_271 = arith.shrsi %add3A_268, %shift_right_arithmetic3A_270 : vector<16xi32>
        %and3A_272 = arith.constant 127 : i32
        %and3A_273 = vector.broadcast %and3A_272 : i32 to vector<16xi32>
        %and3A_274 = arith.andi %add3A_268, %and3A_273 : vector<16xi32>
        %gather3A_275 = tpu.vector_load_idx %arg6[%shift_right_arithmetic3A_271, %and3A_274] : memref<48x128xi32, #tpu.memory_space<vmem>>[vector<16xi32>, vector<16xi32>], vector<16xi32>,
        %add3A_276 = arith.addi %add3A_265, %gather3A_275 : vector<16xi32>
        %mul3A_277 = arith.constant 3 : i32
        %mul3A_278 = vector.broadcast %mul3A_277 : i32 to vector<16xi32>
        %mul3A_279 = arith.muli %mul3A_278, %convert_element_type3A : vector<16xi32>
        %add3A_280 = arith.addi %add3A_276, %mul3A_279 : vector<16xi32>
        %add3A_281 = arith.constant 16 : i32
        %add3A_282 = vector.broadcast %add3A_281 : i32 to vector<16xi32>
        %add3A_283 = arith.addi %add3A_33, %add3A_282 : vector<16xi32>
        %shift_right_arithmetic3A_284 = arith.constant 7 : i32
        %shift_right_arithmetic3A_285 = vector.broadcast %shift_right_arithmetic3A_284 : i32 to vector<16xi32>
        %shift_right_arithmetic3A_286 = arith.shrsi %add3A_283, %shift_right_arithmetic3A_285 : vector<16xi32>
        %and3A_287 = arith.constant 127 : i32
        %and3A_288 = vector.broadcast %and3A_287 : i32 to vector<16xi32>
        %and3A_289 = arith.andi %add3A_283, %and3A_288 : vector<16xi32>
        %gather3A_290 = tpu.vector_load_idx %arg6[%shift_right_arithmetic3A_286, %and3A_289] : memref<48x128xi32, #tpu.memory_space<vmem>>[vector<16xi32>, vector<16xi32>], vector<16xi32>,
        %add3A_291 = arith.constant 4552 : i32
        %add3A_292 = vector.broadcast %add3A_291 : i32 to vector<16xi32>
        %add3A_293 = arith.addi %add3A_292, %gather3A_290 : vector<16xi32>
        %shift_right_arithmetic3A_294 = arith.constant 3 : i32
        %shift_right_arithmetic3A_295 = vector.broadcast %shift_right_arithmetic3A_294 : i32 to vector<16xi32>
        %shift_right_arithmetic3A_296 = arith.shrsi %gather3A_54, %shift_right_arithmetic3A_295 : vector<16xi32>
        %and3A_297 = arith.constant 7 : i32
        %and3A_298 = vector.broadcast %and3A_297 : i32 to vector<16xi32>
        %and3A_299 = arith.andi %gather3A_54, %and3A_298 : vector<16xi32>
        %shift_left3A_300 = arith.constant 4 : i32
        %shift_left3A_301 = vector.broadcast %shift_left3A_300 : i32 to vector<16xi32>
        %shift_left3A_302 = arith.shli %and3A_299, %shift_left3A_301 : vector<16xi32>
        %and3A_303 = arith.constant 15 : i32
        %and3A_304 = vector.broadcast %and3A_303 : i32 to vector<16xi32>
        %and3A_305 = arith.andi %gather3A_54, %and3A_304 : vector<16xi32>
        %or3A = arith.ori %shift_left3A_302, %and3A_305 : vector<16xi32>
        %shift_right_arithmetic3A_306 = arith.constant 3 : i32
        %shift_right_arithmetic3A_307 = vector.broadcast %shift_right_arithmetic3A_306 : i32 to vector<16xi32>
        %shift_right_arithmetic3A_308 = arith.shrsi %add3A_67, %shift_right_arithmetic3A_307 : vector<16xi32>
        %and3A_309 = arith.constant 7 : i32
        %and3A_310 = vector.broadcast %and3A_309 : i32 to vector<16xi32>
        %and3A_311 = arith.andi %add3A_67, %and3A_310 : vector<16xi32>
        %shift_left3A_312 = arith.constant 4 : i32
        %shift_left3A_313 = vector.broadcast %shift_left3A_312 : i32 to vector<16xi32>
        %shift_left3A_314 = arith.shli %and3A_311, %shift_left3A_313 : vector<16xi32>
        %and3A_315 = arith.constant 15 : i32
        %and3A_316 = vector.broadcast %and3A_315 : i32 to vector<16xi32>
        %and3A_317 = arith.andi %add3A_67, %and3A_316 : vector<16xi32>
        %or3A_318 = arith.ori %shift_left3A_314, %and3A_317 : vector<16xi32>
        %shift_right_arithmetic3A_319 = arith.constant 3 : i32
        %shift_right_arithmetic3A_320 = vector.broadcast %shift_right_arithmetic3A_319 : i32 to vector<16xi32>
        %shift_right_arithmetic3A_321 = arith.shrsi %add3A_80, %shift_right_arithmetic3A_320 : vector<16xi32>
        %and3A_322 = arith.constant 7 : i32
        %and3A_323 = vector.broadcast %and3A_322 : i32 to vector<16xi32>
        %and3A_324 = arith.andi %add3A_80, %and3A_323 : vector<16xi32>
        %shift_left3A_325 = arith.constant 4 : i32
        %shift_left3A_326 = vector.broadcast %shift_left3A_325 : i32 to vector<16xi32>
        %shift_left3A_327 = arith.shli %and3A_324, %shift_left3A_326 : vector<16xi32>
        %and3A_328 = arith.constant 15 : i32
        %and3A_329 = vector.broadcast %and3A_328 : i32 to vector<16xi32>
        %and3A_330 = arith.andi %add3A_80, %and3A_329 : vector<16xi32>
        %or3A_331 = arith.ori %shift_left3A_327, %and3A_330 : vector<16xi32>
        %shift_right_arithmetic3A_332 = arith.constant 3 : i32
        %shift_right_arithmetic3A_333 = vector.broadcast %shift_right_arithmetic3A_332 : i32 to vector<16xi32>
        %shift_right_arithmetic3A_334 = arith.shrsi %add3A_93, %shift_right_arithmetic3A_333 : vector<16xi32>
        %and3A_335 = arith.constant 7 : i32
        %and3A_336 = vector.broadcast %and3A_335 : i32 to vector<16xi32>
        %and3A_337 = arith.andi %add3A_93, %and3A_336 : vector<16xi32>
        %shift_left3A_338 = arith.constant 4 : i32
        %shift_left3A_339 = vector.broadcast %shift_left3A_338 : i32 to vector<16xi32>
        %shift_left3A_340 = arith.shli %and3A_337, %shift_left3A_339 : vector<16xi32>
        %and3A_341 = arith.constant 15 : i32
        %and3A_342 = vector.broadcast %and3A_341 : i32 to vector<16xi32>
        %and3A_343 = arith.andi %add3A_93, %and3A_342 : vector<16xi32>
        %or3A_344 = arith.ori %shift_left3A_340, %and3A_343 : vector<16xi32>
        %shift_right_arithmetic3A_345 = arith.constant 3 : i32
        %shift_right_arithmetic3A_346 = vector.broadcast %shift_right_arithmetic3A_345 : i32 to vector<16xi32>
        %shift_right_arithmetic3A_347 = arith.shrsi %add3A_120, %shift_right_arithmetic3A_346 : vector<16xi32>
        %and3A_348 = arith.constant 7 : i32
        %and3A_349 = vector.broadcast %and3A_348 : i32 to vector<16xi32>
        %and3A_350 = arith.andi %add3A_120, %and3A_349 : vector<16xi32>
        %shift_left3A_351 = arith.constant 4 : i32
        %shift_left3A_352 = vector.broadcast %shift_left3A_351 : i32 to vector<16xi32>
        %shift_left3A_353 = arith.shli %and3A_350, %shift_left3A_352 : vector<16xi32>
        %and3A_354 = arith.constant 15 : i32
        %and3A_355 = vector.broadcast %and3A_354 : i32 to vector<16xi32>
        %and3A_356 = arith.andi %add3A_120, %and3A_355 : vector<16xi32>
        %or3A_357 = arith.ori %shift_left3A_353, %and3A_356 : vector<16xi32>
        %shift_right_arithmetic3A_358 = arith.constant 3 : i32
        %shift_right_arithmetic3A_359 = vector.broadcast %shift_right_arithmetic3A_358 : i32 to vector<16xi32>
        %shift_right_arithmetic3A_360 = arith.shrsi %add3A_147, %shift_right_arithmetic3A_359 : vector<16xi32>
        %and3A_361 = arith.constant 7 : i32
        %and3A_362 = vector.broadcast %and3A_361 : i32 to vector<16xi32>
        %and3A_363 = arith.andi %add3A_147, %and3A_362 : vector<16xi32>
        %shift_left3A_364 = arith.constant 4 : i32
        %shift_left3A_365 = vector.broadcast %shift_left3A_364 : i32 to vector<16xi32>
        %shift_left3A_366 = arith.shli %and3A_363, %shift_left3A_365 : vector<16xi32>
        %and3A_367 = arith.constant 15 : i32
        %and3A_368 = vector.broadcast %and3A_367 : i32 to vector<16xi32>
        %and3A_369 = arith.andi %add3A_147, %and3A_368 : vector<16xi32>
        %or3A_370 = arith.ori %shift_left3A_366, %and3A_369 : vector<16xi32>
        %shift_right_arithmetic3A_371 = arith.constant 3 : i32
        %shift_right_arithmetic3A_372 = vector.broadcast %shift_right_arithmetic3A_371 : i32 to vector<16xi32>
        %shift_right_arithmetic3A_373 = arith.shrsi %add3A_180, %shift_right_arithmetic3A_372 : vector<16xi32>
        %and3A_374 = arith.constant 7 : i32
        %and3A_375 = vector.broadcast %and3A_374 : i32 to vector<16xi32>
        %and3A_376 = arith.andi %add3A_180, %and3A_375 : vector<16xi32>
        %shift_left3A_377 = arith.constant 4 : i32
        %shift_left3A_378 = vector.broadcast %shift_left3A_377 : i32 to vector<16xi32>
        %shift_left3A_379 = arith.shli %and3A_376, %shift_left3A_378 : vector<16xi32>
        %and3A_380 = arith.constant 15 : i32
        %and3A_381 = vector.broadcast %and3A_380 : i32 to vector<16xi32>
        %and3A_382 = arith.andi %add3A_180, %and3A_381 : vector<16xi32>
        %or3A_383 = arith.ori %shift_left3A_379, %and3A_382 : vector<16xi32>
        %shift_right_arithmetic3A_384 = arith.constant 3 : i32
        %shift_right_arithmetic3A_385 = vector.broadcast %shift_right_arithmetic3A_384 : i32 to vector<16xi32>
        %shift_right_arithmetic3A_386 = arith.shrsi %add3A_213, %shift_right_arithmetic3A_385 : vector<16xi32>
        %and3A_387 = arith.constant 7 : i32
        %and3A_388 = vector.broadcast %and3A_387 : i32 to vector<16xi32>
        %and3A_389 = arith.andi %add3A_213, %and3A_388 : vector<16xi32>
        %shift_left3A_390 = arith.constant 4 : i32
        %shift_left3A_391 = vector.broadcast %shift_left3A_390 : i32 to vector<16xi32>
        %shift_left3A_392 = arith.shli %and3A_389, %shift_left3A_391 : vector<16xi32>
        %and3A_393 = arith.constant 15 : i32
        %and3A_394 = vector.broadcast %and3A_393 : i32 to vector<16xi32>
        %and3A_395 = arith.andi %add3A_213, %and3A_394 : vector<16xi32>
        %or3A_396 = arith.ori %shift_left3A_392, %and3A_395 : vector<16xi32>
        %shift_right_arithmetic3A_397 = arith.constant 3 : i32
        %shift_right_arithmetic3A_398 = vector.broadcast %shift_right_arithmetic3A_397 : i32 to vector<16xi32>
        %shift_right_arithmetic3A_399 = arith.shrsi %add3A_246, %shift_right_arithmetic3A_398 : vector<16xi32>
        %and3A_400 = arith.constant 7 : i32
        %and3A_401 = vector.broadcast %and3A_400 : i32 to vector<16xi32>
        %and3A_402 = arith.andi %add3A_246, %and3A_401 : vector<16xi32>
        %shift_left3A_403 = arith.constant 4 : i32
        %shift_left3A_404 = vector.broadcast %shift_left3A_403 : i32 to vector<16xi32>
        %shift_left3A_405 = arith.shli %and3A_402, %shift_left3A_404 : vector<16xi32>
        %and3A_406 = arith.constant 15 : i32
        %and3A_407 = vector.broadcast %and3A_406 : i32 to vector<16xi32>
        %and3A_408 = arith.andi %add3A_246, %and3A_407 : vector<16xi32>
        %or3A_409 = arith.ori %shift_left3A_405, %and3A_408 : vector<16xi32>
        %shift_right_arithmetic3A_410 = arith.constant 3 : i32
        %shift_right_arithmetic3A_411 = vector.broadcast %shift_right_arithmetic3A_410 : i32 to vector<16xi32>
        %shift_right_arithmetic3A_412 = arith.shrsi %add3A_280, %shift_right_arithmetic3A_411 : vector<16xi32>
        %and3A_413 = arith.constant 7 : i32
        %and3A_414 = vector.broadcast %and3A_413 : i32 to vector<16xi32>
        %and3A_415 = arith.andi %add3A_280, %and3A_414 : vector<16xi32>
        %shift_left3A_416 = arith.constant 4 : i32
        %shift_left3A_417 = vector.broadcast %shift_left3A_416 : i32 to vector<16xi32>
        %shift_left3A_418 = arith.shli %and3A_415, %shift_left3A_417 : vector<16xi32>
        %and3A_419 = arith.constant 15 : i32
        %and3A_420 = vector.broadcast %and3A_419 : i32 to vector<16xi32>
        %and3A_421 = arith.andi %add3A_280, %and3A_420 : vector<16xi32>
        %or3A_422 = arith.ori %shift_left3A_418, %and3A_421 : vector<16xi32>
        %shift_right_arithmetic3A_423 = arith.constant 3 : i32
        %shift_right_arithmetic3A_424 = vector.broadcast %shift_right_arithmetic3A_423 : i32 to vector<16xi32>
        %shift_right_arithmetic3A_425 = arith.shrsi %add3A_293, %shift_right_arithmetic3A_424 : vector<16xi32>
        %and3A_426 = arith.constant 7 : i32
        %and3A_427 = vector.broadcast %and3A_426 : i32 to vector<16xi32>
        %and3A_428 = arith.andi %add3A_293, %and3A_427 : vector<16xi32>
        %shift_left3A_429 = arith.constant 4 : i32
        %shift_left3A_430 = vector.broadcast %shift_left3A_429 : i32 to vector<16xi32>
        %shift_left3A_431 = arith.shli %and3A_428, %shift_left3A_430 : vector<16xi32>
        %and3A_432 = arith.constant 15 : i32
        %and3A_433 = vector.broadcast %and3A_432 : i32 to vector<16xi32>
        %and3A_434 = arith.andi %add3A_293, %and3A_433 : vector<16xi32>
        %or3A_435 = arith.ori %shift_left3A_431, %and3A_434 : vector<16xi32>
        %xor3A = arith.constant 0 : i32
        %xor3A_436 = vector.broadcast %xor3A : i32 to vector<16xi32>
        %xor3A_437 = arith.xori %or3A, %xor3A_436 : vector<16xi32>
        %gather3A_438 = tpu.vector_load_idx %arg5[%shift_right_arithmetic3A_296, %xor3A_437] : memref<697x128xi32, #tpu.memory_space<vmem>>[vector<16xi32>, vector<16xi32>], vector<16xi32>,
        %bitcast3A = vector.bitcast %gather3A_438 : vector<16xi32> to vector<32xbf16>
        %xor3A_439 = arith.constant 0 : i32
        %xor3A_440 = vector.broadcast %xor3A_439 : i32 to vector<16xi32>
        %xor3A_441 = arith.xori %or3A_318, %xor3A_440 : vector<16xi32>
        %gather3A_442 = tpu.vector_load_idx %arg5[%shift_right_arithmetic3A_308, %xor3A_441] : memref<697x128xi32, #tpu.memory_space<vmem>>[vector<16xi32>, vector<16xi32>], vector<16xi32>,
        %bitcast3A_443 = vector.bitcast %gather3A_442 : vector<16xi32> to vector<32xbf16>
        %xor3A_444 = arith.constant 0 : i32
        %xor3A_445 = vector.broadcast %xor3A_444 : i32 to vector<16xi32>
        %xor3A_446 = arith.xori %or3A_331, %xor3A_445 : vector<16xi32>
        %gather3A_447 = tpu.vector_load_idx %arg5[%shift_right_arithmetic3A_321, %xor3A_446] : memref<697x128xi32, #tpu.memory_space<vmem>>[vector<16xi32>, vector<16xi32>], vector<16xi32>,
        %bitcast3A_448 = vector.bitcast %gather3A_447 : vector<16xi32> to vector<32xbf16>
        %xor3A_449 = arith.constant 0 : i32
        %xor3A_450 = vector.broadcast %xor3A_449 : i32 to vector<16xi32>
        %xor3A_451 = arith.xori %or3A_344, %xor3A_450 : vector<16xi32>
        %gather3A_452 = tpu.vector_load_idx %arg5[%shift_right_arithmetic3A_334, %xor3A_451] : memref<697x128xi32, #tpu.memory_space<vmem>>[vector<16xi32>, vector<16xi32>], vector<16xi32>,
        %bitcast3A_453 = vector.bitcast %gather3A_452 : vector<16xi32> to vector<32xbf16>
        %xor3A_454 = arith.constant 0 : i32
        %xor3A_455 = vector.broadcast %xor3A_454 : i32 to vector<16xi32>
        %xor3A_456 = arith.xori %or3A_357, %xor3A_455 : vector<16xi32>
        %gather3A_457 = tpu.vector_load_idx %arg5[%shift_right_arithmetic3A_347, %xor3A_456] : memref<697x128xi32, #tpu.memory_space<vmem>>[vector<16xi32>, vector<16xi32>], vector<16xi32>,
        %bitcast3A_458 = vector.bitcast %gather3A_457 : vector<16xi32> to vector<32xbf16>
        %xor3A_459 = arith.constant 0 : i32
        %xor3A_460 = vector.broadcast %xor3A_459 : i32 to vector<16xi32>
        %xor3A_461 = arith.xori %or3A_370, %xor3A_460 : vector<16xi32>
        %gather3A_462 = tpu.vector_load_idx %arg5[%shift_right_arithmetic3A_360, %xor3A_461] : memref<697x128xi32, #tpu.memory_space<vmem>>[vector<16xi32>, vector<16xi32>], vector<16xi32>,
        %bitcast3A_463 = vector.bitcast %gather3A_462 : vector<16xi32> to vector<32xbf16>
        %xor3A_464 = arith.constant 0 : i32
        %xor3A_465 = vector.broadcast %xor3A_464 : i32 to vector<16xi32>
        %xor3A_466 = arith.xori %or3A_383, %xor3A_465 : vector<16xi32>
        %gather3A_467 = tpu.vector_load_idx %arg5[%shift_right_arithmetic3A_373, %xor3A_466] : memref<697x128xi32, #tpu.memory_space<vmem>>[vector<16xi32>, vector<16xi32>], vector<16xi32>,
        %bitcast3A_468 = vector.bitcast %gather3A_467 : vector<16xi32> to vector<32xbf16>
        %xor3A_469 = arith.constant 0 : i32
        %xor3A_470 = vector.broadcast %xor3A_469 : i32 to vector<16xi32>
        %xor3A_471 = arith.xori %or3A_396, %xor3A_470 : vector<16xi32>
        %gather3A_472 = tpu.vector_load_idx %arg5[%shift_right_arithmetic3A_386, %xor3A_471] : memref<697x128xi32, #tpu.memory_space<vmem>>[vector<16xi32>, vector<16xi32>], vector<16xi32>,
        %bitcast3A_473 = vector.bitcast %gather3A_472 : vector<16xi32> to vector<32xbf16>
        %xor3A_474 = arith.constant 0 : i32
        %xor3A_475 = vector.broadcast %xor3A_474 : i32 to vector<16xi32>
        %xor3A_476 = arith.xori %or3A_409, %xor3A_475 : vector<16xi32>
        %gather3A_477 = tpu.vector_load_idx %arg5[%shift_right_arithmetic3A_399, %xor3A_476] : memref<697x128xi32, #tpu.memory_space<vmem>>[vector<16xi32>, vector<16xi32>], vector<16xi32>,
        %bitcast3A_478 = vector.bitcast %gather3A_477 : vector<16xi32> to vector<32xbf16>
        %xor3A_479 = arith.constant 0 : i32
        %xor3A_480 = vector.broadcast %xor3A_479 : i32 to vector<16xi32>
        %xor3A_481 = arith.xori %or3A_422, %xor3A_480 : vector<16xi32>
        %gather3A_482 = tpu.vector_load_idx %arg5[%shift_right_arithmetic3A_412, %xor3A_481] : memref<697x128xi32, #tpu.memory_space<vmem>>[vector<16xi32>, vector<16xi32>], vector<16xi32>,
        %bitcast3A_483 = vector.bitcast %gather3A_482 : vector<16xi32> to vector<32xbf16>
        %xor3A_484 = arith.constant 0 : i32
        %xor3A_485 = vector.broadcast %xor3A_484 : i32 to vector<16xi32>
        %xor3A_486 = arith.xori %or3A_435, %xor3A_485 : vector<16xi32>
        %gather3A_487 = tpu.vector_load_idx %arg5[%shift_right_arithmetic3A_425, %xor3A_486] : memref<697x128xi32, #tpu.memory_space<vmem>>[vector<16xi32>, vector<16xi32>], vector<16xi32>,
        %bitcast3A_488 = vector.bitcast %gather3A_487 : vector<16xi32> to vector<32xbf16>
        %add3A_489 = arith.addf %bitcast3A, %bitcast3A_443 : vector<32xbf16>
        %add3A_490 = arith.addf %bitcast3A_448, %bitcast3A_453 : vector<32xbf16>
        %add3A_491 = arith.addf %bitcast3A_458, %bitcast3A_463 : vector<32xbf16>
        %add3A_492 = arith.addf %bitcast3A_468, %bitcast3A_473 : vector<32xbf16>
        %add3A_493 = arith.addf %bitcast3A_478, %bitcast3A_483 : vector<32xbf16>
        %add3A_494 = arith.addf %add3A_489, %add3A_490 : vector<32xbf16>
        %add3A_495 = arith.addf %add3A_491, %add3A_492 : vector<32xbf16>
        %add3A_496 = arith.addf %add3A_493, %bitcast3A_488 : vector<32xbf16>
        %add3A_497 = arith.addf %add3A_494, %add3A_495 : vector<32xbf16>
        %add3A_498 = arith.addf %add3A_497, %add3A_496 : vector<32xbf16>
        %bitcast3A_499 = vector.bitcast %add3A_498 : vector<32xbf16> to vector<16xi32>
        %mul3A_500 = arith.constant 16 : i32
        %mul3A_501 = arith.muli %scan3A_24, %mul3A_500 : i32
        %swap3A = arith.constant 0 : i32
        %swap3A_502 = arith.index_cast %swap3A : i32 to index
        %swap3A_503 = arith.index_cast %mul3A_501 : i32 to index
        %swap3A_504 = tpu.vector_load %arg7[%swap3A_502, %swap3A_503] {strides = array<i32>} : memref<16x256xi32, #tpu.memory_space<vmem>>, vector<16xi32>,
        tpu.vector_store %arg7[%swap3A_502, %swap3A_503], %bitcast3A_499 {strides = array<i32>} : memref<16x256xi32, #tpu.memory_space<vmem>>, vector<16xi32>,
        %xor3A_505 = arith.constant 1 : i32
        %xor3A_506 = vector.broadcast %xor3A_505 : i32 to vector<16xi32>
        %xor3A_507 = arith.xori %or3A, %xor3A_506 : vector<16xi32>
        %gather3A_508 = tpu.vector_load_idx %arg5[%shift_right_arithmetic3A_296, %xor3A_507] : memref<697x128xi32, #tpu.memory_space<vmem>>[vector<16xi32>, vector<16xi32>], vector<16xi32>,
        %bitcast3A_509 = vector.bitcast %gather3A_508 : vector<16xi32> to vector<32xbf16>
        %xor3A_510 = arith.constant 1 : i32
        %xor3A_511 = vector.broadcast %xor3A_510 : i32 to vector<16xi32>
        %xor3A_512 = arith.xori %or3A_318, %xor3A_511 : vector<16xi32>
        %gather3A_513 = tpu.vector_load_idx %arg5[%shift_right_arithmetic3A_308, %xor3A_512] : memref<697x128xi32, #tpu.memory_space<vmem>>[vector<16xi32>, vector<16xi32>], vector<16xi32>,
        %bitcast3A_514 = vector.bitcast %gather3A_513 : vector<16xi32> to vector<32xbf16>
        %xor3A_515 = arith.constant 1 : i32
        %xor3A_516 = vector.broadcast %xor3A_515 : i32 to vector<16xi32>
        %xor3A_517 = arith.xori %or3A_331, %xor3A_516 : vector<16xi32>
        %gather3A_518 = tpu.vector_load_idx %arg5[%shift_right_arithmetic3A_321, %xor3A_517] : memref<697x128xi32, #tpu.memory_space<vmem>>[vector<16xi32>, vector<16xi32>], vector<16xi32>,
        %bitcast3A_519 = vector.bitcast %gather3A_518 : vector<16xi32> to vector<32xbf16>
        %xor3A_520 = arith.constant 1 : i32
        %xor3A_521 = vector.broadcast %xor3A_520 : i32 to vector<16xi32>
        %xor3A_522 = arith.xori %or3A_344, %xor3A_521 : vector<16xi32>
        %gather3A_523 = tpu.vector_load_idx %arg5[%shift_right_arithmetic3A_334, %xor3A_522] : memref<697x128xi32, #tpu.memory_space<vmem>>[vector<16xi32>, vector<16xi32>], vector<16xi32>,
        %bitcast3A_524 = vector.bitcast %gather3A_523 : vector<16xi32> to vector<32xbf16>
        %xor3A_525 = arith.constant 1 : i32
        %xor3A_526 = vector.broadcast %xor3A_525 : i32 to vector<16xi32>
        %xor3A_527 = arith.xori %or3A_357, %xor3A_526 : vector<16xi32>
        %gather3A_528 = tpu.vector_load_idx %arg5[%shift_right_arithmetic3A_347, %xor3A_527] : memref<697x128xi32, #tpu.memory_space<vmem>>[vector<16xi32>, vector<16xi32>], vector<16xi32>,
        %bitcast3A_529 = vector.bitcast %gather3A_528 : vector<16xi32> to vector<32xbf16>
        %xor3A_530 = arith.constant 1 : i32
        %xor3A_531 = vector.broadcast %xor3A_530 : i32 to vector<16xi32>
        %xor3A_532 = arith.xori %or3A_370, %xor3A_531 : vector<16xi32>
        %gather3A_533 = tpu.vector_load_idx %arg5[%shift_right_arithmetic3A_360, %xor3A_532] : memref<697x128xi32, #tpu.memory_space<vmem>>[vector<16xi32>, vector<16xi32>], vector<16xi32>,
        %bitcast3A_534 = vector.bitcast %gather3A_533 : vector<16xi32> to vector<32xbf16>
        %xor3A_535 = arith.constant 1 : i32
        %xor3A_536 = vector.broadcast %xor3A_535 : i32 to vector<16xi32>
        %xor3A_537 = arith.xori %or3A_383, %xor3A_536 : vector<16xi32>
        %gather3A_538 = tpu.vector_load_idx %arg5[%shift_right_arithmetic3A_373, %xor3A_537] : memref<697x128xi32, #tpu.memory_space<vmem>>[vector<16xi32>, vector<16xi32>], vector<16xi32>,
        %bitcast3A_539 = vector.bitcast %gather3A_538 : vector<16xi32> to vector<32xbf16>
        %xor3A_540 = arith.constant 1 : i32
        %xor3A_541 = vector.broadcast %xor3A_540 : i32 to vector<16xi32>
        %xor3A_542 = arith.xori %or3A_396, %xor3A_541 : vector<16xi32>
        %gather3A_543 = tpu.vector_load_idx %arg5[%shift_right_arithmetic3A_386, %xor3A_542] : memref<697x128xi32, #tpu.memory_space<vmem>>[vector<16xi32>, vector<16xi32>], vector<16xi32>,
        %bitcast3A_544 = vector.bitcast %gather3A_543 : vector<16xi32> to vector<32xbf16>
        %xor3A_545 = arith.constant 1 : i32
        %xor3A_546 = vector.broadcast %xor3A_545 : i32 to vector<16xi32>
        %xor3A_547 = arith.xori %or3A_409, %xor3A_546 : vector<16xi32>
        %gather3A_548 = tpu.vector_load_idx %arg5[%shift_right_arithmetic3A_399, %xor3A_547] : memref<697x128xi32, #tpu.memory_space<vmem>>[vector<16xi32>, vector<16xi32>], vector<16xi32>,
        %bitcast3A_549 = vector.bitcast %gather3A_548 : vector<16xi32> to vector<32xbf16>
        %xor3A_550 = arith.constant 1 : i32
        %xor3A_551 = vector.broadcast %xor3A_550 : i32 to vector<16xi32>
        %xor3A_552 = arith.xori %or3A_422, %xor3A_551 : vector<16xi32>
        %gather3A_553 = tpu.vector_load_idx %arg5[%shift_right_arithmetic3A_412, %xor3A_552] : memref<697x128xi32, #tpu.memory_space<vmem>>[vector<16xi32>, vector<16xi32>], vector<16xi32>,
        %bitcast3A_554 = vector.bitcast %gather3A_553 : vector<16xi32> to vector<32xbf16>
        %xor3A_555 = arith.constant 1 : i32
        %xor3A_556 = vector.broadcast %xor3A_555 : i32 to vector<16xi32>
        %xor3A_557 = arith.xori %or3A_435, %xor3A_556 : vector<16xi32>
        %gather3A_558 = tpu.vector_load_idx %arg5[%shift_right_arithmetic3A_425, %xor3A_557] : memref<697x128xi32, #tpu.memory_space<vmem>>[vector<16xi32>, vector<16xi32>], vector<16xi32>,
        %bitcast3A_559 = vector.bitcast %gather3A_558 : vector<16xi32> to vector<32xbf16>
        %add3A_560 = arith.addf %bitcast3A_509, %bitcast3A_514 : vector<32xbf16>
        %add3A_561 = arith.addf %bitcast3A_519, %bitcast3A_524 : vector<32xbf16>
        %add3A_562 = arith.addf %bitcast3A_529, %bitcast3A_534 : vector<32xbf16>
        %add3A_563 = arith.addf %bitcast3A_539, %bitcast3A_544 : vector<32xbf16>
        %add3A_564 = arith.addf %bitcast3A_549, %bitcast3A_554 : vector<32xbf16>
        %add3A_565 = arith.addf %add3A_560, %add3A_561 : vector<32xbf16>
        %add3A_566 = arith.addf %add3A_562, %add3A_563 : vector<32xbf16>
        %add3A_567 = arith.addf %add3A_564, %bitcast3A_559 : vector<32xbf16>
        %add3A_568 = arith.addf %add3A_565, %add3A_566 : vector<32xbf16>
        %add3A_569 = arith.addf %add3A_568, %add3A_567 : vector<32xbf16>
        %bitcast3A_570 = vector.bitcast %add3A_569 : vector<32xbf16> to vector<16xi32>
        %mul3A_571 = arith.constant 16 : i32
        %mul3A_572 = arith.muli %scan3A_24, %mul3A_571 : i32
        %swap3A_573 = arith.constant 1 : i32
        %swap3A_574 = arith.index_cast %swap3A_573 : i32 to index
        %swap3A_575 = arith.index_cast %mul3A_572 : i32 to index
        %swap3A_576 = tpu.vector_load %arg7[%swap3A_574, %swap3A_575] {strides = array<i32>} : memref<16x256xi32, #tpu.memory_space<vmem>>, vector<16xi32>,
        tpu.vector_store %arg7[%swap3A_574, %swap3A_575], %bitcast3A_570 {strides = array<i32>} : memref<16x256xi32, #tpu.memory_space<vmem>>, vector<16xi32>,
        %xor3A_577 = arith.constant 2 : i32
        %xor3A_578 = vector.broadcast %xor3A_577 : i32 to vector<16xi32>
        %xor3A_579 = arith.xori %or3A, %xor3A_578 : vector<16xi32>
        %gather3A_580 = tpu.vector_load_idx %arg5[%shift_right_arithmetic3A_296, %xor3A_579] : memref<697x128xi32, #tpu.memory_space<vmem>>[vector<16xi32>, vector<16xi32>], vector<16xi32>,
        %bitcast3A_581 = vector.bitcast %gather3A_580 : vector<16xi32> to vector<32xbf16>
        %xor3A_582 = arith.constant 2 : i32
        %xor3A_583 = vector.broadcast %xor3A_582 : i32 to vector<16xi32>
        %xor3A_584 = arith.xori %or3A_318, %xor3A_583 : vector<16xi32>
        %gather3A_585 = tpu.vector_load_idx %arg5[%shift_right_arithmetic3A_308, %xor3A_584] : memref<697x128xi32, #tpu.memory_space<vmem>>[vector<16xi32>, vector<16xi32>], vector<16xi32>,
        %bitcast3A_586 = vector.bitcast %gather3A_585 : vector<16xi32> to vector<32xbf16>
        %xor3A_587 = arith.constant 2 : i32
        %xor3A_588 = vector.broadcast %xor3A_587 : i32 to vector<16xi32>
        %xor3A_589 = arith.xori %or3A_331, %xor3A_588 : vector<16xi32>
        %gather3A_590 = tpu.vector_load_idx %arg5[%shift_right_arithmetic3A_321, %xor3A_589] : memref<697x128xi32, #tpu.memory_space<vmem>>[vector<16xi32>, vector<16xi32>], vector<16xi32>,
        %bitcast3A_591 = vector.bitcast %gather3A_590 : vector<16xi32> to vector<32xbf16>
        %xor3A_592 = arith.constant 2 : i32
        %xor3A_593 = vector.broadcast %xor3A_592 : i32 to vector<16xi32>
        %xor3A_594 = arith.xori %or3A_344, %xor3A_593 : vector<16xi32>
        %gather3A_595 = tpu.vector_load_idx %arg5[%shift_right_arithmetic3A_334, %xor3A_594] : memref<697x128xi32, #tpu.memory_space<vmem>>[vector<16xi32>, vector<16xi32>], vector<16xi32>,
        %bitcast3A_596 = vector.bitcast %gather3A_595 : vector<16xi32> to vector<32xbf16>
        %xor3A_597 = arith.constant 2 : i32
        %xor3A_598 = vector.broadcast %xor3A_597 : i32 to vector<16xi32>
        %xor3A_599 = arith.xori %or3A_357, %xor3A_598 : vector<16xi32>
        %gather3A_600 = tpu.vector_load_idx %arg5[%shift_right_arithmetic3A_347, %xor3A_599] : memref<697x128xi32, #tpu.memory_space<vmem>>[vector<16xi32>, vector<16xi32>], vector<16xi32>,
        %bitcast3A_601 = vector.bitcast %gather3A_600 : vector<16xi32> to vector<32xbf16>
        %xor3A_602 = arith.constant 2 : i32
        %xor3A_603 = vector.broadcast %xor3A_602 : i32 to vector<16xi32>
        %xor3A_604 = arith.xori %or3A_370, %xor3A_603 : vector<16xi32>
        %gather3A_605 = tpu.vector_load_idx %arg5[%shift_right_arithmetic3A_360, %xor3A_604] : memref<697x128xi32, #tpu.memory_space<vmem>>[vector<16xi32>, vector<16xi32>], vector<16xi32>,
        %bitcast3A_606 = vector.bitcast %gather3A_605 : vector<16xi32> to vector<32xbf16>
        %xor3A_607 = arith.constant 2 : i32
        %xor3A_608 = vector.broadcast %xor3A_607 : i32 to vector<16xi32>
        %xor3A_609 = arith.xori %or3A_383, %xor3A_608 : vector<16xi32>
        %gather3A_610 = tpu.vector_load_idx %arg5[%shift_right_arithmetic3A_373, %xor3A_609] : memref<697x128xi32, #tpu.memory_space<vmem>>[vector<16xi32>, vector<16xi32>], vector<16xi32>,
        %bitcast3A_611 = vector.bitcast %gather3A_610 : vector<16xi32> to vector<32xbf16>
        %xor3A_612 = arith.constant 2 : i32
        %xor3A_613 = vector.broadcast %xor3A_612 : i32 to vector<16xi32>
        %xor3A_614 = arith.xori %or3A_396, %xor3A_613 : vector<16xi32>
        %gather3A_615 = tpu.vector_load_idx %arg5[%shift_right_arithmetic3A_386, %xor3A_614] : memref<697x128xi32, #tpu.memory_space<vmem>>[vector<16xi32>, vector<16xi32>], vector<16xi32>,
        %bitcast3A_616 = vector.bitcast %gather3A_615 : vector<16xi32> to vector<32xbf16>
        %xor3A_617 = arith.constant 2 : i32
        %xor3A_618 = vector.broadcast %xor3A_617 : i32 to vector<16xi32>
        %xor3A_619 = arith.xori %or3A_409, %xor3A_618 : vector<16xi32>
        %gather3A_620 = tpu.vector_load_idx %arg5[%shift_right_arithmetic3A_399, %xor3A_619] : memref<697x128xi32, #tpu.memory_space<vmem>>[vector<16xi32>, vector<16xi32>], vector<16xi32>,
        %bitcast3A_621 = vector.bitcast %gather3A_620 : vector<16xi32> to vector<32xbf16>
        %xor3A_622 = arith.constant 2 : i32
        %xor3A_623 = vector.broadcast %xor3A_622 : i32 to vector<16xi32>
        %xor3A_624 = arith.xori %or3A_422, %xor3A_623 : vector<16xi32>
        %gather3A_625 = tpu.vector_load_idx %arg5[%shift_right_arithmetic3A_412, %xor3A_624] : memref<697x128xi32, #tpu.memory_space<vmem>>[vector<16xi32>, vector<16xi32>], vector<16xi32>,
        %bitcast3A_626 = vector.bitcast %gather3A_625 : vector<16xi32> to vector<32xbf16>
        %xor3A_627 = arith.constant 2 : i32
        %xor3A_628 = vector.broadcast %xor3A_627 : i32 to vector<16xi32>
        %xor3A_629 = arith.xori %or3A_435, %xor3A_628 : vector<16xi32>
        %gather3A_630 = tpu.vector_load_idx %arg5[%shift_right_arithmetic3A_425, %xor3A_629] : memref<697x128xi32, #tpu.memory_space<vmem>>[vector<16xi32>, vector<16xi32>], vector<16xi32>,
        %bitcast3A_631 = vector.bitcast %gather3A_630 : vector<16xi32> to vector<32xbf16>
        %add3A_632 = arith.addf %bitcast3A_581, %bitcast3A_586 : vector<32xbf16>
        %add3A_633 = arith.addf %bitcast3A_591, %bitcast3A_596 : vector<32xbf16>
        %add3A_634 = arith.addf %bitcast3A_601, %bitcast3A_606 : vector<32xbf16>
        %add3A_635 = arith.addf %bitcast3A_611, %bitcast3A_616 : vector<32xbf16>
        %add3A_636 = arith.addf %bitcast3A_621, %bitcast3A_626 : vector<32xbf16>
        %add3A_637 = arith.addf %add3A_632, %add3A_633 : vector<32xbf16>
        %add3A_638 = arith.addf %add3A_634, %add3A_635 : vector<32xbf16>
        %add3A_639 = arith.addf %add3A_636, %bitcast3A_631 : vector<32xbf16>
        %add3A_640 = arith.addf %add3A_637, %add3A_638 : vector<32xbf16>
        %add3A_641 = arith.addf %add3A_640, %add3A_639 : vector<32xbf16>
        %bitcast3A_642 = vector.bitcast %add3A_641 : vector<32xbf16> to vector<16xi32>
        %mul3A_643 = arith.constant 16 : i32
        %mul3A_644 = arith.muli %scan3A_24, %mul3A_643 : i32
        %swap3A_645 = arith.constant 2 : i32
        %swap3A_646 = arith.index_cast %swap3A_645 : i32 to index
        %swap3A_647 = arith.index_cast %mul3A_644 : i32 to index
        %swap3A_648 = tpu.vector_load %arg7[%swap3A_646, %swap3A_647] {strides = array<i32>} : memref<16x256xi32, #tpu.memory_space<vmem>>, vector<16xi32>,
        tpu.vector_store %arg7[%swap3A_646, %swap3A_647], %bitcast3A_642 {strides = array<i32>} : memref<16x256xi32, #tpu.memory_space<vmem>>, vector<16xi32>,
        %xor3A_649 = arith.constant 3 : i32
        %xor3A_650 = vector.broadcast %xor3A_649 : i32 to vector<16xi32>
        %xor3A_651 = arith.xori %or3A, %xor3A_650 : vector<16xi32>
        %gather3A_652 = tpu.vector_load_idx %arg5[%shift_right_arithmetic3A_296, %xor3A_651] : memref<697x128xi32, #tpu.memory_space<vmem>>[vector<16xi32>, vector<16xi32>], vector<16xi32>,
        %bitcast3A_653 = vector.bitcast %gather3A_652 : vector<16xi32> to vector<32xbf16>
        %xor3A_654 = arith.constant 3 : i32
        %xor3A_655 = vector.broadcast %xor3A_654 : i32 to vector<16xi32>
        %xor3A_656 = arith.xori %or3A_318, %xor3A_655 : vector<16xi32>
        %gather3A_657 = tpu.vector_load_idx %arg5[%shift_right_arithmetic3A_308, %xor3A_656] : memref<697x128xi32, #tpu.memory_space<vmem>>[vector<16xi32>, vector<16xi32>], vector<16xi32>,
        %bitcast3A_658 = vector.bitcast %gather3A_657 : vector<16xi32> to vector<32xbf16>
        %xor3A_659 = arith.constant 3 : i32
        %xor3A_660 = vector.broadcast %xor3A_659 : i32 to vector<16xi32>
        %xor3A_661 = arith.xori %or3A_331, %xor3A_660 : vector<16xi32>
        %gather3A_662 = tpu.vector_load_idx %arg5[%shift_right_arithmetic3A_321, %xor3A_661] : memref<697x128xi32, #tpu.memory_space<vmem>>[vector<16xi32>, vector<16xi32>], vector<16xi32>,
        %bitcast3A_663 = vector.bitcast %gather3A_662 : vector<16xi32> to vector<32xbf16>
        %xor3A_664 = arith.constant 3 : i32
        %xor3A_665 = vector.broadcast %xor3A_664 : i32 to vector<16xi32>
        %xor3A_666 = arith.xori %or3A_344, %xor3A_665 : vector<16xi32>
        %gather3A_667 = tpu.vector_load_idx %arg5[%shift_right_arithmetic3A_334, %xor3A_666] : memref<697x128xi32, #tpu.memory_space<vmem>>[vector<16xi32>, vector<16xi32>], vector<16xi32>,
        %bitcast3A_668 = vector.bitcast %gather3A_667 : vector<16xi32> to vector<32xbf16>
        %xor3A_669 = arith.constant 3 : i32
        %xor3A_670 = vector.broadcast %xor3A_669 : i32 to vector<16xi32>
        %xor3A_671 = arith.xori %or3A_357, %xor3A_670 : vector<16xi32>
        %gather3A_672 = tpu.vector_load_idx %arg5[%shift_right_arithmetic3A_347, %xor3A_671] : memref<697x128xi32, #tpu.memory_space<vmem>>[vector<16xi32>, vector<16xi32>], vector<16xi32>,
        %bitcast3A_673 = vector.bitcast %gather3A_672 : vector<16xi32> to vector<32xbf16>
        %xor3A_674 = arith.constant 3 : i32
        %xor3A_675 = vector.broadcast %xor3A_674 : i32 to vector<16xi32>
        %xor3A_676 = arith.xori %or3A_370, %xor3A_675 : vector<16xi32>
        %gather3A_677 = tpu.vector_load_idx %arg5[%shift_right_arithmetic3A_360, %xor3A_676] : memref<697x128xi32, #tpu.memory_space<vmem>>[vector<16xi32>, vector<16xi32>], vector<16xi32>,
        %bitcast3A_678 = vector.bitcast %gather3A_677 : vector<16xi32> to vector<32xbf16>
        %xor3A_679 = arith.constant 3 : i32
        %xor3A_680 = vector.broadcast %xor3A_679 : i32 to vector<16xi32>
        %xor3A_681 = arith.xori %or3A_383, %xor3A_680 : vector<16xi32>
        %gather3A_682 = tpu.vector_load_idx %arg5[%shift_right_arithmetic3A_373, %xor3A_681] : memref<697x128xi32, #tpu.memory_space<vmem>>[vector<16xi32>, vector<16xi32>], vector<16xi32>,
        %bitcast3A_683 = vector.bitcast %gather3A_682 : vector<16xi32> to vector<32xbf16>
        %xor3A_684 = arith.constant 3 : i32
        %xor3A_685 = vector.broadcast %xor3A_684 : i32 to vector<16xi32>
        %xor3A_686 = arith.xori %or3A_396, %xor3A_685 : vector<16xi32>
        %gather3A_687 = tpu.vector_load_idx %arg5[%shift_right_arithmetic3A_386, %xor3A_686] : memref<697x128xi32, #tpu.memory_space<vmem>>[vector<16xi32>, vector<16xi32>], vector<16xi32>,
        %bitcast3A_688 = vector.bitcast %gather3A_687 : vector<16xi32> to vector<32xbf16>
        %xor3A_689 = arith.constant 3 : i32
        %xor3A_690 = vector.broadcast %xor3A_689 : i32 to vector<16xi32>
        %xor3A_691 = arith.xori %or3A_409, %xor3A_690 : vector<16xi32>
        %gather3A_692 = tpu.vector_load_idx %arg5[%shift_right_arithmetic3A_399, %xor3A_691] : memref<697x128xi32, #tpu.memory_space<vmem>>[vector<16xi32>, vector<16xi32>], vector<16xi32>,
        %bitcast3A_693 = vector.bitcast %gather3A_692 : vector<16xi32> to vector<32xbf16>
        %xor3A_694 = arith.constant 3 : i32
        %xor3A_695 = vector.broadcast %xor3A_694 : i32 to vector<16xi32>
        %xor3A_696 = arith.xori %or3A_422, %xor3A_695 : vector<16xi32>
        %gather3A_697 = tpu.vector_load_idx %arg5[%shift_right_arithmetic3A_412, %xor3A_696] : memref<697x128xi32, #tpu.memory_space<vmem>>[vector<16xi32>, vector<16xi32>], vector<16xi32>,
        %bitcast3A_698 = vector.bitcast %gather3A_697 : vector<16xi32> to vector<32xbf16>
        %xor3A_699 = arith.constant 3 : i32
        %xor3A_700 = vector.broadcast %xor3A_699 : i32 to vector<16xi32>
        %xor3A_701 = arith.xori %or3A_435, %xor3A_700 : vector<16xi32>
        %gather3A_702 = tpu.vector_load_idx %arg5[%shift_right_arithmetic3A_425, %xor3A_701] : memref<697x128xi32, #tpu.memory_space<vmem>>[vector<16xi32>, vector<16xi32>], vector<16xi32>,
        %bitcast3A_703 = vector.bitcast %gather3A_702 : vector<16xi32> to vector<32xbf16>
        %add3A_704 = arith.addf %bitcast3A_653, %bitcast3A_658 : vector<32xbf16>
        %add3A_705 = arith.addf %bitcast3A_663, %bitcast3A_668 : vector<32xbf16>
        %add3A_706 = arith.addf %bitcast3A_673, %bitcast3A_678 : vector<32xbf16>
        %add3A_707 = arith.addf %bitcast3A_683, %bitcast3A_688 : vector<32xbf16>
        %add3A_708 = arith.addf %bitcast3A_693, %bitcast3A_698 : vector<32xbf16>
        %add3A_709 = arith.addf %add3A_704, %add3A_705 : vector<32xbf16>
        %add3A_710 = arith.addf %add3A_706, %add3A_707 : vector<32xbf16>
        %add3A_711 = arith.addf %add3A_708, %bitcast3A_703 : vector<32xbf16>
        %add3A_712 = arith.addf %add3A_709, %add3A_710 : vector<32xbf16>
        %add3A_713 = arith.addf %add3A_712, %add3A_711 : vector<32xbf16>
        %bitcast3A_714 = vector.bitcast %add3A_713 : vector<32xbf16> to vector<16xi32>
        %mul3A_715 = arith.constant 16 : i32
        %mul3A_716 = arith.muli %scan3A_24, %mul3A_715 : i32
        %swap3A_717 = arith.constant 3 : i32
        %swap3A_718 = arith.index_cast %swap3A_717 : i32 to index
        %swap3A_719 = arith.index_cast %mul3A_716 : i32 to index
        %swap3A_720 = tpu.vector_load %arg7[%swap3A_718, %swap3A_719] {strides = array<i32>} : memref<16x256xi32, #tpu.memory_space<vmem>>, vector<16xi32>,
        tpu.vector_store %arg7[%swap3A_718, %swap3A_719], %bitcast3A_714 {strides = array<i32>} : memref<16x256xi32, #tpu.memory_space<vmem>>, vector<16xi32>,
        %xor3A_721 = arith.constant 4 : i32
        %xor3A_722 = vector.broadcast %xor3A_721 : i32 to vector<16xi32>
        %xor3A_723 = arith.xori %or3A, %xor3A_722 : vector<16xi32>
        %gather3A_724 = tpu.vector_load_idx %arg5[%shift_right_arithmetic3A_296, %xor3A_723] : memref<697x128xi32, #tpu.memory_space<vmem>>[vector<16xi32>, vector<16xi32>], vector<16xi32>,
        %bitcast3A_725 = vector.bitcast %gather3A_724 : vector<16xi32> to vector<32xbf16>
        %xor3A_726 = arith.constant 4 : i32
        %xor3A_727 = vector.broadcast %xor3A_726 : i32 to vector<16xi32>
        %xor3A_728 = arith.xori %or3A_318, %xor3A_727 : vector<16xi32>
        %gather3A_729 = tpu.vector_load_idx %arg5[%shift_right_arithmetic3A_308, %xor3A_728] : memref<697x128xi32, #tpu.memory_space<vmem>>[vector<16xi32>, vector<16xi32>], vector<16xi32>,
        %bitcast3A_730 = vector.bitcast %gather3A_729 : vector<16xi32> to vector<32xbf16>
        %xor3A_731 = arith.constant 4 : i32
        %xor3A_732 = vector.broadcast %xor3A_731 : i32 to vector<16xi32>
        %xor3A_733 = arith.xori %or3A_331, %xor3A_732 : vector<16xi32>
        %gather3A_734 = tpu.vector_load_idx %arg5[%shift_right_arithmetic3A_321, %xor3A_733] : memref<697x128xi32, #tpu.memory_space<vmem>>[vector<16xi32>, vector<16xi32>], vector<16xi32>,
        %bitcast3A_735 = vector.bitcast %gather3A_734 : vector<16xi32> to vector<32xbf16>
        %xor3A_736 = arith.constant 4 : i32
        %xor3A_737 = vector.broadcast %xor3A_736 : i32 to vector<16xi32>
        %xor3A_738 = arith.xori %or3A_344, %xor3A_737 : vector<16xi32>
        %gather3A_739 = tpu.vector_load_idx %arg5[%shift_right_arithmetic3A_334, %xor3A_738] : memref<697x128xi32, #tpu.memory_space<vmem>>[vector<16xi32>, vector<16xi32>], vector<16xi32>,
        %bitcast3A_740 = vector.bitcast %gather3A_739 : vector<16xi32> to vector<32xbf16>
        %xor3A_741 = arith.constant 4 : i32
        %xor3A_742 = vector.broadcast %xor3A_741 : i32 to vector<16xi32>
        %xor3A_743 = arith.xori %or3A_357, %xor3A_742 : vector<16xi32>
        %gather3A_744 = tpu.vector_load_idx %arg5[%shift_right_arithmetic3A_347, %xor3A_743] : memref<697x128xi32, #tpu.memory_space<vmem>>[vector<16xi32>, vector<16xi32>], vector<16xi32>,
        %bitcast3A_745 = vector.bitcast %gather3A_744 : vector<16xi32> to vector<32xbf16>
        %xor3A_746 = arith.constant 4 : i32
        %xor3A_747 = vector.broadcast %xor3A_746 : i32 to vector<16xi32>
        %xor3A_748 = arith.xori %or3A_370, %xor3A_747 : vector<16xi32>
        %gather3A_749 = tpu.vector_load_idx %arg5[%shift_right_arithmetic3A_360, %xor3A_748] : memref<697x128xi32, #tpu.memory_space<vmem>>[vector<16xi32>, vector<16xi32>], vector<16xi32>,
        %bitcast3A_750 = vector.bitcast %gather3A_749 : vector<16xi32> to vector<32xbf16>
        %xor3A_751 = arith.constant 4 : i32
        %xor3A_752 = vector.broadcast %xor3A_751 : i32 to vector<16xi32>
        %xor3A_753 = arith.xori %or3A_383, %xor3A_752 : vector<16xi32>
        %gather3A_754 = tpu.vector_load_idx %arg5[%shift_right_arithmetic3A_373, %xor3A_753] : memref<697x128xi32, #tpu.memory_space<vmem>>[vector<16xi32>, vector<16xi32>], vector<16xi32>,
        %bitcast3A_755 = vector.bitcast %gather3A_754 : vector<16xi32> to vector<32xbf16>
        %xor3A_756 = arith.constant 4 : i32
        %xor3A_757 = vector.broadcast %xor3A_756 : i32 to vector<16xi32>
        %xor3A_758 = arith.xori %or3A_396, %xor3A_757 : vector<16xi32>
        %gather3A_759 = tpu.vector_load_idx %arg5[%shift_right_arithmetic3A_386, %xor3A_758] : memref<697x128xi32, #tpu.memory_space<vmem>>[vector<16xi32>, vector<16xi32>], vector<16xi32>,
        %bitcast3A_760 = vector.bitcast %gather3A_759 : vector<16xi32> to vector<32xbf16>
        %xor3A_761 = arith.constant 4 : i32
        %xor3A_762 = vector.broadcast %xor3A_761 : i32 to vector<16xi32>
        %xor3A_763 = arith.xori %or3A_409, %xor3A_762 : vector<16xi32>
        %gather3A_764 = tpu.vector_load_idx %arg5[%shift_right_arithmetic3A_399, %xor3A_763] : memref<697x128xi32, #tpu.memory_space<vmem>>[vector<16xi32>, vector<16xi32>], vector<16xi32>,
        %bitcast3A_765 = vector.bitcast %gather3A_764 : vector<16xi32> to vector<32xbf16>
        %xor3A_766 = arith.constant 4 : i32
        %xor3A_767 = vector.broadcast %xor3A_766 : i32 to vector<16xi32>
        %xor3A_768 = arith.xori %or3A_422, %xor3A_767 : vector<16xi32>
        %gather3A_769 = tpu.vector_load_idx %arg5[%shift_right_arithmetic3A_412, %xor3A_768] : memref<697x128xi32, #tpu.memory_space<vmem>>[vector<16xi32>, vector<16xi32>], vector<16xi32>,
        %bitcast3A_770 = vector.bitcast %gather3A_769 : vector<16xi32> to vector<32xbf16>
        %xor3A_771 = arith.constant 4 : i32
        %xor3A_772 = vector.broadcast %xor3A_771 : i32 to vector<16xi32>
        %xor3A_773 = arith.xori %or3A_435, %xor3A_772 : vector<16xi32>
        %gather3A_774 = tpu.vector_load_idx %arg5[%shift_right_arithmetic3A_425, %xor3A_773] : memref<697x128xi32, #tpu.memory_space<vmem>>[vector<16xi32>, vector<16xi32>], vector<16xi32>,
        %bitcast3A_775 = vector.bitcast %gather3A_774 : vector<16xi32> to vector<32xbf16>
        %add3A_776 = arith.addf %bitcast3A_725, %bitcast3A_730 : vector<32xbf16>
        %add3A_777 = arith.addf %bitcast3A_735, %bitcast3A_740 : vector<32xbf16>
        %add3A_778 = arith.addf %bitcast3A_745, %bitcast3A_750 : vector<32xbf16>
        %add3A_779 = arith.addf %bitcast3A_755, %bitcast3A_760 : vector<32xbf16>
        %add3A_780 = arith.addf %bitcast3A_765, %bitcast3A_770 : vector<32xbf16>
        %add3A_781 = arith.addf %add3A_776, %add3A_777 : vector<32xbf16>
        %add3A_782 = arith.addf %add3A_778, %add3A_779 : vector<32xbf16>
        %add3A_783 = arith.addf %add3A_780, %bitcast3A_775 : vector<32xbf16>
        %add3A_784 = arith.addf %add3A_781, %add3A_782 : vector<32xbf16>
        %add3A_785 = arith.addf %add3A_784, %add3A_783 : vector<32xbf16>
        %bitcast3A_786 = vector.bitcast %add3A_785 : vector<32xbf16> to vector<16xi32>
        %mul3A_787 = arith.constant 16 : i32
        %mul3A_788 = arith.muli %scan3A_24, %mul3A_787 : i32
        %swap3A_789 = arith.constant 4 : i32
        %swap3A_790 = arith.index_cast %swap3A_789 : i32 to index
        %swap3A_791 = arith.index_cast %mul3A_788 : i32 to index
        %swap3A_792 = tpu.vector_load %arg7[%swap3A_790, %swap3A_791] {strides = array<i32>} : memref<16x256xi32, #tpu.memory_space<vmem>>, vector<16xi32>,
        tpu.vector_store %arg7[%swap3A_790, %swap3A_791], %bitcast3A_786 {strides = array<i32>} : memref<16x256xi32, #tpu.memory_space<vmem>>, vector<16xi32>,
        %xor3A_793 = arith.constant 5 : i32
        %xor3A_794 = vector.broadcast %xor3A_793 : i32 to vector<16xi32>
        %xor3A_795 = arith.xori %or3A, %xor3A_794 : vector<16xi32>
        %gather3A_796 = tpu.vector_load_idx %arg5[%shift_right_arithmetic3A_296, %xor3A_795] : memref<697x128xi32, #tpu.memory_space<vmem>>[vector<16xi32>, vector<16xi32>], vector<16xi32>,
        %bitcast3A_797 = vector.bitcast %gather3A_796 : vector<16xi32> to vector<32xbf16>
        %xor3A_798 = arith.constant 5 : i32
        %xor3A_799 = vector.broadcast %xor3A_798 : i32 to vector<16xi32>
        %xor3A_800 = arith.xori %or3A_318, %xor3A_799 : vector<16xi32>
        %gather3A_801 = tpu.vector_load_idx %arg5[%shift_right_arithmetic3A_308, %xor3A_800] : memref<697x128xi32, #tpu.memory_space<vmem>>[vector<16xi32>, vector<16xi32>], vector<16xi32>,
        %bitcast3A_802 = vector.bitcast %gather3A_801 : vector<16xi32> to vector<32xbf16>
        %xor3A_803 = arith.constant 5 : i32
        %xor3A_804 = vector.broadcast %xor3A_803 : i32 to vector<16xi32>
        %xor3A_805 = arith.xori %or3A_331, %xor3A_804 : vector<16xi32>
        %gather3A_806 = tpu.vector_load_idx %arg5[%shift_right_arithmetic3A_321, %xor3A_805] : memref<697x128xi32, #tpu.memory_space<vmem>>[vector<16xi32>, vector<16xi32>], vector<16xi32>,
        %bitcast3A_807 = vector.bitcast %gather3A_806 : vector<16xi32> to vector<32xbf16>
        %xor3A_808 = arith.constant 5 : i32
        %xor3A_809 = vector.broadcast %xor3A_808 : i32 to vector<16xi32>
        %xor3A_810 = arith.xori %or3A_344, %xor3A_809 : vector<16xi32>
        %gather3A_811 = tpu.vector_load_idx %arg5[%shift_right_arithmetic3A_334, %xor3A_810] : memref<697x128xi32, #tpu.memory_space<vmem>>[vector<16xi32>, vector<16xi32>], vector<16xi32>,
        %bitcast3A_812 = vector.bitcast %gather3A_811 : vector<16xi32> to vector<32xbf16>
        %xor3A_813 = arith.constant 5 : i32
        %xor3A_814 = vector.broadcast %xor3A_813 : i32 to vector<16xi32>
        %xor3A_815 = arith.xori %or3A_357, %xor3A_814 : vector<16xi32>
        %gather3A_816 = tpu.vector_load_idx %arg5[%shift_right_arithmetic3A_347, %xor3A_815] : memref<697x128xi32, #tpu.memory_space<vmem>>[vector<16xi32>, vector<16xi32>], vector<16xi32>,
        %bitcast3A_817 = vector.bitcast %gather3A_816 : vector<16xi32> to vector<32xbf16>
        %xor3A_818 = arith.constant 5 : i32
        %xor3A_819 = vector.broadcast %xor3A_818 : i32 to vector<16xi32>
        %xor3A_820 = arith.xori %or3A_370, %xor3A_819 : vector<16xi32>
        %gather3A_821 = tpu.vector_load_idx %arg5[%shift_right_arithmetic3A_360, %xor3A_820] : memref<697x128xi32, #tpu.memory_space<vmem>>[vector<16xi32>, vector<16xi32>], vector<16xi32>,
        %bitcast3A_822 = vector.bitcast %gather3A_821 : vector<16xi32> to vector<32xbf16>
        %xor3A_823 = arith.constant 5 : i32
        %xor3A_824 = vector.broadcast %xor3A_823 : i32 to vector<16xi32>
        %xor3A_825 = arith.xori %or3A_383, %xor3A_824 : vector<16xi32>
        %gather3A_826 = tpu.vector_load_idx %arg5[%shift_right_arithmetic3A_373, %xor3A_825] : memref<697x128xi32, #tpu.memory_space<vmem>>[vector<16xi32>, vector<16xi32>], vector<16xi32>,
        %bitcast3A_827 = vector.bitcast %gather3A_826 : vector<16xi32> to vector<32xbf16>
        %xor3A_828 = arith.constant 5 : i32
        %xor3A_829 = vector.broadcast %xor3A_828 : i32 to vector<16xi32>
        %xor3A_830 = arith.xori %or3A_396, %xor3A_829 : vector<16xi32>
        %gather3A_831 = tpu.vector_load_idx %arg5[%shift_right_arithmetic3A_386, %xor3A_830] : memref<697x128xi32, #tpu.memory_space<vmem>>[vector<16xi32>, vector<16xi32>], vector<16xi32>,
        %bitcast3A_832 = vector.bitcast %gather3A_831 : vector<16xi32> to vector<32xbf16>
        %xor3A_833 = arith.constant 5 : i32
        %xor3A_834 = vector.broadcast %xor3A_833 : i32 to vector<16xi32>
        %xor3A_835 = arith.xori %or3A_409, %xor3A_834 : vector<16xi32>
        %gather3A_836 = tpu.vector_load_idx %arg5[%shift_right_arithmetic3A_399, %xor3A_835] : memref<697x128xi32, #tpu.memory_space<vmem>>[vector<16xi32>, vector<16xi32>], vector<16xi32>,
        %bitcast3A_837 = vector.bitcast %gather3A_836 : vector<16xi32> to vector<32xbf16>
        %xor3A_838 = arith.constant 5 : i32
        %xor3A_839 = vector.broadcast %xor3A_838 : i32 to vector<16xi32>
        %xor3A_840 = arith.xori %or3A_422, %xor3A_839 : vector<16xi32>
        %gather3A_841 = tpu.vector_load_idx %arg5[%shift_right_arithmetic3A_412, %xor3A_840] : memref<697x128xi32, #tpu.memory_space<vmem>>[vector<16xi32>, vector<16xi32>], vector<16xi32>,
        %bitcast3A_842 = vector.bitcast %gather3A_841 : vector<16xi32> to vector<32xbf16>
        %xor3A_843 = arith.constant 5 : i32
        %xor3A_844 = vector.broadcast %xor3A_843 : i32 to vector<16xi32>
        %xor3A_845 = arith.xori %or3A_435, %xor3A_844 : vector<16xi32>
        %gather3A_846 = tpu.vector_load_idx %arg5[%shift_right_arithmetic3A_425, %xor3A_845] : memref<697x128xi32, #tpu.memory_space<vmem>>[vector<16xi32>, vector<16xi32>], vector<16xi32>,
        %bitcast3A_847 = vector.bitcast %gather3A_846 : vector<16xi32> to vector<32xbf16>
        %add3A_848 = arith.addf %bitcast3A_797, %bitcast3A_802 : vector<32xbf16>
        %add3A_849 = arith.addf %bitcast3A_807, %bitcast3A_812 : vector<32xbf16>
        %add3A_850 = arith.addf %bitcast3A_817, %bitcast3A_822 : vector<32xbf16>
        %add3A_851 = arith.addf %bitcast3A_827, %bitcast3A_832 : vector<32xbf16>
        %add3A_852 = arith.addf %bitcast3A_837, %bitcast3A_842 : vector<32xbf16>
        %add3A_853 = arith.addf %add3A_848, %add3A_849 : vector<32xbf16>
        %add3A_854 = arith.addf %add3A_850, %add3A_851 : vector<32xbf16>
        %add3A_855 = arith.addf %add3A_852, %bitcast3A_847 : vector<32xbf16>
        %add3A_856 = arith.addf %add3A_853, %add3A_854 : vector<32xbf16>
        %add3A_857 = arith.addf %add3A_856, %add3A_855 : vector<32xbf16>
        %bitcast3A_858 = vector.bitcast %add3A_857 : vector<32xbf16> to vector<16xi32>
        %mul3A_859 = arith.constant 16 : i32
        %mul3A_860 = arith.muli %scan3A_24, %mul3A_859 : i32
        %swap3A_861 = arith.constant 5 : i32
        %swap3A_862 = arith.index_cast %swap3A_861 : i32 to index
        %swap3A_863 = arith.index_cast %mul3A_860 : i32 to index
        %swap3A_864 = tpu.vector_load %arg7[%swap3A_862, %swap3A_863] {strides = array<i32>} : memref<16x256xi32, #tpu.memory_space<vmem>>, vector<16xi32>,
        tpu.vector_store %arg7[%swap3A_862, %swap3A_863], %bitcast3A_858 {strides = array<i32>} : memref<16x256xi32, #tpu.memory_space<vmem>>, vector<16xi32>,
        %xor3A_865 = arith.constant 6 : i32
        %xor3A_866 = vector.broadcast %xor3A_865 : i32 to vector<16xi32>
        %xor3A_867 = arith.xori %or3A, %xor3A_866 : vector<16xi32>
        %gather3A_868 = tpu.vector_load_idx %arg5[%shift_right_arithmetic3A_296, %xor3A_867] : memref<697x128xi32, #tpu.memory_space<vmem>>[vector<16xi32>, vector<16xi32>], vector<16xi32>,
        %bitcast3A_869 = vector.bitcast %gather3A_868 : vector<16xi32> to vector<32xbf16>
        %xor3A_870 = arith.constant 6 : i32
        %xor3A_871 = vector.broadcast %xor3A_870 : i32 to vector<16xi32>
        %xor3A_872 = arith.xori %or3A_318, %xor3A_871 : vector<16xi32>
        %gather3A_873 = tpu.vector_load_idx %arg5[%shift_right_arithmetic3A_308, %xor3A_872] : memref<697x128xi32, #tpu.memory_space<vmem>>[vector<16xi32>, vector<16xi32>], vector<16xi32>,
        %bitcast3A_874 = vector.bitcast %gather3A_873 : vector<16xi32> to vector<32xbf16>
        %xor3A_875 = arith.constant 6 : i32
        %xor3A_876 = vector.broadcast %xor3A_875 : i32 to vector<16xi32>
        %xor3A_877 = arith.xori %or3A_331, %xor3A_876 : vector<16xi32>
        %gather3A_878 = tpu.vector_load_idx %arg5[%shift_right_arithmetic3A_321, %xor3A_877] : memref<697x128xi32, #tpu.memory_space<vmem>>[vector<16xi32>, vector<16xi32>], vector<16xi32>,
        %bitcast3A_879 = vector.bitcast %gather3A_878 : vector<16xi32> to vector<32xbf16>
        %xor3A_880 = arith.constant 6 : i32
        %xor3A_881 = vector.broadcast %xor3A_880 : i32 to vector<16xi32>
        %xor3A_882 = arith.xori %or3A_344, %xor3A_881 : vector<16xi32>
        %gather3A_883 = tpu.vector_load_idx %arg5[%shift_right_arithmetic3A_334, %xor3A_882] : memref<697x128xi32, #tpu.memory_space<vmem>>[vector<16xi32>, vector<16xi32>], vector<16xi32>,
        %bitcast3A_884 = vector.bitcast %gather3A_883 : vector<16xi32> to vector<32xbf16>
        %xor3A_885 = arith.constant 6 : i32
        %xor3A_886 = vector.broadcast %xor3A_885 : i32 to vector<16xi32>
        %xor3A_887 = arith.xori %or3A_357, %xor3A_886 : vector<16xi32>
        %gather3A_888 = tpu.vector_load_idx %arg5[%shift_right_arithmetic3A_347, %xor3A_887] : memref<697x128xi32, #tpu.memory_space<vmem>>[vector<16xi32>, vector<16xi32>], vector<16xi32>,
        %bitcast3A_889 = vector.bitcast %gather3A_888 : vector<16xi32> to vector<32xbf16>
        %xor3A_890 = arith.constant 6 : i32
        %xor3A_891 = vector.broadcast %xor3A_890 : i32 to vector<16xi32>
        %xor3A_892 = arith.xori %or3A_370, %xor3A_891 : vector<16xi32>
        %gather3A_893 = tpu.vector_load_idx %arg5[%shift_right_arithmetic3A_360, %xor3A_892] : memref<697x128xi32, #tpu.memory_space<vmem>>[vector<16xi32>, vector<16xi32>], vector<16xi32>,
        %bitcast3A_894 = vector.bitcast %gather3A_893 : vector<16xi32> to vector<32xbf16>
        %xor3A_895 = arith.constant 6 : i32
        %xor3A_896 = vector.broadcast %xor3A_895 : i32 to vector<16xi32>
        %xor3A_897 = arith.xori %or3A_383, %xor3A_896 : vector<16xi32>
        %gather3A_898 = tpu.vector_load_idx %arg5[%shift_right_arithmetic3A_373, %xor3A_897] : memref<697x128xi32, #tpu.memory_space<vmem>>[vector<16xi32>, vector<16xi32>], vector<16xi32>,
        %bitcast3A_899 = vector.bitcast %gather3A_898 : vector<16xi32> to vector<32xbf16>
        %xor3A_900 = arith.constant 6 : i32
        %xor3A_901 = vector.broadcast %xor3A_900 : i32 to vector<16xi32>
        %xor3A_902 = arith.xori %or3A_396, %xor3A_901 : vector<16xi32>
        %gather3A_903 = tpu.vector_load_idx %arg5[%shift_right_arithmetic3A_386, %xor3A_902] : memref<697x128xi32, #tpu.memory_space<vmem>>[vector<16xi32>, vector<16xi32>], vector<16xi32>,
        %bitcast3A_904 = vector.bitcast %gather3A_903 : vector<16xi32> to vector<32xbf16>
        %xor3A_905 = arith.constant 6 : i32
        %xor3A_906 = vector.broadcast %xor3A_905 : i32 to vector<16xi32>
        %xor3A_907 = arith.xori %or3A_409, %xor3A_906 : vector<16xi32>
        %gather3A_908 = tpu.vector_load_idx %arg5[%shift_right_arithmetic3A_399, %xor3A_907] : memref<697x128xi32, #tpu.memory_space<vmem>>[vector<16xi32>, vector<16xi32>], vector<16xi32>,
        %bitcast3A_909 = vector.bitcast %gather3A_908 : vector<16xi32> to vector<32xbf16>
        %xor3A_910 = arith.constant 6 : i32
        %xor3A_911 = vector.broadcast %xor3A_910 : i32 to vector<16xi32>
        %xor3A_912 = arith.xori %or3A_422, %xor3A_911 : vector<16xi32>
        %gather3A_913 = tpu.vector_load_idx %arg5[%shift_right_arithmetic3A_412, %xor3A_912] : memref<697x128xi32, #tpu.memory_space<vmem>>[vector<16xi32>, vector<16xi32>], vector<16xi32>,
        %bitcast3A_914 = vector.bitcast %gather3A_913 : vector<16xi32> to vector<32xbf16>
        %xor3A_915 = arith.constant 6 : i32
        %xor3A_916 = vector.broadcast %xor3A_915 : i32 to vector<16xi32>
        %xor3A_917 = arith.xori %or3A_435, %xor3A_916 : vector<16xi32>
        %gather3A_918 = tpu.vector_load_idx %arg5[%shift_right_arithmetic3A_425, %xor3A_917] : memref<697x128xi32, #tpu.memory_space<vmem>>[vector<16xi32>, vector<16xi32>], vector<16xi32>,
        %bitcast3A_919 = vector.bitcast %gather3A_918 : vector<16xi32> to vector<32xbf16>
        %add3A_920 = arith.addf %bitcast3A_869, %bitcast3A_874 : vector<32xbf16>
        %add3A_921 = arith.addf %bitcast3A_879, %bitcast3A_884 : vector<32xbf16>
        %add3A_922 = arith.addf %bitcast3A_889, %bitcast3A_894 : vector<32xbf16>
        %add3A_923 = arith.addf %bitcast3A_899, %bitcast3A_904 : vector<32xbf16>
        %add3A_924 = arith.addf %bitcast3A_909, %bitcast3A_914 : vector<32xbf16>
        %add3A_925 = arith.addf %add3A_920, %add3A_921 : vector<32xbf16>
        %add3A_926 = arith.addf %add3A_922, %add3A_923 : vector<32xbf16>
        %add3A_927 = arith.addf %add3A_924, %bitcast3A_919 : vector<32xbf16>
        %add3A_928 = arith.addf %add3A_925, %add3A_926 : vector<32xbf16>
        %add3A_929 = arith.addf %add3A_928, %add3A_927 : vector<32xbf16>
        %bitcast3A_930 = vector.bitcast %add3A_929 : vector<32xbf16> to vector<16xi32>
        %mul3A_931 = arith.constant 16 : i32
        %mul3A_932 = arith.muli %scan3A_24, %mul3A_931 : i32
        %swap3A_933 = arith.constant 6 : i32
        %swap3A_934 = arith.index_cast %swap3A_933 : i32 to index
        %swap3A_935 = arith.index_cast %mul3A_932 : i32 to index
        %swap3A_936 = tpu.vector_load %arg7[%swap3A_934, %swap3A_935] {strides = array<i32>} : memref<16x256xi32, #tpu.memory_space<vmem>>, vector<16xi32>,
        tpu.vector_store %arg7[%swap3A_934, %swap3A_935], %bitcast3A_930 {strides = array<i32>} : memref<16x256xi32, #tpu.memory_space<vmem>>, vector<16xi32>,
        %xor3A_937 = arith.constant 7 : i32
        %xor3A_938 = vector.broadcast %xor3A_937 : i32 to vector<16xi32>
        %xor3A_939 = arith.xori %or3A, %xor3A_938 : vector<16xi32>
        %gather3A_940 = tpu.vector_load_idx %arg5[%shift_right_arithmetic3A_296, %xor3A_939] : memref<697x128xi32, #tpu.memory_space<vmem>>[vector<16xi32>, vector<16xi32>], vector<16xi32>,
        %bitcast3A_941 = vector.bitcast %gather3A_940 : vector<16xi32> to vector<32xbf16>
        %xor3A_942 = arith.constant 7 : i32
        %xor3A_943 = vector.broadcast %xor3A_942 : i32 to vector<16xi32>
        %xor3A_944 = arith.xori %or3A_318, %xor3A_943 : vector<16xi32>
        %gather3A_945 = tpu.vector_load_idx %arg5[%shift_right_arithmetic3A_308, %xor3A_944] : memref<697x128xi32, #tpu.memory_space<vmem>>[vector<16xi32>, vector<16xi32>], vector<16xi32>,
        %bitcast3A_946 = vector.bitcast %gather3A_945 : vector<16xi32> to vector<32xbf16>
        %xor3A_947 = arith.constant 7 : i32
        %xor3A_948 = vector.broadcast %xor3A_947 : i32 to vector<16xi32>
        %xor3A_949 = arith.xori %or3A_331, %xor3A_948 : vector<16xi32>
        %gather3A_950 = tpu.vector_load_idx %arg5[%shift_right_arithmetic3A_321, %xor3A_949] : memref<697x128xi32, #tpu.memory_space<vmem>>[vector<16xi32>, vector<16xi32>], vector<16xi32>,
        %bitcast3A_951 = vector.bitcast %gather3A_950 : vector<16xi32> to vector<32xbf16>
        %xor3A_952 = arith.constant 7 : i32
        %xor3A_953 = vector.broadcast %xor3A_952 : i32 to vector<16xi32>
        %xor3A_954 = arith.xori %or3A_344, %xor3A_953 : vector<16xi32>
        %gather3A_955 = tpu.vector_load_idx %arg5[%shift_right_arithmetic3A_334, %xor3A_954] : memref<697x128xi32, #tpu.memory_space<vmem>>[vector<16xi32>, vector<16xi32>], vector<16xi32>,
        %bitcast3A_956 = vector.bitcast %gather3A_955 : vector<16xi32> to vector<32xbf16>
        %xor3A_957 = arith.constant 7 : i32
        %xor3A_958 = vector.broadcast %xor3A_957 : i32 to vector<16xi32>
        %xor3A_959 = arith.xori %or3A_357, %xor3A_958 : vector<16xi32>
        %gather3A_960 = tpu.vector_load_idx %arg5[%shift_right_arithmetic3A_347, %xor3A_959] : memref<697x128xi32, #tpu.memory_space<vmem>>[vector<16xi32>, vector<16xi32>], vector<16xi32>,
        %bitcast3A_961 = vector.bitcast %gather3A_960 : vector<16xi32> to vector<32xbf16>
        %xor3A_962 = arith.constant 7 : i32
        %xor3A_963 = vector.broadcast %xor3A_962 : i32 to vector<16xi32>
        %xor3A_964 = arith.xori %or3A_370, %xor3A_963 : vector<16xi32>
        %gather3A_965 = tpu.vector_load_idx %arg5[%shift_right_arithmetic3A_360, %xor3A_964] : memref<697x128xi32, #tpu.memory_space<vmem>>[vector<16xi32>, vector<16xi32>], vector<16xi32>,
        %bitcast3A_966 = vector.bitcast %gather3A_965 : vector<16xi32> to vector<32xbf16>
        %xor3A_967 = arith.constant 7 : i32
        %xor3A_968 = vector.broadcast %xor3A_967 : i32 to vector<16xi32>
        %xor3A_969 = arith.xori %or3A_383, %xor3A_968 : vector<16xi32>
        %gather3A_970 = tpu.vector_load_idx %arg5[%shift_right_arithmetic3A_373, %xor3A_969] : memref<697x128xi32, #tpu.memory_space<vmem>>[vector<16xi32>, vector<16xi32>], vector<16xi32>,
        %bitcast3A_971 = vector.bitcast %gather3A_970 : vector<16xi32> to vector<32xbf16>
        %xor3A_972 = arith.constant 7 : i32
        %xor3A_973 = vector.broadcast %xor3A_972 : i32 to vector<16xi32>
        %xor3A_974 = arith.xori %or3A_396, %xor3A_973 : vector<16xi32>
        %gather3A_975 = tpu.vector_load_idx %arg5[%shift_right_arithmetic3A_386, %xor3A_974] : memref<697x128xi32, #tpu.memory_space<vmem>>[vector<16xi32>, vector<16xi32>], vector<16xi32>,
        %bitcast3A_976 = vector.bitcast %gather3A_975 : vector<16xi32> to vector<32xbf16>
        %xor3A_977 = arith.constant 7 : i32
        %xor3A_978 = vector.broadcast %xor3A_977 : i32 to vector<16xi32>
        %xor3A_979 = arith.xori %or3A_409, %xor3A_978 : vector<16xi32>
        %gather3A_980 = tpu.vector_load_idx %arg5[%shift_right_arithmetic3A_399, %xor3A_979] : memref<697x128xi32, #tpu.memory_space<vmem>>[vector<16xi32>, vector<16xi32>], vector<16xi32>,
        %bitcast3A_981 = vector.bitcast %gather3A_980 : vector<16xi32> to vector<32xbf16>
        %xor3A_982 = arith.constant 7 : i32
        %xor3A_983 = vector.broadcast %xor3A_982 : i32 to vector<16xi32>
        %xor3A_984 = arith.xori %or3A_422, %xor3A_983 : vector<16xi32>
        %gather3A_985 = tpu.vector_load_idx %arg5[%shift_right_arithmetic3A_412, %xor3A_984] : memref<697x128xi32, #tpu.memory_space<vmem>>[vector<16xi32>, vector<16xi32>], vector<16xi32>,
        %bitcast3A_986 = vector.bitcast %gather3A_985 : vector<16xi32> to vector<32xbf16>
        %xor3A_987 = arith.constant 7 : i32
        %xor3A_988 = vector.broadcast %xor3A_987 : i32 to vector<16xi32>
        %xor3A_989 = arith.xori %or3A_435, %xor3A_988 : vector<16xi32>
        %gather3A_990 = tpu.vector_load_idx %arg5[%shift_right_arithmetic3A_425, %xor3A_989] : memref<697x128xi32, #tpu.memory_space<vmem>>[vector<16xi32>, vector<16xi32>], vector<16xi32>,
        %bitcast3A_991 = vector.bitcast %gather3A_990 : vector<16xi32> to vector<32xbf16>
        %add3A_992 = arith.addf %bitcast3A_941, %bitcast3A_946 : vector<32xbf16>
        %add3A_993 = arith.addf %bitcast3A_951, %bitcast3A_956 : vector<32xbf16>
        %add3A_994 = arith.addf %bitcast3A_961, %bitcast3A_966 : vector<32xbf16>
        %add3A_995 = arith.addf %bitcast3A_971, %bitcast3A_976 : vector<32xbf16>
        %add3A_996 = arith.addf %bitcast3A_981, %bitcast3A_986 : vector<32xbf16>
        %add3A_997 = arith.addf %add3A_992, %add3A_993 : vector<32xbf16>
        %add3A_998 = arith.addf %add3A_994, %add3A_995 : vector<32xbf16>
        %add3A_999 = arith.addf %add3A_996, %bitcast3A_991 : vector<32xbf16>
        %add3A_1000 = arith.addf %add3A_997, %add3A_998 : vector<32xbf16>
        %add3A_1001 = arith.addf %add3A_1000, %add3A_999 : vector<32xbf16>
        %bitcast3A_1002 = vector.bitcast %add3A_1001 : vector<32xbf16> to vector<16xi32>
        %mul3A_1003 = arith.constant 16 : i32
        %mul3A_1004 = arith.muli %scan3A_24, %mul3A_1003 : i32
        %swap3A_1005 = arith.constant 7 : i32
        %swap3A_1006 = arith.index_cast %swap3A_1005 : i32 to index
        %swap3A_1007 = arith.index_cast %mul3A_1004 : i32 to index
        %swap3A_1008 = tpu.vector_load %arg7[%swap3A_1006, %swap3A_1007] {strides = array<i32>} : memref<16x256xi32, #tpu.memory_space<vmem>>, vector<16xi32>,
        tpu.vector_store %arg7[%swap3A_1006, %swap3A_1007], %bitcast3A_1002 {strides = array<i32>} : memref<16x256xi32, #tpu.memory_space<vmem>>, vector<16xi32>,
        %xor3A_1009 = arith.constant 8 : i32
        %xor3A_1010 = vector.broadcast %xor3A_1009 : i32 to vector<16xi32>
        %xor3A_1011 = arith.xori %or3A, %xor3A_1010 : vector<16xi32>
        %gather3A_1012 = tpu.vector_load_idx %arg5[%shift_right_arithmetic3A_296, %xor3A_1011] : memref<697x128xi32, #tpu.memory_space<vmem>>[vector<16xi32>, vector<16xi32>], vector<16xi32>,
        %bitcast3A_1013 = vector.bitcast %gather3A_1012 : vector<16xi32> to vector<32xbf16>
        %xor3A_1014 = arith.constant 8 : i32
        %xor3A_1015 = vector.broadcast %xor3A_1014 : i32 to vector<16xi32>
        %xor3A_1016 = arith.xori %or3A_318, %xor3A_1015 : vector<16xi32>
        %gather3A_1017 = tpu.vector_load_idx %arg5[%shift_right_arithmetic3A_308, %xor3A_1016] : memref<697x128xi32, #tpu.memory_space<vmem>>[vector<16xi32>, vector<16xi32>], vector<16xi32>,
        %bitcast3A_1018 = vector.bitcast %gather3A_1017 : vector<16xi32> to vector<32xbf16>
        %xor3A_1019 = arith.constant 8 : i32
        %xor3A_1020 = vector.broadcast %xor3A_1019 : i32 to vector<16xi32>
        %xor3A_1021 = arith.xori %or3A_331, %xor3A_1020 : vector<16xi32>
        %gather3A_1022 = tpu.vector_load_idx %arg5[%shift_right_arithmetic3A_321, %xor3A_1021] : memref<697x128xi32, #tpu.memory_space<vmem>>[vector<16xi32>, vector<16xi32>], vector<16xi32>,
        %bitcast3A_1023 = vector.bitcast %gather3A_1022 : vector<16xi32> to vector<32xbf16>
        %xor3A_1024 = arith.constant 8 : i32
        %xor3A_1025 = vector.broadcast %xor3A_1024 : i32 to vector<16xi32>
        %xor3A_1026 = arith.xori %or3A_344, %xor3A_1025 : vector<16xi32>
        %gather3A_1027 = tpu.vector_load_idx %arg5[%shift_right_arithmetic3A_334, %xor3A_1026] : memref<697x128xi32, #tpu.memory_space<vmem>>[vector<16xi32>, vector<16xi32>], vector<16xi32>,
        %bitcast3A_1028 = vector.bitcast %gather3A_1027 : vector<16xi32> to vector<32xbf16>
        %xor3A_1029 = arith.constant 8 : i32
        %xor3A_1030 = vector.broadcast %xor3A_1029 : i32 to vector<16xi32>
        %xor3A_1031 = arith.xori %or3A_357, %xor3A_1030 : vector<16xi32>
        %gather3A_1032 = tpu.vector_load_idx %arg5[%shift_right_arithmetic3A_347, %xor3A_1031] : memref<697x128xi32, #tpu.memory_space<vmem>>[vector<16xi32>, vector<16xi32>], vector<16xi32>,
        %bitcast3A_1033 = vector.bitcast %gather3A_1032 : vector<16xi32> to vector<32xbf16>
        %xor3A_1034 = arith.constant 8 : i32
        %xor3A_1035 = vector.broadcast %xor3A_1034 : i32 to vector<16xi32>
        %xor3A_1036 = arith.xori %or3A_370, %xor3A_1035 : vector<16xi32>
        %gather3A_1037 = tpu.vector_load_idx %arg5[%shift_right_arithmetic3A_360, %xor3A_1036] : memref<697x128xi32, #tpu.memory_space<vmem>>[vector<16xi32>, vector<16xi32>], vector<16xi32>,
        %bitcast3A_1038 = vector.bitcast %gather3A_1037 : vector<16xi32> to vector<32xbf16>
        %xor3A_1039 = arith.constant 8 : i32
        %xor3A_1040 = vector.broadcast %xor3A_1039 : i32 to vector<16xi32>
        %xor3A_1041 = arith.xori %or3A_383, %xor3A_1040 : vector<16xi32>
        %gather3A_1042 = tpu.vector_load_idx %arg5[%shift_right_arithmetic3A_373, %xor3A_1041] : memref<697x128xi32, #tpu.memory_space<vmem>>[vector<16xi32>, vector<16xi32>], vector<16xi32>,
        %bitcast3A_1043 = vector.bitcast %gather3A_1042 : vector<16xi32> to vector<32xbf16>
        %xor3A_1044 = arith.constant 8 : i32
        %xor3A_1045 = vector.broadcast %xor3A_1044 : i32 to vector<16xi32>
        %xor3A_1046 = arith.xori %or3A_396, %xor3A_1045 : vector<16xi32>
        %gather3A_1047 = tpu.vector_load_idx %arg5[%shift_right_arithmetic3A_386, %xor3A_1046] : memref<697x128xi32, #tpu.memory_space<vmem>>[vector<16xi32>, vector<16xi32>], vector<16xi32>,
        %bitcast3A_1048 = vector.bitcast %gather3A_1047 : vector<16xi32> to vector<32xbf16>
        %xor3A_1049 = arith.constant 8 : i32
        %xor3A_1050 = vector.broadcast %xor3A_1049 : i32 to vector<16xi32>
        %xor3A_1051 = arith.xori %or3A_409, %xor3A_1050 : vector<16xi32>
        %gather3A_1052 = tpu.vector_load_idx %arg5[%shift_right_arithmetic3A_399, %xor3A_1051] : memref<697x128xi32, #tpu.memory_space<vmem>>[vector<16xi32>, vector<16xi32>], vector<16xi32>,
        %bitcast3A_1053 = vector.bitcast %gather3A_1052 : vector<16xi32> to vector<32xbf16>
        %xor3A_1054 = arith.constant 8 : i32
        %xor3A_1055 = vector.broadcast %xor3A_1054 : i32 to vector<16xi32>
        %xor3A_1056 = arith.xori %or3A_422, %xor3A_1055 : vector<16xi32>
        %gather3A_1057 = tpu.vector_load_idx %arg5[%shift_right_arithmetic3A_412, %xor3A_1056] : memref<697x128xi32, #tpu.memory_space<vmem>>[vector<16xi32>, vector<16xi32>], vector<16xi32>,
        %bitcast3A_1058 = vector.bitcast %gather3A_1057 : vector<16xi32> to vector<32xbf16>
        %xor3A_1059 = arith.constant 8 : i32
        %xor3A_1060 = vector.broadcast %xor3A_1059 : i32 to vector<16xi32>
        %xor3A_1061 = arith.xori %or3A_435, %xor3A_1060 : vector<16xi32>
        %gather3A_1062 = tpu.vector_load_idx %arg5[%shift_right_arithmetic3A_425, %xor3A_1061] : memref<697x128xi32, #tpu.memory_space<vmem>>[vector<16xi32>, vector<16xi32>], vector<16xi32>,
        %bitcast3A_1063 = vector.bitcast %gather3A_1062 : vector<16xi32> to vector<32xbf16>
        %add3A_1064 = arith.addf %bitcast3A_1013, %bitcast3A_1018 : vector<32xbf16>
        %add3A_1065 = arith.addf %bitcast3A_1023, %bitcast3A_1028 : vector<32xbf16>
        %add3A_1066 = arith.addf %bitcast3A_1033, %bitcast3A_1038 : vector<32xbf16>
        %add3A_1067 = arith.addf %bitcast3A_1043, %bitcast3A_1048 : vector<32xbf16>
        %add3A_1068 = arith.addf %bitcast3A_1053, %bitcast3A_1058 : vector<32xbf16>
        %add3A_1069 = arith.addf %add3A_1064, %add3A_1065 : vector<32xbf16>
        %add3A_1070 = arith.addf %add3A_1066, %add3A_1067 : vector<32xbf16>
        %add3A_1071 = arith.addf %add3A_1068, %bitcast3A_1063 : vector<32xbf16>
        %add3A_1072 = arith.addf %add3A_1069, %add3A_1070 : vector<32xbf16>
        %add3A_1073 = arith.addf %add3A_1072, %add3A_1071 : vector<32xbf16>
        %bitcast3A_1074 = vector.bitcast %add3A_1073 : vector<32xbf16> to vector<16xi32>
        %mul3A_1075 = arith.constant 16 : i32
        %mul3A_1076 = arith.muli %scan3A_24, %mul3A_1075 : i32
        %swap3A_1077 = arith.constant 8 : i32
        %swap3A_1078 = arith.index_cast %swap3A_1077 : i32 to index
        %swap3A_1079 = arith.index_cast %mul3A_1076 : i32 to index
        %swap3A_1080 = tpu.vector_load %arg7[%swap3A_1078, %swap3A_1079] {strides = array<i32>} : memref<16x256xi32, #tpu.memory_space<vmem>>, vector<16xi32>,
        tpu.vector_store %arg7[%swap3A_1078, %swap3A_1079], %bitcast3A_1074 {strides = array<i32>} : memref<16x256xi32, #tpu.memory_space<vmem>>, vector<16xi32>,
        %xor3A_1081 = arith.constant 9 : i32
        %xor3A_1082 = vector.broadcast %xor3A_1081 : i32 to vector<16xi32>
        %xor3A_1083 = arith.xori %or3A, %xor3A_1082 : vector<16xi32>
        %gather3A_1084 = tpu.vector_load_idx %arg5[%shift_right_arithmetic3A_296, %xor3A_1083] : memref<697x128xi32, #tpu.memory_space<vmem>>[vector<16xi32>, vector<16xi32>], vector<16xi32>,
        %bitcast3A_1085 = vector.bitcast %gather3A_1084 : vector<16xi32> to vector<32xbf16>
        %xor3A_1086 = arith.constant 9 : i32
        %xor3A_1087 = vector.broadcast %xor3A_1086 : i32 to vector<16xi32>
        %xor3A_1088 = arith.xori %or3A_318, %xor3A_1087 : vector<16xi32>
        %gather3A_1089 = tpu.vector_load_idx %arg5[%shift_right_arithmetic3A_308, %xor3A_1088] : memref<697x128xi32, #tpu.memory_space<vmem>>[vector<16xi32>, vector<16xi32>], vector<16xi32>,
        %bitcast3A_1090 = vector.bitcast %gather3A_1089 : vector<16xi32> to vector<32xbf16>
        %xor3A_1091 = arith.constant 9 : i32
        %xor3A_1092 = vector.broadcast %xor3A_1091 : i32 to vector<16xi32>
        %xor3A_1093 = arith.xori %or3A_331, %xor3A_1092 : vector<16xi32>
        %gather3A_1094 = tpu.vector_load_idx %arg5[%shift_right_arithmetic3A_321, %xor3A_1093] : memref<697x128xi32, #tpu.memory_space<vmem>>[vector<16xi32>, vector<16xi32>], vector<16xi32>,
        %bitcast3A_1095 = vector.bitcast %gather3A_1094 : vector<16xi32> to vector<32xbf16>
        %xor3A_1096 = arith.constant 9 : i32
        %xor3A_1097 = vector.broadcast %xor3A_1096 : i32 to vector<16xi32>
        %xor3A_1098 = arith.xori %or3A_344, %xor3A_1097 : vector<16xi32>
        %gather3A_1099 = tpu.vector_load_idx %arg5[%shift_right_arithmetic3A_334, %xor3A_1098] : memref<697x128xi32, #tpu.memory_space<vmem>>[vector<16xi32>, vector<16xi32>], vector<16xi32>,
        %bitcast3A_1100 = vector.bitcast %gather3A_1099 : vector<16xi32> to vector<32xbf16>
        %xor3A_1101 = arith.constant 9 : i32
        %xor3A_1102 = vector.broadcast %xor3A_1101 : i32 to vector<16xi32>
        %xor3A_1103 = arith.xori %or3A_357, %xor3A_1102 : vector<16xi32>
        %gather3A_1104 = tpu.vector_load_idx %arg5[%shift_right_arithmetic3A_347, %xor3A_1103] : memref<697x128xi32, #tpu.memory_space<vmem>>[vector<16xi32>, vector<16xi32>], vector<16xi32>,
        %bitcast3A_1105 = vector.bitcast %gather3A_1104 : vector<16xi32> to vector<32xbf16>
        %xor3A_1106 = arith.constant 9 : i32
        %xor3A_1107 = vector.broadcast %xor3A_1106 : i32 to vector<16xi32>
        %xor3A_1108 = arith.xori %or3A_370, %xor3A_1107 : vector<16xi32>
        %gather3A_1109 = tpu.vector_load_idx %arg5[%shift_right_arithmetic3A_360, %xor3A_1108] : memref<697x128xi32, #tpu.memory_space<vmem>>[vector<16xi32>, vector<16xi32>], vector<16xi32>,
        %bitcast3A_1110 = vector.bitcast %gather3A_1109 : vector<16xi32> to vector<32xbf16>
        %xor3A_1111 = arith.constant 9 : i32
        %xor3A_1112 = vector.broadcast %xor3A_1111 : i32 to vector<16xi32>
        %xor3A_1113 = arith.xori %or3A_383, %xor3A_1112 : vector<16xi32>
        %gather3A_1114 = tpu.vector_load_idx %arg5[%shift_right_arithmetic3A_373, %xor3A_1113] : memref<697x128xi32, #tpu.memory_space<vmem>>[vector<16xi32>, vector<16xi32>], vector<16xi32>,
        %bitcast3A_1115 = vector.bitcast %gather3A_1114 : vector<16xi32> to vector<32xbf16>
        %xor3A_1116 = arith.constant 9 : i32
        %xor3A_1117 = vector.broadcast %xor3A_1116 : i32 to vector<16xi32>
        %xor3A_1118 = arith.xori %or3A_396, %xor3A_1117 : vector<16xi32>
        %gather3A_1119 = tpu.vector_load_idx %arg5[%shift_right_arithmetic3A_386, %xor3A_1118] : memref<697x128xi32, #tpu.memory_space<vmem>>[vector<16xi32>, vector<16xi32>], vector<16xi32>,
        %bitcast3A_1120 = vector.bitcast %gather3A_1119 : vector<16xi32> to vector<32xbf16>
        %xor3A_1121 = arith.constant 9 : i32
        %xor3A_1122 = vector.broadcast %xor3A_1121 : i32 to vector<16xi32>
        %xor3A_1123 = arith.xori %or3A_409, %xor3A_1122 : vector<16xi32>
        %gather3A_1124 = tpu.vector_load_idx %arg5[%shift_right_arithmetic3A_399, %xor3A_1123] : memref<697x128xi32, #tpu.memory_space<vmem>>[vector<16xi32>, vector<16xi32>], vector<16xi32>,
        %bitcast3A_1125 = vector.bitcast %gather3A_1124 : vector<16xi32> to vector<32xbf16>
        %xor3A_1126 = arith.constant 9 : i32
        %xor3A_1127 = vector.broadcast %xor3A_1126 : i32 to vector<16xi32>
        %xor3A_1128 = arith.xori %or3A_422, %xor3A_1127 : vector<16xi32>
        %gather3A_1129 = tpu.vector_load_idx %arg5[%shift_right_arithmetic3A_412, %xor3A_1128] : memref<697x128xi32, #tpu.memory_space<vmem>>[vector<16xi32>, vector<16xi32>], vector<16xi32>,
        %bitcast3A_1130 = vector.bitcast %gather3A_1129 : vector<16xi32> to vector<32xbf16>
        %xor3A_1131 = arith.constant 9 : i32
        %xor3A_1132 = vector.broadcast %xor3A_1131 : i32 to vector<16xi32>
        %xor3A_1133 = arith.xori %or3A_435, %xor3A_1132 : vector<16xi32>
        %gather3A_1134 = tpu.vector_load_idx %arg5[%shift_right_arithmetic3A_425, %xor3A_1133] : memref<697x128xi32, #tpu.memory_space<vmem>>[vector<16xi32>, vector<16xi32>], vector<16xi32>,
        %bitcast3A_1135 = vector.bitcast %gather3A_1134 : vector<16xi32> to vector<32xbf16>
        %add3A_1136 = arith.addf %bitcast3A_1085, %bitcast3A_1090 : vector<32xbf16>
        %add3A_1137 = arith.addf %bitcast3A_1095, %bitcast3A_1100 : vector<32xbf16>
        %add3A_1138 = arith.addf %bitcast3A_1105, %bitcast3A_1110 : vector<32xbf16>
        %add3A_1139 = arith.addf %bitcast3A_1115, %bitcast3A_1120 : vector<32xbf16>
        %add3A_1140 = arith.addf %bitcast3A_1125, %bitcast3A_1130 : vector<32xbf16>
        %add3A_1141 = arith.addf %add3A_1136, %add3A_1137 : vector<32xbf16>
        %add3A_1142 = arith.addf %add3A_1138, %add3A_1139 : vector<32xbf16>
        %add3A_1143 = arith.addf %add3A_1140, %bitcast3A_1135 : vector<32xbf16>
        %add3A_1144 = arith.addf %add3A_1141, %add3A_1142 : vector<32xbf16>
        %add3A_1145 = arith.addf %add3A_1144, %add3A_1143 : vector<32xbf16>
        %bitcast3A_1146 = vector.bitcast %add3A_1145 : vector<32xbf16> to vector<16xi32>
        %mul3A_1147 = arith.constant 16 : i32
        %mul3A_1148 = arith.muli %scan3A_24, %mul3A_1147 : i32
        %swap3A_1149 = arith.constant 9 : i32
        %swap3A_1150 = arith.index_cast %swap3A_1149 : i32 to index
        %swap3A_1151 = arith.index_cast %mul3A_1148 : i32 to index
        %swap3A_1152 = tpu.vector_load %arg7[%swap3A_1150, %swap3A_1151] {strides = array<i32>} : memref<16x256xi32, #tpu.memory_space<vmem>>, vector<16xi32>,
        tpu.vector_store %arg7[%swap3A_1150, %swap3A_1151], %bitcast3A_1146 {strides = array<i32>} : memref<16x256xi32, #tpu.memory_space<vmem>>, vector<16xi32>,
        %xor3A_1153 = arith.constant 10 : i32
        %xor3A_1154 = vector.broadcast %xor3A_1153 : i32 to vector<16xi32>
        %xor3A_1155 = arith.xori %or3A, %xor3A_1154 : vector<16xi32>
        %gather3A_1156 = tpu.vector_load_idx %arg5[%shift_right_arithmetic3A_296, %xor3A_1155] : memref<697x128xi32, #tpu.memory_space<vmem>>[vector<16xi32>, vector<16xi32>], vector<16xi32>,
        %bitcast3A_1157 = vector.bitcast %gather3A_1156 : vector<16xi32> to vector<32xbf16>
        %xor3A_1158 = arith.constant 10 : i32
        %xor3A_1159 = vector.broadcast %xor3A_1158 : i32 to vector<16xi32>
        %xor3A_1160 = arith.xori %or3A_318, %xor3A_1159 : vector<16xi32>
        %gather3A_1161 = tpu.vector_load_idx %arg5[%shift_right_arithmetic3A_308, %xor3A_1160] : memref<697x128xi32, #tpu.memory_space<vmem>>[vector<16xi32>, vector<16xi32>], vector<16xi32>,
        %bitcast3A_1162 = vector.bitcast %gather3A_1161 : vector<16xi32> to vector<32xbf16>
        %xor3A_1163 = arith.constant 10 : i32
        %xor3A_1164 = vector.broadcast %xor3A_1163 : i32 to vector<16xi32>
        %xor3A_1165 = arith.xori %or3A_331, %xor3A_1164 : vector<16xi32>
        %gather3A_1166 = tpu.vector_load_idx %arg5[%shift_right_arithmetic3A_321, %xor3A_1165] : memref<697x128xi32, #tpu.memory_space<vmem>>[vector<16xi32>, vector<16xi32>], vector<16xi32>,
        %bitcast3A_1167 = vector.bitcast %gather3A_1166 : vector<16xi32> to vector<32xbf16>
        %xor3A_1168 = arith.constant 10 : i32
        %xor3A_1169 = vector.broadcast %xor3A_1168 : i32 to vector<16xi32>
        %xor3A_1170 = arith.xori %or3A_344, %xor3A_1169 : vector<16xi32>
        %gather3A_1171 = tpu.vector_load_idx %arg5[%shift_right_arithmetic3A_334, %xor3A_1170] : memref<697x128xi32, #tpu.memory_space<vmem>>[vector<16xi32>, vector<16xi32>], vector<16xi32>,
        %bitcast3A_1172 = vector.bitcast %gather3A_1171 : vector<16xi32> to vector<32xbf16>
        %xor3A_1173 = arith.constant 10 : i32
        %xor3A_1174 = vector.broadcast %xor3A_1173 : i32 to vector<16xi32>
        %xor3A_1175 = arith.xori %or3A_357, %xor3A_1174 : vector<16xi32>
        %gather3A_1176 = tpu.vector_load_idx %arg5[%shift_right_arithmetic3A_347, %xor3A_1175] : memref<697x128xi32, #tpu.memory_space<vmem>>[vector<16xi32>, vector<16xi32>], vector<16xi32>,
        %bitcast3A_1177 = vector.bitcast %gather3A_1176 : vector<16xi32> to vector<32xbf16>
        %xor3A_1178 = arith.constant 10 : i32
        %xor3A_1179 = vector.broadcast %xor3A_1178 : i32 to vector<16xi32>
        %xor3A_1180 = arith.xori %or3A_370, %xor3A_1179 : vector<16xi32>
        %gather3A_1181 = tpu.vector_load_idx %arg5[%shift_right_arithmetic3A_360, %xor3A_1180] : memref<697x128xi32, #tpu.memory_space<vmem>>[vector<16xi32>, vector<16xi32>], vector<16xi32>,
        %bitcast3A_1182 = vector.bitcast %gather3A_1181 : vector<16xi32> to vector<32xbf16>
        %xor3A_1183 = arith.constant 10 : i32
        %xor3A_1184 = vector.broadcast %xor3A_1183 : i32 to vector<16xi32>
        %xor3A_1185 = arith.xori %or3A_383, %xor3A_1184 : vector<16xi32>
        %gather3A_1186 = tpu.vector_load_idx %arg5[%shift_right_arithmetic3A_373, %xor3A_1185] : memref<697x128xi32, #tpu.memory_space<vmem>>[vector<16xi32>, vector<16xi32>], vector<16xi32>,
        %bitcast3A_1187 = vector.bitcast %gather3A_1186 : vector<16xi32> to vector<32xbf16>
        %xor3A_1188 = arith.constant 10 : i32
        %xor3A_1189 = vector.broadcast %xor3A_1188 : i32 to vector<16xi32>
        %xor3A_1190 = arith.xori %or3A_396, %xor3A_1189 : vector<16xi32>
        %gather3A_1191 = tpu.vector_load_idx %arg5[%shift_right_arithmetic3A_386, %xor3A_1190] : memref<697x128xi32, #tpu.memory_space<vmem>>[vector<16xi32>, vector<16xi32>], vector<16xi32>,
        %bitcast3A_1192 = vector.bitcast %gather3A_1191 : vector<16xi32> to vector<32xbf16>
        %xor3A_1193 = arith.constant 10 : i32
        %xor3A_1194 = vector.broadcast %xor3A_1193 : i32 to vector<16xi32>
        %xor3A_1195 = arith.xori %or3A_409, %xor3A_1194 : vector<16xi32>
        %gather3A_1196 = tpu.vector_load_idx %arg5[%shift_right_arithmetic3A_399, %xor3A_1195] : memref<697x128xi32, #tpu.memory_space<vmem>>[vector<16xi32>, vector<16xi32>], vector<16xi32>,
        %bitcast3A_1197 = vector.bitcast %gather3A_1196 : vector<16xi32> to vector<32xbf16>
        %xor3A_1198 = arith.constant 10 : i32
        %xor3A_1199 = vector.broadcast %xor3A_1198 : i32 to vector<16xi32>
        %xor3A_1200 = arith.xori %or3A_422, %xor3A_1199 : vector<16xi32>
        %gather3A_1201 = tpu.vector_load_idx %arg5[%shift_right_arithmetic3A_412, %xor3A_1200] : memref<697x128xi32, #tpu.memory_space<vmem>>[vector<16xi32>, vector<16xi32>], vector<16xi32>,
        %bitcast3A_1202 = vector.bitcast %gather3A_1201 : vector<16xi32> to vector<32xbf16>
        %xor3A_1203 = arith.constant 10 : i32
        %xor3A_1204 = vector.broadcast %xor3A_1203 : i32 to vector<16xi32>
        %xor3A_1205 = arith.xori %or3A_435, %xor3A_1204 : vector<16xi32>
        %gather3A_1206 = tpu.vector_load_idx %arg5[%shift_right_arithmetic3A_425, %xor3A_1205] : memref<697x128xi32, #tpu.memory_space<vmem>>[vector<16xi32>, vector<16xi32>], vector<16xi32>,
        %bitcast3A_1207 = vector.bitcast %gather3A_1206 : vector<16xi32> to vector<32xbf16>
        %add3A_1208 = arith.addf %bitcast3A_1157, %bitcast3A_1162 : vector<32xbf16>
        %add3A_1209 = arith.addf %bitcast3A_1167, %bitcast3A_1172 : vector<32xbf16>
        %add3A_1210 = arith.addf %bitcast3A_1177, %bitcast3A_1182 : vector<32xbf16>
        %add3A_1211 = arith.addf %bitcast3A_1187, %bitcast3A_1192 : vector<32xbf16>
        %add3A_1212 = arith.addf %bitcast3A_1197, %bitcast3A_1202 : vector<32xbf16>
        %add3A_1213 = arith.addf %add3A_1208, %add3A_1209 : vector<32xbf16>
        %add3A_1214 = arith.addf %add3A_1210, %add3A_1211 : vector<32xbf16>
        %add3A_1215 = arith.addf %add3A_1212, %bitcast3A_1207 : vector<32xbf16>
        %add3A_1216 = arith.addf %add3A_1213, %add3A_1214 : vector<32xbf16>
        %add3A_1217 = arith.addf %add3A_1216, %add3A_1215 : vector<32xbf16>
        %bitcast3A_1218 = vector.bitcast %add3A_1217 : vector<32xbf16> to vector<16xi32>
        %mul3A_1219 = arith.constant 16 : i32
        %mul3A_1220 = arith.muli %scan3A_24, %mul3A_1219 : i32
        %swap3A_1221 = arith.constant 10 : i32
        %swap3A_1222 = arith.index_cast %swap3A_1221 : i32 to index
        %swap3A_1223 = arith.index_cast %mul3A_1220 : i32 to index
        %swap3A_1224 = tpu.vector_load %arg7[%swap3A_1222, %swap3A_1223] {strides = array<i32>} : memref<16x256xi32, #tpu.memory_space<vmem>>, vector<16xi32>,
        tpu.vector_store %arg7[%swap3A_1222, %swap3A_1223], %bitcast3A_1218 {strides = array<i32>} : memref<16x256xi32, #tpu.memory_space<vmem>>, vector<16xi32>,
        %xor3A_1225 = arith.constant 11 : i32
        %xor3A_1226 = vector.broadcast %xor3A_1225 : i32 to vector<16xi32>
        %xor3A_1227 = arith.xori %or3A, %xor3A_1226 : vector<16xi32>
        %gather3A_1228 = tpu.vector_load_idx %arg5[%shift_right_arithmetic3A_296, %xor3A_1227] : memref<697x128xi32, #tpu.memory_space<vmem>>[vector<16xi32>, vector<16xi32>], vector<16xi32>,
        %bitcast3A_1229 = vector.bitcast %gather3A_1228 : vector<16xi32> to vector<32xbf16>
        %xor3A_1230 = arith.constant 11 : i32
        %xor3A_1231 = vector.broadcast %xor3A_1230 : i32 to vector<16xi32>
        %xor3A_1232 = arith.xori %or3A_318, %xor3A_1231 : vector<16xi32>
        %gather3A_1233 = tpu.vector_load_idx %arg5[%shift_right_arithmetic3A_308, %xor3A_1232] : memref<697x128xi32, #tpu.memory_space<vmem>>[vector<16xi32>, vector<16xi32>], vector<16xi32>,
        %bitcast3A_1234 = vector.bitcast %gather3A_1233 : vector<16xi32> to vector<32xbf16>
        %xor3A_1235 = arith.constant 11 : i32
        %xor3A_1236 = vector.broadcast %xor3A_1235 : i32 to vector<16xi32>
        %xor3A_1237 = arith.xori %or3A_331, %xor3A_1236 : vector<16xi32>
        %gather3A_1238 = tpu.vector_load_idx %arg5[%shift_right_arithmetic3A_321, %xor3A_1237] : memref<697x128xi32, #tpu.memory_space<vmem>>[vector<16xi32>, vector<16xi32>], vector<16xi32>,
        %bitcast3A_1239 = vector.bitcast %gather3A_1238 : vector<16xi32> to vector<32xbf16>
        %xor3A_1240 = arith.constant 11 : i32
        %xor3A_1241 = vector.broadcast %xor3A_1240 : i32 to vector<16xi32>
        %xor3A_1242 = arith.xori %or3A_344, %xor3A_1241 : vector<16xi32>
        %gather3A_1243 = tpu.vector_load_idx %arg5[%shift_right_arithmetic3A_334, %xor3A_1242] : memref<697x128xi32, #tpu.memory_space<vmem>>[vector<16xi32>, vector<16xi32>], vector<16xi32>,
        %bitcast3A_1244 = vector.bitcast %gather3A_1243 : vector<16xi32> to vector<32xbf16>
        %xor3A_1245 = arith.constant 11 : i32
        %xor3A_1246 = vector.broadcast %xor3A_1245 : i32 to vector<16xi32>
        %xor3A_1247 = arith.xori %or3A_357, %xor3A_1246 : vector<16xi32>
        %gather3A_1248 = tpu.vector_load_idx %arg5[%shift_right_arithmetic3A_347, %xor3A_1247] : memref<697x128xi32, #tpu.memory_space<vmem>>[vector<16xi32>, vector<16xi32>], vector<16xi32>,
        %bitcast3A_1249 = vector.bitcast %gather3A_1248 : vector<16xi32> to vector<32xbf16>
        %xor3A_1250 = arith.constant 11 : i32
        %xor3A_1251 = vector.broadcast %xor3A_1250 : i32 to vector<16xi32>
        %xor3A_1252 = arith.xori %or3A_370, %xor3A_1251 : vector<16xi32>
        %gather3A_1253 = tpu.vector_load_idx %arg5[%shift_right_arithmetic3A_360, %xor3A_1252] : memref<697x128xi32, #tpu.memory_space<vmem>>[vector<16xi32>, vector<16xi32>], vector<16xi32>,
        %bitcast3A_1254 = vector.bitcast %gather3A_1253 : vector<16xi32> to vector<32xbf16>
        %xor3A_1255 = arith.constant 11 : i32
        %xor3A_1256 = vector.broadcast %xor3A_1255 : i32 to vector<16xi32>
        %xor3A_1257 = arith.xori %or3A_383, %xor3A_1256 : vector<16xi32>
        %gather3A_1258 = tpu.vector_load_idx %arg5[%shift_right_arithmetic3A_373, %xor3A_1257] : memref<697x128xi32, #tpu.memory_space<vmem>>[vector<16xi32>, vector<16xi32>], vector<16xi32>,
        %bitcast3A_1259 = vector.bitcast %gather3A_1258 : vector<16xi32> to vector<32xbf16>
        %xor3A_1260 = arith.constant 11 : i32
        %xor3A_1261 = vector.broadcast %xor3A_1260 : i32 to vector<16xi32>
        %xor3A_1262 = arith.xori %or3A_396, %xor3A_1261 : vector<16xi32>
        %gather3A_1263 = tpu.vector_load_idx %arg5[%shift_right_arithmetic3A_386, %xor3A_1262] : memref<697x128xi32, #tpu.memory_space<vmem>>[vector<16xi32>, vector<16xi32>], vector<16xi32>,
        %bitcast3A_1264 = vector.bitcast %gather3A_1263 : vector<16xi32> to vector<32xbf16>
        %xor3A_1265 = arith.constant 11 : i32
        %xor3A_1266 = vector.broadcast %xor3A_1265 : i32 to vector<16xi32>
        %xor3A_1267 = arith.xori %or3A_409, %xor3A_1266 : vector<16xi32>
        %gather3A_1268 = tpu.vector_load_idx %arg5[%shift_right_arithmetic3A_399, %xor3A_1267] : memref<697x128xi32, #tpu.memory_space<vmem>>[vector<16xi32>, vector<16xi32>], vector<16xi32>,
        %bitcast3A_1269 = vector.bitcast %gather3A_1268 : vector<16xi32> to vector<32xbf16>
        %xor3A_1270 = arith.constant 11 : i32
        %xor3A_1271 = vector.broadcast %xor3A_1270 : i32 to vector<16xi32>
        %xor3A_1272 = arith.xori %or3A_422, %xor3A_1271 : vector<16xi32>
        %gather3A_1273 = tpu.vector_load_idx %arg5[%shift_right_arithmetic3A_412, %xor3A_1272] : memref<697x128xi32, #tpu.memory_space<vmem>>[vector<16xi32>, vector<16xi32>], vector<16xi32>,
        %bitcast3A_1274 = vector.bitcast %gather3A_1273 : vector<16xi32> to vector<32xbf16>
        %xor3A_1275 = arith.constant 11 : i32
        %xor3A_1276 = vector.broadcast %xor3A_1275 : i32 to vector<16xi32>
        %xor3A_1277 = arith.xori %or3A_435, %xor3A_1276 : vector<16xi32>
        %gather3A_1278 = tpu.vector_load_idx %arg5[%shift_right_arithmetic3A_425, %xor3A_1277] : memref<697x128xi32, #tpu.memory_space<vmem>>[vector<16xi32>, vector<16xi32>], vector<16xi32>,
        %bitcast3A_1279 = vector.bitcast %gather3A_1278 : vector<16xi32> to vector<32xbf16>
        %add3A_1280 = arith.addf %bitcast3A_1229, %bitcast3A_1234 : vector<32xbf16>
        %add3A_1281 = arith.addf %bitcast3A_1239, %bitcast3A_1244 : vector<32xbf16>
        %add3A_1282 = arith.addf %bitcast3A_1249, %bitcast3A_1254 : vector<32xbf16>
        %add3A_1283 = arith.addf %bitcast3A_1259, %bitcast3A_1264 : vector<32xbf16>
        %add3A_1284 = arith.addf %bitcast3A_1269, %bitcast3A_1274 : vector<32xbf16>
        %add3A_1285 = arith.addf %add3A_1280, %add3A_1281 : vector<32xbf16>
        %add3A_1286 = arith.addf %add3A_1282, %add3A_1283 : vector<32xbf16>
        %add3A_1287 = arith.addf %add3A_1284, %bitcast3A_1279 : vector<32xbf16>
        %add3A_1288 = arith.addf %add3A_1285, %add3A_1286 : vector<32xbf16>
        %add3A_1289 = arith.addf %add3A_1288, %add3A_1287 : vector<32xbf16>
        %bitcast3A_1290 = vector.bitcast %add3A_1289 : vector<32xbf16> to vector<16xi32>
        %mul3A_1291 = arith.constant 16 : i32
        %mul3A_1292 = arith.muli %scan3A_24, %mul3A_1291 : i32
        %swap3A_1293 = arith.constant 11 : i32
        %swap3A_1294 = arith.index_cast %swap3A_1293 : i32 to index
        %swap3A_1295 = arith.index_cast %mul3A_1292 : i32 to index
        %swap3A_1296 = tpu.vector_load %arg7[%swap3A_1294, %swap3A_1295] {strides = array<i32>} : memref<16x256xi32, #tpu.memory_space<vmem>>, vector<16xi32>,
        tpu.vector_store %arg7[%swap3A_1294, %swap3A_1295], %bitcast3A_1290 {strides = array<i32>} : memref<16x256xi32, #tpu.memory_space<vmem>>, vector<16xi32>,
        %xor3A_1297 = arith.constant 12 : i32
        %xor3A_1298 = vector.broadcast %xor3A_1297 : i32 to vector<16xi32>
        %xor3A_1299 = arith.xori %or3A, %xor3A_1298 : vector<16xi32>
        %gather3A_1300 = tpu.vector_load_idx %arg5[%shift_right_arithmetic3A_296, %xor3A_1299] : memref<697x128xi32, #tpu.memory_space<vmem>>[vector<16xi32>, vector<16xi32>], vector<16xi32>,
        %bitcast3A_1301 = vector.bitcast %gather3A_1300 : vector<16xi32> to vector<32xbf16>
        %xor3A_1302 = arith.constant 12 : i32
        %xor3A_1303 = vector.broadcast %xor3A_1302 : i32 to vector<16xi32>
        %xor3A_1304 = arith.xori %or3A_318, %xor3A_1303 : vector<16xi32>
        %gather3A_1305 = tpu.vector_load_idx %arg5[%shift_right_arithmetic3A_308, %xor3A_1304] : memref<697x128xi32, #tpu.memory_space<vmem>>[vector<16xi32>, vector<16xi32>], vector<16xi32>,
        %bitcast3A_1306 = vector.bitcast %gather3A_1305 : vector<16xi32> to vector<32xbf16>
        %xor3A_1307 = arith.constant 12 : i32
        %xor3A_1308 = vector.broadcast %xor3A_1307 : i32 to vector<16xi32>
        %xor3A_1309 = arith.xori %or3A_331, %xor3A_1308 : vector<16xi32>
        %gather3A_1310 = tpu.vector_load_idx %arg5[%shift_right_arithmetic3A_321, %xor3A_1309] : memref<697x128xi32, #tpu.memory_space<vmem>>[vector<16xi32>, vector<16xi32>], vector<16xi32>,
        %bitcast3A_1311 = vector.bitcast %gather3A_1310 : vector<16xi32> to vector<32xbf16>
        %xor3A_1312 = arith.constant 12 : i32
        %xor3A_1313 = vector.broadcast %xor3A_1312 : i32 to vector<16xi32>
        %xor3A_1314 = arith.xori %or3A_344, %xor3A_1313 : vector<16xi32>
        %gather3A_1315 = tpu.vector_load_idx %arg5[%shift_right_arithmetic3A_334, %xor3A_1314] : memref<697x128xi32, #tpu.memory_space<vmem>>[vector<16xi32>, vector<16xi32>], vector<16xi32>,
        %bitcast3A_1316 = vector.bitcast %gather3A_1315 : vector<16xi32> to vector<32xbf16>
        %xor3A_1317 = arith.constant 12 : i32
        %xor3A_1318 = vector.broadcast %xor3A_1317 : i32 to vector<16xi32>
        %xor3A_1319 = arith.xori %or3A_357, %xor3A_1318 : vector<16xi32>
        %gather3A_1320 = tpu.vector_load_idx %arg5[%shift_right_arithmetic3A_347, %xor3A_1319] : memref<697x128xi32, #tpu.memory_space<vmem>>[vector<16xi32>, vector<16xi32>], vector<16xi32>,
        %bitcast3A_1321 = vector.bitcast %gather3A_1320 : vector<16xi32> to vector<32xbf16>
        %xor3A_1322 = arith.constant 12 : i32
        %xor3A_1323 = vector.broadcast %xor3A_1322 : i32 to vector<16xi32>
        %xor3A_1324 = arith.xori %or3A_370, %xor3A_1323 : vector<16xi32>
        %gather3A_1325 = tpu.vector_load_idx %arg5[%shift_right_arithmetic3A_360, %xor3A_1324] : memref<697x128xi32, #tpu.memory_space<vmem>>[vector<16xi32>, vector<16xi32>], vector<16xi32>,
        %bitcast3A_1326 = vector.bitcast %gather3A_1325 : vector<16xi32> to vector<32xbf16>
        %xor3A_1327 = arith.constant 12 : i32
        %xor3A_1328 = vector.broadcast %xor3A_1327 : i32 to vector<16xi32>
        %xor3A_1329 = arith.xori %or3A_383, %xor3A_1328 : vector<16xi32>
        %gather3A_1330 = tpu.vector_load_idx %arg5[%shift_right_arithmetic3A_373, %xor3A_1329] : memref<697x128xi32, #tpu.memory_space<vmem>>[vector<16xi32>, vector<16xi32>], vector<16xi32>,
        %bitcast3A_1331 = vector.bitcast %gather3A_1330 : vector<16xi32> to vector<32xbf16>
        %xor3A_1332 = arith.constant 12 : i32
        %xor3A_1333 = vector.broadcast %xor3A_1332 : i32 to vector<16xi32>
        %xor3A_1334 = arith.xori %or3A_396, %xor3A_1333 : vector<16xi32>
        %gather3A_1335 = tpu.vector_load_idx %arg5[%shift_right_arithmetic3A_386, %xor3A_1334] : memref<697x128xi32, #tpu.memory_space<vmem>>[vector<16xi32>, vector<16xi32>], vector<16xi32>,
        %bitcast3A_1336 = vector.bitcast %gather3A_1335 : vector<16xi32> to vector<32xbf16>
        %xor3A_1337 = arith.constant 12 : i32
        %xor3A_1338 = vector.broadcast %xor3A_1337 : i32 to vector<16xi32>
        %xor3A_1339 = arith.xori %or3A_409, %xor3A_1338 : vector<16xi32>
        %gather3A_1340 = tpu.vector_load_idx %arg5[%shift_right_arithmetic3A_399, %xor3A_1339] : memref<697x128xi32, #tpu.memory_space<vmem>>[vector<16xi32>, vector<16xi32>], vector<16xi32>,
        %bitcast3A_1341 = vector.bitcast %gather3A_1340 : vector<16xi32> to vector<32xbf16>
        %xor3A_1342 = arith.constant 12 : i32
        %xor3A_1343 = vector.broadcast %xor3A_1342 : i32 to vector<16xi32>
        %xor3A_1344 = arith.xori %or3A_422, %xor3A_1343 : vector<16xi32>
        %gather3A_1345 = tpu.vector_load_idx %arg5[%shift_right_arithmetic3A_412, %xor3A_1344] : memref<697x128xi32, #tpu.memory_space<vmem>>[vector<16xi32>, vector<16xi32>], vector<16xi32>,
        %bitcast3A_1346 = vector.bitcast %gather3A_1345 : vector<16xi32> to vector<32xbf16>
        %xor3A_1347 = arith.constant 12 : i32
        %xor3A_1348 = vector.broadcast %xor3A_1347 : i32 to vector<16xi32>
        %xor3A_1349 = arith.xori %or3A_435, %xor3A_1348 : vector<16xi32>
        %gather3A_1350 = tpu.vector_load_idx %arg5[%shift_right_arithmetic3A_425, %xor3A_1349] : memref<697x128xi32, #tpu.memory_space<vmem>>[vector<16xi32>, vector<16xi32>], vector<16xi32>,
        %bitcast3A_1351 = vector.bitcast %gather3A_1350 : vector<16xi32> to vector<32xbf16>
        %add3A_1352 = arith.addf %bitcast3A_1301, %bitcast3A_1306 : vector<32xbf16>
        %add3A_1353 = arith.addf %bitcast3A_1311, %bitcast3A_1316 : vector<32xbf16>
        %add3A_1354 = arith.addf %bitcast3A_1321, %bitcast3A_1326 : vector<32xbf16>
        %add3A_1355 = arith.addf %bitcast3A_1331, %bitcast3A_1336 : vector<32xbf16>
        %add3A_1356 = arith.addf %bitcast3A_1341, %bitcast3A_1346 : vector<32xbf16>
        %add3A_1357 = arith.addf %add3A_1352, %add3A_1353 : vector<32xbf16>
        %add3A_1358 = arith.addf %add3A_1354, %add3A_1355 : vector<32xbf16>
        %add3A_1359 = arith.addf %add3A_1356, %bitcast3A_1351 : vector<32xbf16>
        %add3A_1360 = arith.addf %add3A_1357, %add3A_1358 : vector<32xbf16>
        %add3A_1361 = arith.addf %add3A_1360, %add3A_1359 : vector<32xbf16>
        %bitcast3A_1362 = vector.bitcast %add3A_1361 : vector<32xbf16> to vector<16xi32>
        %mul3A_1363 = arith.constant 16 : i32
        %mul3A_1364 = arith.muli %scan3A_24, %mul3A_1363 : i32
        %swap3A_1365 = arith.constant 12 : i32
        %swap3A_1366 = arith.index_cast %swap3A_1365 : i32 to index
        %swap3A_1367 = arith.index_cast %mul3A_1364 : i32 to index
        %swap3A_1368 = tpu.vector_load %arg7[%swap3A_1366, %swap3A_1367] {strides = array<i32>} : memref<16x256xi32, #tpu.memory_space<vmem>>, vector<16xi32>,
        tpu.vector_store %arg7[%swap3A_1366, %swap3A_1367], %bitcast3A_1362 {strides = array<i32>} : memref<16x256xi32, #tpu.memory_space<vmem>>, vector<16xi32>,
        %xor3A_1369 = arith.constant 13 : i32
        %xor3A_1370 = vector.broadcast %xor3A_1369 : i32 to vector<16xi32>
        %xor3A_1371 = arith.xori %or3A, %xor3A_1370 : vector<16xi32>
        %gather3A_1372 = tpu.vector_load_idx %arg5[%shift_right_arithmetic3A_296, %xor3A_1371] : memref<697x128xi32, #tpu.memory_space<vmem>>[vector<16xi32>, vector<16xi32>], vector<16xi32>,
        %bitcast3A_1373 = vector.bitcast %gather3A_1372 : vector<16xi32> to vector<32xbf16>
        %xor3A_1374 = arith.constant 13 : i32
        %xor3A_1375 = vector.broadcast %xor3A_1374 : i32 to vector<16xi32>
        %xor3A_1376 = arith.xori %or3A_318, %xor3A_1375 : vector<16xi32>
        %gather3A_1377 = tpu.vector_load_idx %arg5[%shift_right_arithmetic3A_308, %xor3A_1376] : memref<697x128xi32, #tpu.memory_space<vmem>>[vector<16xi32>, vector<16xi32>], vector<16xi32>,
        %bitcast3A_1378 = vector.bitcast %gather3A_1377 : vector<16xi32> to vector<32xbf16>
        %xor3A_1379 = arith.constant 13 : i32
        %xor3A_1380 = vector.broadcast %xor3A_1379 : i32 to vector<16xi32>
        %xor3A_1381 = arith.xori %or3A_331, %xor3A_1380 : vector<16xi32>
        %gather3A_1382 = tpu.vector_load_idx %arg5[%shift_right_arithmetic3A_321, %xor3A_1381] : memref<697x128xi32, #tpu.memory_space<vmem>>[vector<16xi32>, vector<16xi32>], vector<16xi32>,
        %bitcast3A_1383 = vector.bitcast %gather3A_1382 : vector<16xi32> to vector<32xbf16>
        %xor3A_1384 = arith.constant 13 : i32
        %xor3A_1385 = vector.broadcast %xor3A_1384 : i32 to vector<16xi32>
        %xor3A_1386 = arith.xori %or3A_344, %xor3A_1385 : vector<16xi32>
        %gather3A_1387 = tpu.vector_load_idx %arg5[%shift_right_arithmetic3A_334, %xor3A_1386] : memref<697x128xi32, #tpu.memory_space<vmem>>[vector<16xi32>, vector<16xi32>], vector<16xi32>,
        %bitcast3A_1388 = vector.bitcast %gather3A_1387 : vector<16xi32> to vector<32xbf16>
        %xor3A_1389 = arith.constant 13 : i32
        %xor3A_1390 = vector.broadcast %xor3A_1389 : i32 to vector<16xi32>
        %xor3A_1391 = arith.xori %or3A_357, %xor3A_1390 : vector<16xi32>
        %gather3A_1392 = tpu.vector_load_idx %arg5[%shift_right_arithmetic3A_347, %xor3A_1391] : memref<697x128xi32, #tpu.memory_space<vmem>>[vector<16xi32>, vector<16xi32>], vector<16xi32>,
        %bitcast3A_1393 = vector.bitcast %gather3A_1392 : vector<16xi32> to vector<32xbf16>
        %xor3A_1394 = arith.constant 13 : i32
        %xor3A_1395 = vector.broadcast %xor3A_1394 : i32 to vector<16xi32>
        %xor3A_1396 = arith.xori %or3A_370, %xor3A_1395 : vector<16xi32>
        %gather3A_1397 = tpu.vector_load_idx %arg5[%shift_right_arithmetic3A_360, %xor3A_1396] : memref<697x128xi32, #tpu.memory_space<vmem>>[vector<16xi32>, vector<16xi32>], vector<16xi32>,
        %bitcast3A_1398 = vector.bitcast %gather3A_1397 : vector<16xi32> to vector<32xbf16>
        %xor3A_1399 = arith.constant 13 : i32
        %xor3A_1400 = vector.broadcast %xor3A_1399 : i32 to vector<16xi32>
        %xor3A_1401 = arith.xori %or3A_383, %xor3A_1400 : vector<16xi32>
        %gather3A_1402 = tpu.vector_load_idx %arg5[%shift_right_arithmetic3A_373, %xor3A_1401] : memref<697x128xi32, #tpu.memory_space<vmem>>[vector<16xi32>, vector<16xi32>], vector<16xi32>,
        %bitcast3A_1403 = vector.bitcast %gather3A_1402 : vector<16xi32> to vector<32xbf16>
        %xor3A_1404 = arith.constant 13 : i32
        %xor3A_1405 = vector.broadcast %xor3A_1404 : i32 to vector<16xi32>
        %xor3A_1406 = arith.xori %or3A_396, %xor3A_1405 : vector<16xi32>
        %gather3A_1407 = tpu.vector_load_idx %arg5[%shift_right_arithmetic3A_386, %xor3A_1406] : memref<697x128xi32, #tpu.memory_space<vmem>>[vector<16xi32>, vector<16xi32>], vector<16xi32>,
        %bitcast3A_1408 = vector.bitcast %gather3A_1407 : vector<16xi32> to vector<32xbf16>
        %xor3A_1409 = arith.constant 13 : i32
        %xor3A_1410 = vector.broadcast %xor3A_1409 : i32 to vector<16xi32>
        %xor3A_1411 = arith.xori %or3A_409, %xor3A_1410 : vector<16xi32>
        %gather3A_1412 = tpu.vector_load_idx %arg5[%shift_right_arithmetic3A_399, %xor3A_1411] : memref<697x128xi32, #tpu.memory_space<vmem>>[vector<16xi32>, vector<16xi32>], vector<16xi32>,
        %bitcast3A_1413 = vector.bitcast %gather3A_1412 : vector<16xi32> to vector<32xbf16>
        %xor3A_1414 = arith.constant 13 : i32
        %xor3A_1415 = vector.broadcast %xor3A_1414 : i32 to vector<16xi32>
        %xor3A_1416 = arith.xori %or3A_422, %xor3A_1415 : vector<16xi32>
        %gather3A_1417 = tpu.vector_load_idx %arg5[%shift_right_arithmetic3A_412, %xor3A_1416] : memref<697x128xi32, #tpu.memory_space<vmem>>[vector<16xi32>, vector<16xi32>], vector<16xi32>,
        %bitcast3A_1418 = vector.bitcast %gather3A_1417 : vector<16xi32> to vector<32xbf16>
        %xor3A_1419 = arith.constant 13 : i32
        %xor3A_1420 = vector.broadcast %xor3A_1419 : i32 to vector<16xi32>
        %xor3A_1421 = arith.xori %or3A_435, %xor3A_1420 : vector<16xi32>
        %gather3A_1422 = tpu.vector_load_idx %arg5[%shift_right_arithmetic3A_425, %xor3A_1421] : memref<697x128xi32, #tpu.memory_space<vmem>>[vector<16xi32>, vector<16xi32>], vector<16xi32>,
        %bitcast3A_1423 = vector.bitcast %gather3A_1422 : vector<16xi32> to vector<32xbf16>
        %add3A_1424 = arith.addf %bitcast3A_1373, %bitcast3A_1378 : vector<32xbf16>
        %add3A_1425 = arith.addf %bitcast3A_1383, %bitcast3A_1388 : vector<32xbf16>
        %add3A_1426 = arith.addf %bitcast3A_1393, %bitcast3A_1398 : vector<32xbf16>
        %add3A_1427 = arith.addf %bitcast3A_1403, %bitcast3A_1408 : vector<32xbf16>
        %add3A_1428 = arith.addf %bitcast3A_1413, %bitcast3A_1418 : vector<32xbf16>
        %add3A_1429 = arith.addf %add3A_1424, %add3A_1425 : vector<32xbf16>
        %add3A_1430 = arith.addf %add3A_1426, %add3A_1427 : vector<32xbf16>
        %add3A_1431 = arith.addf %add3A_1428, %bitcast3A_1423 : vector<32xbf16>
        %add3A_1432 = arith.addf %add3A_1429, %add3A_1430 : vector<32xbf16>
        %add3A_1433 = arith.addf %add3A_1432, %add3A_1431 : vector<32xbf16>
        %bitcast3A_1434 = vector.bitcast %add3A_1433 : vector<32xbf16> to vector<16xi32>
        %mul3A_1435 = arith.constant 16 : i32
        %mul3A_1436 = arith.muli %scan3A_24, %mul3A_1435 : i32
        %swap3A_1437 = arith.constant 13 : i32
        %swap3A_1438 = arith.index_cast %swap3A_1437 : i32 to index
        %swap3A_1439 = arith.index_cast %mul3A_1436 : i32 to index
        %swap3A_1440 = tpu.vector_load %arg7[%swap3A_1438, %swap3A_1439] {strides = array<i32>} : memref<16x256xi32, #tpu.memory_space<vmem>>, vector<16xi32>,
        tpu.vector_store %arg7[%swap3A_1438, %swap3A_1439], %bitcast3A_1434 {strides = array<i32>} : memref<16x256xi32, #tpu.memory_space<vmem>>, vector<16xi32>,
        %xor3A_1441 = arith.constant 14 : i32
        %xor3A_1442 = vector.broadcast %xor3A_1441 : i32 to vector<16xi32>
        %xor3A_1443 = arith.xori %or3A, %xor3A_1442 : vector<16xi32>
        %gather3A_1444 = tpu.vector_load_idx %arg5[%shift_right_arithmetic3A_296, %xor3A_1443] : memref<697x128xi32, #tpu.memory_space<vmem>>[vector<16xi32>, vector<16xi32>], vector<16xi32>,
        %bitcast3A_1445 = vector.bitcast %gather3A_1444 : vector<16xi32> to vector<32xbf16>
        %xor3A_1446 = arith.constant 14 : i32
        %xor3A_1447 = vector.broadcast %xor3A_1446 : i32 to vector<16xi32>
        %xor3A_1448 = arith.xori %or3A_318, %xor3A_1447 : vector<16xi32>
        %gather3A_1449 = tpu.vector_load_idx %arg5[%shift_right_arithmetic3A_308, %xor3A_1448] : memref<697x128xi32, #tpu.memory_space<vmem>>[vector<16xi32>, vector<16xi32>], vector<16xi32>,
        %bitcast3A_1450 = vector.bitcast %gather3A_1449 : vector<16xi32> to vector<32xbf16>
        %xor3A_1451 = arith.constant 14 : i32
        %xor3A_1452 = vector.broadcast %xor3A_1451 : i32 to vector<16xi32>
        %xor3A_1453 = arith.xori %or3A_331, %xor3A_1452 : vector<16xi32>
        %gather3A_1454 = tpu.vector_load_idx %arg5[%shift_right_arithmetic3A_321, %xor3A_1453] : memref<697x128xi32, #tpu.memory_space<vmem>>[vector<16xi32>, vector<16xi32>], vector<16xi32>,
        %bitcast3A_1455 = vector.bitcast %gather3A_1454 : vector<16xi32> to vector<32xbf16>
        %xor3A_1456 = arith.constant 14 : i32
        %xor3A_1457 = vector.broadcast %xor3A_1456 : i32 to vector<16xi32>
        %xor3A_1458 = arith.xori %or3A_344, %xor3A_1457 : vector<16xi32>
        %gather3A_1459 = tpu.vector_load_idx %arg5[%shift_right_arithmetic3A_334, %xor3A_1458] : memref<697x128xi32, #tpu.memory_space<vmem>>[vector<16xi32>, vector<16xi32>], vector<16xi32>,
        %bitcast3A_1460 = vector.bitcast %gather3A_1459 : vector<16xi32> to vector<32xbf16>
        %xor3A_1461 = arith.constant 14 : i32
        %xor3A_1462 = vector.broadcast %xor3A_1461 : i32 to vector<16xi32>
        %xor3A_1463 = arith.xori %or3A_357, %xor3A_1462 : vector<16xi32>
        %gather3A_1464 = tpu.vector_load_idx %arg5[%shift_right_arithmetic3A_347, %xor3A_1463] : memref<697x128xi32, #tpu.memory_space<vmem>>[vector<16xi32>, vector<16xi32>], vector<16xi32>,
        %bitcast3A_1465 = vector.bitcast %gather3A_1464 : vector<16xi32> to vector<32xbf16>
        %xor3A_1466 = arith.constant 14 : i32
        %xor3A_1467 = vector.broadcast %xor3A_1466 : i32 to vector<16xi32>
        %xor3A_1468 = arith.xori %or3A_370, %xor3A_1467 : vector<16xi32>
        %gather3A_1469 = tpu.vector_load_idx %arg5[%shift_right_arithmetic3A_360, %xor3A_1468] : memref<697x128xi32, #tpu.memory_space<vmem>>[vector<16xi32>, vector<16xi32>], vector<16xi32>,
        %bitcast3A_1470 = vector.bitcast %gather3A_1469 : vector<16xi32> to vector<32xbf16>
        %xor3A_1471 = arith.constant 14 : i32
        %xor3A_1472 = vector.broadcast %xor3A_1471 : i32 to vector<16xi32>
        %xor3A_1473 = arith.xori %or3A_383, %xor3A_1472 : vector<16xi32>
        %gather3A_1474 = tpu.vector_load_idx %arg5[%shift_right_arithmetic3A_373, %xor3A_1473] : memref<697x128xi32, #tpu.memory_space<vmem>>[vector<16xi32>, vector<16xi32>], vector<16xi32>,
        %bitcast3A_1475 = vector.bitcast %gather3A_1474 : vector<16xi32> to vector<32xbf16>
        %xor3A_1476 = arith.constant 14 : i32
        %xor3A_1477 = vector.broadcast %xor3A_1476 : i32 to vector<16xi32>
        %xor3A_1478 = arith.xori %or3A_396, %xor3A_1477 : vector<16xi32>
        %gather3A_1479 = tpu.vector_load_idx %arg5[%shift_right_arithmetic3A_386, %xor3A_1478] : memref<697x128xi32, #tpu.memory_space<vmem>>[vector<16xi32>, vector<16xi32>], vector<16xi32>,
        %bitcast3A_1480 = vector.bitcast %gather3A_1479 : vector<16xi32> to vector<32xbf16>
        %xor3A_1481 = arith.constant 14 : i32
        %xor3A_1482 = vector.broadcast %xor3A_1481 : i32 to vector<16xi32>
        %xor3A_1483 = arith.xori %or3A_409, %xor3A_1482 : vector<16xi32>
        %gather3A_1484 = tpu.vector_load_idx %arg5[%shift_right_arithmetic3A_399, %xor3A_1483] : memref<697x128xi32, #tpu.memory_space<vmem>>[vector<16xi32>, vector<16xi32>], vector<16xi32>,
        %bitcast3A_1485 = vector.bitcast %gather3A_1484 : vector<16xi32> to vector<32xbf16>
        %xor3A_1486 = arith.constant 14 : i32
        %xor3A_1487 = vector.broadcast %xor3A_1486 : i32 to vector<16xi32>
        %xor3A_1488 = arith.xori %or3A_422, %xor3A_1487 : vector<16xi32>
        %gather3A_1489 = tpu.vector_load_idx %arg5[%shift_right_arithmetic3A_412, %xor3A_1488] : memref<697x128xi32, #tpu.memory_space<vmem>>[vector<16xi32>, vector<16xi32>], vector<16xi32>,
        %bitcast3A_1490 = vector.bitcast %gather3A_1489 : vector<16xi32> to vector<32xbf16>
        %xor3A_1491 = arith.constant 14 : i32
        %xor3A_1492 = vector.broadcast %xor3A_1491 : i32 to vector<16xi32>
        %xor3A_1493 = arith.xori %or3A_435, %xor3A_1492 : vector<16xi32>
        %gather3A_1494 = tpu.vector_load_idx %arg5[%shift_right_arithmetic3A_425, %xor3A_1493] : memref<697x128xi32, #tpu.memory_space<vmem>>[vector<16xi32>, vector<16xi32>], vector<16xi32>,
        %bitcast3A_1495 = vector.bitcast %gather3A_1494 : vector<16xi32> to vector<32xbf16>
        %add3A_1496 = arith.addf %bitcast3A_1445, %bitcast3A_1450 : vector<32xbf16>
        %add3A_1497 = arith.addf %bitcast3A_1455, %bitcast3A_1460 : vector<32xbf16>
        %add3A_1498 = arith.addf %bitcast3A_1465, %bitcast3A_1470 : vector<32xbf16>
        %add3A_1499 = arith.addf %bitcast3A_1475, %bitcast3A_1480 : vector<32xbf16>
        %add3A_1500 = arith.addf %bitcast3A_1485, %bitcast3A_1490 : vector<32xbf16>
        %add3A_1501 = arith.addf %add3A_1496, %add3A_1497 : vector<32xbf16>
        %add3A_1502 = arith.addf %add3A_1498, %add3A_1499 : vector<32xbf16>
        %add3A_1503 = arith.addf %add3A_1500, %bitcast3A_1495 : vector<32xbf16>
        %add3A_1504 = arith.addf %add3A_1501, %add3A_1502 : vector<32xbf16>
        %add3A_1505 = arith.addf %add3A_1504, %add3A_1503 : vector<32xbf16>
        %bitcast3A_1506 = vector.bitcast %add3A_1505 : vector<32xbf16> to vector<16xi32>
        %mul3A_1507 = arith.constant 16 : i32
        %mul3A_1508 = arith.muli %scan3A_24, %mul3A_1507 : i32
        %swap3A_1509 = arith.constant 14 : i32
        %swap3A_1510 = arith.index_cast %swap3A_1509 : i32 to index
        %swap3A_1511 = arith.index_cast %mul3A_1508 : i32 to index
        %swap3A_1512 = tpu.vector_load %arg7[%swap3A_1510, %swap3A_1511] {strides = array<i32>} : memref<16x256xi32, #tpu.memory_space<vmem>>, vector<16xi32>,
        tpu.vector_store %arg7[%swap3A_1510, %swap3A_1511], %bitcast3A_1506 {strides = array<i32>} : memref<16x256xi32, #tpu.memory_space<vmem>>, vector<16xi32>,
        %xor3A_1513 = arith.constant 15 : i32
        %xor3A_1514 = vector.broadcast %xor3A_1513 : i32 to vector<16xi32>
        %xor3A_1515 = arith.xori %or3A, %xor3A_1514 : vector<16xi32>
        %gather3A_1516 = tpu.vector_load_idx %arg5[%shift_right_arithmetic3A_296, %xor3A_1515] : memref<697x128xi32, #tpu.memory_space<vmem>>[vector<16xi32>, vector<16xi32>], vector<16xi32>,
        %bitcast3A_1517 = vector.bitcast %gather3A_1516 : vector<16xi32> to vector<32xbf16>
        %xor3A_1518 = arith.constant 15 : i32
        %xor3A_1519 = vector.broadcast %xor3A_1518 : i32 to vector<16xi32>
        %xor3A_1520 = arith.xori %or3A_318, %xor3A_1519 : vector<16xi32>
        %gather3A_1521 = tpu.vector_load_idx %arg5[%shift_right_arithmetic3A_308, %xor3A_1520] : memref<697x128xi32, #tpu.memory_space<vmem>>[vector<16xi32>, vector<16xi32>], vector<16xi32>,
        %bitcast3A_1522 = vector.bitcast %gather3A_1521 : vector<16xi32> to vector<32xbf16>
        %xor3A_1523 = arith.constant 15 : i32
        %xor3A_1524 = vector.broadcast %xor3A_1523 : i32 to vector<16xi32>
        %xor3A_1525 = arith.xori %or3A_331, %xor3A_1524 : vector<16xi32>
        %gather3A_1526 = tpu.vector_load_idx %arg5[%shift_right_arithmetic3A_321, %xor3A_1525] : memref<697x128xi32, #tpu.memory_space<vmem>>[vector<16xi32>, vector<16xi32>], vector<16xi32>,
        %bitcast3A_1527 = vector.bitcast %gather3A_1526 : vector<16xi32> to vector<32xbf16>
        %xor3A_1528 = arith.constant 15 : i32
        %xor3A_1529 = vector.broadcast %xor3A_1528 : i32 to vector<16xi32>
        %xor3A_1530 = arith.xori %or3A_344, %xor3A_1529 : vector<16xi32>
        %gather3A_1531 = tpu.vector_load_idx %arg5[%shift_right_arithmetic3A_334, %xor3A_1530] : memref<697x128xi32, #tpu.memory_space<vmem>>[vector<16xi32>, vector<16xi32>], vector<16xi32>,
        %bitcast3A_1532 = vector.bitcast %gather3A_1531 : vector<16xi32> to vector<32xbf16>
        %xor3A_1533 = arith.constant 15 : i32
        %xor3A_1534 = vector.broadcast %xor3A_1533 : i32 to vector<16xi32>
        %xor3A_1535 = arith.xori %or3A_357, %xor3A_1534 : vector<16xi32>
        %gather3A_1536 = tpu.vector_load_idx %arg5[%shift_right_arithmetic3A_347, %xor3A_1535] : memref<697x128xi32, #tpu.memory_space<vmem>>[vector<16xi32>, vector<16xi32>], vector<16xi32>,
        %bitcast3A_1537 = vector.bitcast %gather3A_1536 : vector<16xi32> to vector<32xbf16>
        %xor3A_1538 = arith.constant 15 : i32
        %xor3A_1539 = vector.broadcast %xor3A_1538 : i32 to vector<16xi32>
        %xor3A_1540 = arith.xori %or3A_370, %xor3A_1539 : vector<16xi32>
        %gather3A_1541 = tpu.vector_load_idx %arg5[%shift_right_arithmetic3A_360, %xor3A_1540] : memref<697x128xi32, #tpu.memory_space<vmem>>[vector<16xi32>, vector<16xi32>], vector<16xi32>,
        %bitcast3A_1542 = vector.bitcast %gather3A_1541 : vector<16xi32> to vector<32xbf16>
        %xor3A_1543 = arith.constant 15 : i32
        %xor3A_1544 = vector.broadcast %xor3A_1543 : i32 to vector<16xi32>
        %xor3A_1545 = arith.xori %or3A_383, %xor3A_1544 : vector<16xi32>
        %gather3A_1546 = tpu.vector_load_idx %arg5[%shift_right_arithmetic3A_373, %xor3A_1545] : memref<697x128xi32, #tpu.memory_space<vmem>>[vector<16xi32>, vector<16xi32>], vector<16xi32>,
        %bitcast3A_1547 = vector.bitcast %gather3A_1546 : vector<16xi32> to vector<32xbf16>
        %xor3A_1548 = arith.constant 15 : i32
        %xor3A_1549 = vector.broadcast %xor3A_1548 : i32 to vector<16xi32>
        %xor3A_1550 = arith.xori %or3A_396, %xor3A_1549 : vector<16xi32>
        %gather3A_1551 = tpu.vector_load_idx %arg5[%shift_right_arithmetic3A_386, %xor3A_1550] : memref<697x128xi32, #tpu.memory_space<vmem>>[vector<16xi32>, vector<16xi32>], vector<16xi32>,
        %bitcast3A_1552 = vector.bitcast %gather3A_1551 : vector<16xi32> to vector<32xbf16>
        %xor3A_1553 = arith.constant 15 : i32
        %xor3A_1554 = vector.broadcast %xor3A_1553 : i32 to vector<16xi32>
        %xor3A_1555 = arith.xori %or3A_409, %xor3A_1554 : vector<16xi32>
        %gather3A_1556 = tpu.vector_load_idx %arg5[%shift_right_arithmetic3A_399, %xor3A_1555] : memref<697x128xi32, #tpu.memory_space<vmem>>[vector<16xi32>, vector<16xi32>], vector<16xi32>,
        %bitcast3A_1557 = vector.bitcast %gather3A_1556 : vector<16xi32> to vector<32xbf16>
        %xor3A_1558 = arith.constant 15 : i32
        %xor3A_1559 = vector.broadcast %xor3A_1558 : i32 to vector<16xi32>
        %xor3A_1560 = arith.xori %or3A_422, %xor3A_1559 : vector<16xi32>
        %gather3A_1561 = tpu.vector_load_idx %arg5[%shift_right_arithmetic3A_412, %xor3A_1560] : memref<697x128xi32, #tpu.memory_space<vmem>>[vector<16xi32>, vector<16xi32>], vector<16xi32>,
        %bitcast3A_1562 = vector.bitcast %gather3A_1561 : vector<16xi32> to vector<32xbf16>
        %xor3A_1563 = arith.constant 15 : i32
        %xor3A_1564 = vector.broadcast %xor3A_1563 : i32 to vector<16xi32>
        %xor3A_1565 = arith.xori %or3A_435, %xor3A_1564 : vector<16xi32>
        %gather3A_1566 = tpu.vector_load_idx %arg5[%shift_right_arithmetic3A_425, %xor3A_1565] : memref<697x128xi32, #tpu.memory_space<vmem>>[vector<16xi32>, vector<16xi32>], vector<16xi32>,
        %bitcast3A_1567 = vector.bitcast %gather3A_1566 : vector<16xi32> to vector<32xbf16>
        %add3A_1568 = arith.addf %bitcast3A_1517, %bitcast3A_1522 : vector<32xbf16>
        %add3A_1569 = arith.addf %bitcast3A_1527, %bitcast3A_1532 : vector<32xbf16>
        %add3A_1570 = arith.addf %bitcast3A_1537, %bitcast3A_1542 : vector<32xbf16>
        %add3A_1571 = arith.addf %bitcast3A_1547, %bitcast3A_1552 : vector<32xbf16>
        %add3A_1572 = arith.addf %bitcast3A_1557, %bitcast3A_1562 : vector<32xbf16>
        %add3A_1573 = arith.addf %add3A_1568, %add3A_1569 : vector<32xbf16>
        %add3A_1574 = arith.addf %add3A_1570, %add3A_1571 : vector<32xbf16>
        %add3A_1575 = arith.addf %add3A_1572, %bitcast3A_1567 : vector<32xbf16>
        %add3A_1576 = arith.addf %add3A_1573, %add3A_1574 : vector<32xbf16>
        %add3A_1577 = arith.addf %add3A_1576, %add3A_1575 : vector<32xbf16>
        %bitcast3A_1578 = vector.bitcast %add3A_1577 : vector<32xbf16> to vector<16xi32>
        %mul3A_1579 = arith.constant 16 : i32
        %mul3A_1580 = arith.muli %scan3A_24, %mul3A_1579 : i32
        %swap3A_1581 = arith.constant 15 : i32
        %swap3A_1582 = arith.index_cast %swap3A_1581 : i32 to index
        %swap3A_1583 = arith.index_cast %mul3A_1580 : i32 to index
        %swap3A_1584 = tpu.vector_load %arg7[%swap3A_1582, %swap3A_1583] {strides = array<i32>} : memref<16x256xi32, #tpu.memory_space<vmem>>, vector<16xi32>,
        tpu.vector_store %arg7[%swap3A_1582, %swap3A_1583], %bitcast3A_1578 {strides = array<i32>} : memref<16x256xi32, #tpu.memory_space<vmem>>, vector<16xi32>,
      }
      %scan3A_23 = arith.constant 16 : i32
      "tpu.region"() ({
        %run_scoped3A = tpu.sem_alloc : memref<!tpu.dma_semaphore, #tpu.memory_space<semaphore_mem>>
        %dma_start3A = arith.constant 0 : i32
        %dma_start3A_24 = tpu.memref_slice %arg4[%dma_start3A, %add3A_11] : memref<16x204800xi32, #tpu.memory_space<hbm>> -> memref<16x256xi32, #tpu.memory_space<hbm>>
        %dma_start3A_25 = arith.constant 0 : i32
        %dma_start3A_26 = tpu.memref_slice %arg4[%dma_start3A_25, %add3A_11] : memref<16x204800xi32, #tpu.memory_space<hbm>> -> memref<16x256xi32, #tpu.memory_space<hbm>>
        tpu.enqueue_dma source(%arg7 : memref<16x256xi32, #tpu.memory_space<vmem>>) target(%dma_start3A_26 : memref<16x256xi32, #tpu.memory_space<hbm>>) target_semaphore(%run_scoped3A : memref<!tpu.dma_semaphore, #tpu.memory_space<semaphore_mem>>)
        %dma_wait3A = arith.constant 0 : i32
        %dma_wait3A_27 = tpu.memref_slice %arg4[%dma_wait3A, %add3A_11] : memref<16x204800xi32, #tpu.memory_space<hbm>> -> memref<16x256xi32, #tpu.memory_space<hbm>>
        %dma_wait3A_28 = arith.constant 0 : i32
        %dma_wait3A_29 = tpu.memref_slice %arg4[%dma_wait3A_28, %add3A_11] : memref<16x204800xi32, #tpu.memory_space<hbm>> -> memref<16x256xi32, #tpu.memory_space<hbm>>
        tpu.wait_dma2 semaphore(%run_scoped3A : memref<!tpu.dma_semaphore, #tpu.memory_space<semaphore_mem>>) src(%arg7 : memref<16x256xi32, #tpu.memory_space<vmem>>) dst(%dma_wait3A_29 : memref<16x256xi32, #tpu.memory_space<hbm>>)
        tpu.yield
      }) : () -> ()
    }
    %scan3A_5 = arith.constant 25 : i32
    return
  }
}

module attributes {stable_mosaic.version = 14 : i64} {
  func.func @body(%arg0: i32, %arg1: memref<2x16x200xi32, #tpu.memory_space<vmem>>, %arg2: memref<16x200x32xf32, #tpu.memory_space<vmem>>, %arg3: memref<16x200x32xf32, #tpu.memory_space<vmem>>, %arg4: memref<16x3200xi32, #tpu.memory_space<vmem>>, %arg5: memref<32x32xf32, #tpu.memory_space<vmem>>, %arg6: memref<32x32xf32, #tpu.memory_space<vmem>>, %arg7: memref<1x32xf32, #tpu.memory_space<vmem>>, %arg8: memref<32x32xf32, #tpu.memory_space<vmem>>, %arg9: memref<16x200x32xf32, #tpu.memory_space<vmem>>) attributes {dimension_semantics = [#tpu.dimension_semantics<arbitrary>], iteration_bounds = array<i64: 64>, scalar_prefetch = 0 : i64, scratch_operands = 0 : i64, tpu.core_type = #tpu.core_type<tc>, window_params = [{transform_indices = @transform_0, window_bounds = array<i64: 2, 16, 200>}, {transform_indices = @transform_1, window_bounds = array<i64: 16, 200, 32>}, {transform_indices = @transform_2, window_bounds = array<i64: 16, 200, 32>}, {transform_indices = @transform_3, window_bounds = array<i64: 16, 3200>}, {pipeline_mode = #tpu.pipeline_mode<synchronous>, transform_indices = @transform_4, window_bounds = array<i64: 32, 32>}, {pipeline_mode = #tpu.pipeline_mode<synchronous>, transform_indices = @transform_5, window_bounds = array<i64: 32, 32>}, {pipeline_mode = #tpu.pipeline_mode<synchronous>, transform_indices = @transform_6, window_bounds = array<i64: 1, 32>}, {pipeline_mode = #tpu.pipeline_mode<synchronous>, transform_indices = @transform_7, window_bounds = array<i64: 32, 32>}, {transform_indices = @transform_8, window_bounds = array<i64: 16, 200, 32>}]} {
    %get3A = arith.constant 0 : index
    %get3A_0 = arith.constant 0 : index
    %get3A_1 = arith.constant 0 : index
    %get3A_2 = vector.load %arg1[%get3A, %get3A_0, %get3A_1] : memref<2x16x200xi32, #tpu.memory_space<vmem>>, vector<2x16x200xi32>
    %slice3A = vector.extract_strided_slice %get3A_2 {offsets = [0, 0, 0], sizes = [1, 16, 200], strides = [1, 1, 1]} : vector<2x16x200xi32> to vector<1x16x200xi32>
    %squeeze3A = vector.shape_cast %slice3A : vector<1x16x200xi32> to vector<16x200xi32>
    %ge3A = arith.constant 0 : i32
    %ge3A_3 = vector.broadcast %ge3A : i32 to vector<16x200xi32>
    %ge3A_4 = arith.cmpi sge, %squeeze3A, %ge3A_3 : vector<16x200xi32>
    %convert_element_type3A = arith.extui %ge3A_4 : vector<16x200xi1> to vector<16x200xi32>
    %convert_element_type3A_5 = arith.sitofp %convert_element_type3A : vector<16x200xi32> to vector<16x200xf32>
    %broadcast_in_dim3A = vector.shape_cast %convert_element_type3A_5 : vector<16x200xf32> to vector<16x200x1xf32>
    %slice3A_6 = vector.extract_strided_slice %get3A_2 {offsets = [1, 0, 0], sizes = [1, 16, 200], strides = [1, 1, 1]} : vector<2x16x200xi32> to vector<1x16x200xi32>
    %squeeze3A_7 = vector.shape_cast %slice3A_6 : vector<1x16x200xi32> to vector<16x200xi32>
    %ge3A_8 = arith.constant 0 : i32
    %ge3A_9 = vector.broadcast %ge3A_8 : i32 to vector<16x200xi32>
    %ge3A_10 = arith.cmpi sge, %squeeze3A_7, %ge3A_9 : vector<16x200xi32>
    %convert_element_type3A_11 = arith.extui %ge3A_10 : vector<16x200xi1> to vector<16x200xi32>
    %convert_element_type3A_12 = arith.sitofp %convert_element_type3A_11 : vector<16x200xi32> to vector<16x200xf32>
    %broadcast_in_dim3A_13 = vector.shape_cast %convert_element_type3A_12 : vector<16x200xf32> to vector<16x200x1xf32>
    %get3A_14 = arith.constant 0 : index
    %get3A_15 = arith.constant 0 : index
    %get3A_16 = arith.constant 0 : index
    %get3A_17 = vector.load %arg2[%get3A_14, %get3A_15, %get3A_16] : memref<16x200x32xf32, #tpu.memory_space<vmem>>, vector<16x200x32xf32>
    %reshape3A = vector.shape_cast %get3A_17 : vector<16x200x32xf32> to vector<3200x32xf32>
    %get3A_18 = arith.constant 0 : index
    %get3A_19 = arith.constant 0 : index
    %get3A_20 = vector.load %arg5[%get3A_18, %get3A_19] : memref<32x32xf32, #tpu.memory_space<vmem>>, vector<32x32xf32>
    %dot_general3A = arith.constant dense<0.000000e+00> : vector<3200x32xf32>
    %dot_general3A_21 = tpu.matmul %reshape3A, %get3A_20, %dot_general3A {dimension_numbers = #tpu.dot_dimension_numbers<[1], [0], [0], [1], [0, 0, 1, 1], [], []>, transpose_lhs_hint = false} : vector<3200x32xf32>, vector<32x32xf32>, vector<3200x32xf32> -> vector<3200x32xf32>
    %get3A_22 = arith.constant 0 : index
    %get3A_23 = arith.constant 0 : index
    %get3A_24 = arith.constant 0 : index
    %get3A_25 = vector.load %arg3[%get3A_22, %get3A_23, %get3A_24] : memref<16x200x32xf32, #tpu.memory_space<vmem>>, vector<16x200x32xf32>
    %reshape3A_26 = vector.shape_cast %get3A_25 : vector<16x200x32xf32> to vector<3200x32xf32>
    %get3A_27 = arith.constant 0 : index
    %get3A_28 = arith.constant 0 : index
    %get3A_29 = vector.load %arg6[%get3A_27, %get3A_28] : memref<32x32xf32, #tpu.memory_space<vmem>>, vector<32x32xf32>
    %dot_general3A_30 = arith.constant dense<0.000000e+00> : vector<3200x32xf32>
    %dot_general3A_31 = tpu.matmul %reshape3A_26, %get3A_29, %dot_general3A_30 {dimension_numbers = #tpu.dot_dimension_numbers<[1], [0], [0], [1], [0, 0, 1, 1], [], []>, transpose_lhs_hint = false} : vector<3200x32xf32>, vector<32x32xf32>, vector<3200x32xf32> -> vector<3200x32xf32>
    %get3A_32 = arith.constant 0 : index
    %get3A_33 = arith.constant 0 : index
    %get3A_34 = vector.load %arg4[%get3A_32, %get3A_33] : memref<16x3200xi32, #tpu.memory_space<vmem>>, vector<16x3200xi32>
    %shift_left3A = arith.constant 16 : i32
    %shift_left3A_35 = vector.broadcast %shift_left3A : i32 to vector<16x3200xi32>
    %shift_left3A_36 = arith.shli %get3A_34, %shift_left3A_35 : vector<16x3200xi32>
    %bitcast3A = tpu.bitcast %shift_left3A_36 : vector<16x3200xi32> -> vector<16x3200xf32>
    %and3A = arith.constant -65536 : i32
    %and3A_37 = vector.broadcast %and3A : i32 to vector<16x3200xi32>
    %and3A_38 = arith.andi %get3A_34, %and3A_37 : vector<16x3200xi32>
    %bitcast3A_39 = tpu.bitcast %and3A_38 : vector<16x3200xi32> -> vector<16x3200xf32>
    %concatenate3A = tpu.concatenate %bitcast3A, %bitcast3A_39 in 0 : vector<16x3200xf32>, vector<16x3200xf32> -> vector<32x3200xf32>
    %get3A_40 = arith.constant 0 : index
    %get3A_41 = arith.constant 0 : index
    %get3A_42 = vector.load %arg8[%get3A_40, %get3A_41] : memref<32x32xf32, #tpu.memory_space<vmem>>, vector<32x32xf32>
    %dot_general3A_43 = arith.constant dense<0.000000e+00> : vector<3200x32xf32>
    %dot_general3A_44 = tpu.matmul %concatenate3A, %get3A_42, %dot_general3A_43 {dimension_numbers = #tpu.dot_dimension_numbers<[0], [0], [1], [1], [0, 1, 1, 1], [], []>, transpose_lhs_hint = false} : vector<32x3200xf32>, vector<32x32xf32>, vector<3200x32xf32> -> vector<3200x32xf32>
    %reshape3A_45 = vector.shape_cast %dot_general3A_21 : vector<3200x32xf32> to vector<16x200x32xf32>
    %mul3A = vector.broadcast %broadcast_in_dim3A : vector<16x200x1xf32> to vector<16x200x32xf32>
    %mul3A_46 = arith.mulf %mul3A, %reshape3A_45 : vector<16x200x32xf32>
    %reshape3A_47 = vector.shape_cast %dot_general3A_31 : vector<3200x32xf32> to vector<16x200x32xf32>
    %mul3A_48 = vector.broadcast %broadcast_in_dim3A_13 : vector<16x200x1xf32> to vector<16x200x32xf32>
    %mul3A_49 = arith.mulf %mul3A_48, %reshape3A_47 : vector<16x200x32xf32>
    %add3A = arith.addf %mul3A_46, %mul3A_49 : vector<16x200x32xf32>
    %get3A_50 = arith.constant 0 : index
    %get3A_51 = arith.constant 0 : index
    %get3A_52 = vector.load %arg7[%get3A_50, %get3A_51] : memref<1x32xf32, #tpu.memory_space<vmem>>, vector<1x32xf32>
    %add3A_53 = vector.broadcast %get3A_52 : vector<1x32xf32> to vector<3200x32xf32>
    %add3A_54 = arith.addf %dot_general3A_44, %add3A_53 : vector<3200x32xf32>
    %reshape3A_55 = vector.shape_cast %add3A_54 : vector<3200x32xf32> to vector<16x200x32xf32>
    %add3A_56 = arith.addf %add3A, %reshape3A_55 : vector<16x200x32xf32>
    %swap3A = arith.constant 0 : index
    %swap3A_57 = arith.constant 0 : index
    %swap3A_58 = arith.constant 0 : index
    %swap3A_59 = vector.load %arg9[%swap3A, %swap3A_57, %swap3A_58] : memref<16x200x32xf32, #tpu.memory_space<vmem>>, vector<16x200x32xf32>
    tpu.vector_store %arg9[%swap3A, %swap3A_57, %swap3A_58], %add3A_56 {strides = array<i32>} : memref<16x200x32xf32, #tpu.memory_space<vmem>>, vector<16x200x32xf32>,
    return
  }
  func.func @transform_0(%arg0: i32) -> (i32, i32, i32) {
    %c0_i32 = arith.constant 0 : i32
    %c0_i32_0 = arith.constant 0 : i32
    %c0_i32_1 = arith.constant 0 : i32
    return %c0_i32, %arg0, %c0_i32_0 : i32, i32, i32
  }
  func.func @transform_1(%arg0: i32) -> (i32, i32, i32) {
    %c0_i32 = arith.constant 0 : i32
    %c0_i32_0 = arith.constant 0 : i32
    %c0_i32_1 = arith.constant 0 : i32
    return %arg0, %c0_i32, %c0_i32_0 : i32, i32, i32
  }
  func.func @transform_2(%arg0: i32) -> (i32, i32, i32) {
    %c0_i32 = arith.constant 0 : i32
    %c0_i32_0 = arith.constant 0 : i32
    %c0_i32_1 = arith.constant 0 : i32
    return %arg0, %c0_i32, %c0_i32_0 : i32, i32, i32
  }
  func.func @transform_3(%arg0: i32) -> (i32, i32) {
    %c0_i32 = arith.constant 0 : i32
    %c0_i32_0 = arith.constant 0 : i32
    return %c0_i32, %arg0 : i32, i32
  }
  func.func @transform_4(%arg0: i32) -> (i32, i32) {
    %c0_i32 = arith.constant 0 : i32
    %c0_i32_0 = arith.constant 0 : i32
    %c0_i32_1 = arith.constant 0 : i32
    return %c0_i32, %c0_i32_0 : i32, i32
  }
  func.func @transform_5(%arg0: i32) -> (i32, i32) {
    %c0_i32 = arith.constant 0 : i32
    %c0_i32_0 = arith.constant 0 : i32
    %c0_i32_1 = arith.constant 0 : i32
    return %c0_i32, %c0_i32_0 : i32, i32
  }
  func.func @transform_6(%arg0: i32) -> (i32, i32) {
    %c0_i32 = arith.constant 0 : i32
    %c0_i32_0 = arith.constant 0 : i32
    %c0_i32_1 = arith.constant 0 : i32
    return %c0_i32, %c0_i32_0 : i32, i32
  }
  func.func @transform_7(%arg0: i32) -> (i32, i32) {
    %c0_i32 = arith.constant 0 : i32
    %c0_i32_0 = arith.constant 0 : i32
    %c0_i32_1 = arith.constant 0 : i32
    return %c0_i32, %c0_i32_0 : i32, i32
  }
  func.func @transform_8(%arg0: i32) -> (i32, i32, i32) {
    %c0_i32 = arith.constant 0 : i32
    %c0_i32_0 = arith.constant 0 : i32
    %c0_i32_1 = arith.constant 0 : i32
    return %arg0, %c0_i32, %c0_i32_0 : i32, i32, i32
  }
}

</mosaic_0001>

<sc_bundles>
// kernel: gather_offload_async_start
scs
__scs_entry_jumppad:
0x0: {  	(pc) =	sbr.rel $0x88, $3  }
0x1: {  	(tag) =	ssettag $0x0;
	lr =	simm.s32 $0x1  }
0x2: {  	[smem:$0x3F8C] =	sst lr;
	_ =	strace $0xD0000000  }
0x3: {  	_ = 	snop  }
0x4: {  	_ = 	snop  }
0x5: {  	_ = 	snop  }
0x6: {  	_ = 	snop  }
0x7: {  	_ = 	snop  }
__scs_overlays_trampoline_lowered:
0x8: {  	[smem:$0x3F9B] =	sst s0  }
0x9: {  	[smem:$0x3F9C] =	sst s1  }
0xa: {  	[smem:$0x3F9D] =	sst s2  }
0xb: {  	[smem:$0x3F9E] =	sst s3  }
0xc: {  	[smem:$0x3F9F] =	sst s4  }
0xd: {  	[smem:$0x3FA0] =	sst s5  }
0xe: {  	[smem:$0x3FA1] =	sst s6  }
0xf: {  	[smem:$0x3FA2] =	sst s7  }
0x10: {  	[smem:$0x3FA3] =	sst s8  }
0x11: {  	[smem:$0x3FA4] =	sst s9;
	s0 =	simm.s32 @!p0 $0x0  }
0x12: {  	s1 =	sld [smem:$0x3F8A];
	s0 =	simm.s32 @p0 $0x1  }
0x13: {  	[smem:$0x3FA5] =	sst s0;
	s0 =	simm.s32 @!p1 $0x0  }
0x14: {  	s2 =	sld [smem:$0x3F89];
	s0 =	simm.s32 @p1 $0x1  }
0x15: {  	[smem:$0x3FA6] =	sst s0;
	s0 =	simm.s32 @!p2 $0x0  }
0x16: {  	s3 =	sld [smem:$0x3FDB];
	s0 =	simm.s32 @p2 $0x1  }
0x17: {  	s4 =	simm.s32 $0x1BF5;
	[smem:$0x3FA8] =	sst s0  }
0x18: {  	s0 =	sld [smem:$0x3F8B];
	_ =	swait.ge [sflag:s4], $0x0  }
0x19: {  	s7 =	sld [smem:$0x3F8C]  }
0x1a: {  	s8 =	sadd.s32 $0xFFFFE003, lr  }
0x1b: {  	s9 =	sadd.s32 $0xFFFFFEF7, lr;
	s5 =	simm.s32 $0xFFFFFFFF;
	p2 =	slt.u32 s8, $0xFFFFF086  }
0x1c: {  	p1 =	slt.u32 s9, $0xF7A;
	s5 =	simm.s32 @!p2 $0x0  }
0x1d: {  	s5 =	simm.s32 @p1 $0x1;
	p0 =	seq.s32 s7, s2  }
0x1e: {  	s7 =	smul.u32 @!p0 $0xF7A, s2;
	p2 =	seq.s32 @!p0 s5, $0x0  }
0x1f: {  	s9 =	smul.u32 $0xF7A, s1;
	s8 =	simm.s32 @!p0 $0x1BF5;
	p2 =	por !p2, p0  }
0x20: {  	[sflag:s8] =	ssyncset.s32 @!p0 $0xFFFFF086;
	s6 =	sadd.s32 @!p0 s3, s7;
	s7 =	simm.s32 @!p0 $0x108  }
0x21: {  	s3 =	sadd.s32 s3, s9;
	s6 =	sadd.s32 @!p0 $0x88, s6;
	s7 =	simm.s32 @p2 $0x1082  }
0x22: {  	[simem:s7], [sflag:s8] =	dma.local @!p0 [hbm:s6], $0xF7A  }
0x23: {  	s9 =	sor.u32 $0xD0000000, s2;
	s6 =	simm.s32 $0x108;
	_ =	swait.ge @!p0 [sflag:s8], $0x0  }
0x24: {  	s3 =	sadd.s32 $0x88, s3;
	s6 =	simm.s32 @!p1 $0x1082;
	[sflag:s4] =	ssyncset.s32 $0xFFFFF086  }
0x25: {  	[simem:s6], [sflag:s4] =	dma.local [hbm:s3], $0xF7A  }
0x26: {  	[smem:$0x3F8C] =	sst s1;
	(tag) =	ssettag s2;
	_ =	strace s9  }
0x27: {  	s1 =	sld [smem:$0x3F9C]  }
0x28: {  	s2 =	sld [smem:$0x3F9D]  }
0x29: {  	s4 =	sld [smem:$0x3F9F]  }
0x2a: {  	p0 =	seq.s32 s5, $0x0;
	s5 =	sld [smem:$0x3FA0]  }
0x2b: {  	s6 =	sld [smem:$0x3FA1]  }
0x2c: {  	s7 =	sld [smem:$0x3FA2]  }
0x2d: {  	s3 =	simm.s32 $0x108;
	s8 =	sld [smem:$0x3FA3]  }
0x2e: {  	s3 =	simm.s32 @!p0 $0x1082;
	s9 =	sld [smem:$0x3FA4]  }
0x2f: {  	lr =	sadd.s32 s0, s3;
	s0 =	sld [smem:$0x3F9B]  }
0x30: {  	s3 =	sld [smem:$0x3F9E]  }
0x31: {  	[smem:$0x3FA7] =	sst s10  }
0x32: {  	s10 =	sld [smem:$0x3FA5];
	_ =	sdelay $0x3  }
0x33: {  	p0 =	seq.s32 s10, $0x1;
	s10 =	sld [smem:$0x3FA7];
	_ =	sdelay $0x3  }
0x34: {  	[smem:$0x3FA7] =	sst s10  }
0x35: {  	s10 =	sld [smem:$0x3FA6];
	_ =	sdelay $0x3  }
0x36: {  	p1 =	seq.s32 s10, $0x1;
	s10 =	sld [smem:$0x3FA7];
	_ =	sdelay $0x3  }
0x37: {  	[smem:$0x3FA7] =	sst s10  }
0x38: {  	s10 =	sld [smem:$0x3FA8]  }
0x39: {  	_ = 	snop;
	(pc) =	sbr.ind lr, $3  }
0x3a: {  	_ = 	snop  }
0x3b: {  	_ = 	snop  }
0x3c: {  	p2 =	seq.s32 s10, $0x1;
	s10 =	sld [smem:$0x3FA7]  }
0x3d: {  	_ =	shalt  }
0x3e: {  	_ =	shalt  }
0x3f: {  	_ =	shalt  }
0x40: {  	_ =	shalt  }
0x41: {  	_ =	shalt  }
0x42: {  	_ =	shalt  }
0x43: {  	_ =	shalt  }
0x44: {  	_ =	shalt  }
0x45: {  	_ =	shalt  }
0x46: {  	_ =	shalt  }
0x47: {  	_ =	shalt  }
0x48: {  	_ =	shalt  }
0x49: {  	_ =	shalt  }
0x4a: {  	_ =	shalt  }
0x4b: {  	_ =	shalt  }
0x4c: {  	_ =	shalt  }
0x4d: {  	_ =	shalt  }
0x4e: {  	_ =	shalt  }
0x4f: {  	_ =	shalt  }
0x50: {  	_ =	shalt  }
0x51: {  	_ =	shalt  }
0x52: {  	_ =	shalt  }
0x53: {  	_ =	shalt  }
0x54: {  	_ =	shalt  }
0x55: {  	_ =	shalt  }
0x56: {  	_ =	shalt  }
0x57: {  	_ =	shalt  }
0x58: {  	_ =	shalt  }
0x59: {  	_ =	shalt  }
0x5a: {  	_ =	shalt  }
0x5b: {  	_ =	shalt  }
0x5c: {  	_ =	shalt  }
0x5d: {  	_ =	shalt  }
0x5e: {  	_ =	shalt  }
0x5f: {  	_ =	shalt  }
0x60: {  	_ =	shalt  }
0x61: {  	_ =	shalt  }
0x62: {  	_ =	shalt  }
0x63: {  	_ =	shalt  }
0x64: {  	_ =	shalt  }
0x65: {  	_ =	shalt  }
0x66: {  	_ =	shalt  }
0x67: {  	_ =	shalt  }
0x68: {  	_ =	shalt  }
0x69: {  	_ =	shalt  }
0x6a: {  	_ =	shalt  }
0x6b: {  	_ =	shalt  }
0x6c: {  	_ =	shalt  }
0x6d: {  	_ =	shalt  }
0x6e: {  	_ =	shalt  }
0x6f: {  	_ =	shalt  }
0x70: {  	_ =	shalt  }
0x71: {  	_ =	shalt  }
0x72: {  	_ =	shalt  }
0x73: {  	_ =	shalt  }
0x74: {  	_ =	shalt  }
0x75: {  	_ =	shalt  }
0x76: {  	_ =	shalt  }
0x77: {  	_ =	shalt  }
0x78: {  	_ =	shalt  }
0x79: {  	_ =	shalt  }
0x7a: {  	_ =	shalt  }
0x7b: {  	_ =	shalt  }
0x7c: {  	_ =	shalt  }
0x7d: {  	_ =	shalt  }
0x7e: {  	_ =	shalt  }
0x7f: {  	_ =	shalt  }
0x80: {  	_ =	shalt  }
0x81: {  	_ =	shalt  }
0x82: {  	_ =	shalt  }
0x83: {  	_ =	shalt  }
0x84: {  	_ =	shalt  }
0x85: {  	_ =	shalt  }
0x86: {  	_ =	shalt  }
0x87: {  	_ =	shalt  }
.Lfunc_end0:
.L_simem_size_0:
called_computation_lowered:
.L_overlay_start_0:
0x88: {  	s2 =	sld [smem:$0x3FD9]  }
0x89: {  	s3 =	sld [smem:$0x3FFE];
	_ =	sdelay $0x1  }
0x8a: {  	s1 =	srdreg.scid  }
0x8b: {  	s0 =	sand.u32 $0x1, s1  }
0x8c: {  	s17 =	sshll.u32 s0, $0xA;
	s2 =	sadd.s32 s3, s2  }
0x8d: {  	s2 =	sadd.s32 s2, s17  }
0x8e: {  	[smem:$0x3FB3] =	sst s2  }
0x8f: {  	_ = 	snop  }
0x90: {  	s2 =	sld [smem:$0x3FD0];
	(tm) =	ssettm $0x1  }
0x91: {  	s18 =	sld [smem:$0x3FFB];
	_ =	sdelay $0x3  }
0x92: {  	_ =	strace s18  }
0x93: {  	s3 =	sld [smem:$0x3FFC];
	_ =	sdelay $0x3  }
0x94: {  	_ =	strace s3  }
0x95: {  	s3 =	sld [smem:$0x3FFD];
	_ =	sdelay $0x3  }
0x96: {  	_ =	strace s3  }
0x97: {  	_ =	strace $0x8FFFFFFF  }
0x98: {  	s19 =	sld [smem:$0x3FDB];
	_ =	sdelay $0x1  }
0x99: {  	s4 =	simm.s32 $_scs_section_size  }
0x9a: {  	s5 =	simm.s32 $_size__tile_overlayer_lowered;
	s6 =	simm.s32 $_tile_overlayer_lowered  }
0x9b: {  	s22 =	simm.s32 $0x1BFF;
	s21 =	sshll.u32 s6, $0x1;
	s3 =	sadd.s32 s4, s19  }
0x9c: {  	s7 =	simm.s32 $0x0;
	s20 =	sshll.u32 s5, $0x1;
	s5 =	sadd.s32 s21, s3  }
0x9d: {  	[timem:s7], [sflag:s22] =	dma.local [hbm:s5], s20  }
0x9e: {  	_ =	swait.ge [sflag:s22], s20  }
0x9f: {  	s4 =	ssub.s32 $0x0, s20;
	[sflag:s22] =	ssyncset.done $0x0  }
0xa0: {  	[sflag:s22] =	ssyncadd.s32 s4;
	_ =	sdelay $0x1  }
0xa1: {  	s23 =	simm.s32 $0x1B8B  }
0xa2: {  	_ =	swait.ge [sflag:s23], $0x1  }
0xa3: {  	[sflag:s23] =	ssyncset.done $0x0  }
0xa4: {  	s25 =	simm.s32 $0x1B8E;
	s24 =	sld [smem:$0x3FFE];
	[sflag:s23] =	ssyncadd.s32 $0xFFFFFFFF  }
0xa5: {  	s26 =	simm.s32 $execute0_lowered;
	[smem:$0x3FD2] =	sst s25  }
0xa6: {  	s5 =	sshll.u32 s26, $0x1;
	_ =	strace $0x80000046;
	[dreg:$0x1] =	wrdreg $0xFFFFFFFF  }
0xa7: {  	s28 =	simm.s32 $_size_execute0_lowered;
	s3 =	sadd.s32 s3, s5;
	[dreg:$0x0] =	wrdreg $0x0  }
0xa8: {  	s5 =	sshll.u32 s28, $0x1;
	[dreg:$0x2] =	wrdreg s3  }
0xa9: {  	[dreg:$0x3] =	wrdreg s5  }
0xaa: {  	[dreg:$0x4] =	wrdreg $0xC0  }
0xab: {  	_ =	task [dreg:s7], $0x5FFFF  }
0xac: {  	[dreg:$0x1] =	wrdreg $0xFFFFFFFF  }
0xad: {  	[dreg:$0x0] =	wrdreg $0x60  }
0xae: {  	[dreg:$0x2] =	wrdreg s2  }
0xaf: {  	[dreg:$0x3] =	wrdreg s24  }
0xb0: {  	[dreg:$0x4] =	wrdreg $0x9  }
0xb1: {  	_ =	task.clear_ibuf [dreg:s7], $0x5FFFF;
	_ =	strace $0x90000046  }
0xb2: {  	s29 =	simm.s32 $0x9;
	_ =	strace $0x80000048  }
0xb3: {  	_ =	swait.ge [sflag:s29], $0x1  }
0xb4: {  	[sflag:s29] =	ssyncadd.s32 $0xFFFFFFFF  }
0xb5: {  	_ =	strace $0x90000048  }
0xb6: {  	_ =	sfence  }
0xb7: {  	s30 =	sld [smem:$0x0];
	_ =	sdelay $0x2  }
0xb8: {  	s31 =	sshll.u32 s1, $0xD;
	s1 =	sshrl.u32 s1, $0x2  }
0xb9: {  	s3 =	sand.u32 $0x4000, s31;
	s1 =	sadd.s32 s1, s30  }
0xba: {  	s0 =	sor.u32 s3, s0;
	s1 =	sshll.u32 s1, $0x11  }
0xbb: {  	s0 =	sor.u32 s1, s0  }
0xbc: {  	s0 =	sadd.s32 $0x8F2B, s0  }
0xbd: {  	[sflag:s0] =	ssyncadd.remote.s32 $0x1  }
0xbe: {  	_ =	sfence.sel $0xFFFF  }
0xbf: {  	[dreg:$0x0] =	wrdreg $0xFFFFFFFF;
	(pc) =	sbr.abs _section_cstart, $3  }
0xc0: {  	[dreg:$0x1] =	wrdreg $0xFFFFFFFF  }
0xc1: {  	_ =	task.clear_ibuf [dreg:s7], $0x2FFFF;
	_ =	strace $0x9FFFFFFF  }
0xc2: {  	(tm) =	ssettm $0x7FFFFFFF  }
0xc3: {  	_ =	shalt  }
tec
execute0_lowered:
.L_overlay_start_1:
0x0: {  	(tag) =	ssettag $0x1  }
0x1: {  	s2 =	rddreg [dreg:$0x0];
	s0 =	stileid.u32  }
0x2: {  	s1 =	srdreg.scid;
	s8 =	rddreg [dreg:$0x1]  }
0x3: {  	s5 =	simm.s32 $0x1;
	s9 =	simm.s32 $0x1;
	s10 =	simm.s32 $0x3  }
0x4: {  	s13 =	simm.s32 $0x0;
	s3 =	sand.u32 $0x1, s1;
	s4 =	sshll.u32 s0, $0x1  }
0x5: {  	s12 =	simm.s32 $0x0;
	s1 =	rddreg [dreg:$0x2];
	s6 =	sor.u32 s4, s3  }
0x6: {  	_ =	strace $0x80000047;
	s3 =	sadd.s32 $0x2E00, s8;
	s4 =	smul.u32 $0xA40, s6  }
0x7: {  	[sflag:s5] =	ssyncpa.u1 $0x0;
	p0 =	slt.u32 s6, $0x3;
	s6 =	simm.s32 $0x14800  }
.Ltmp0:
0x8: {  	s6 =	simm.s32 @!p0 $0x0;
	s7 =	ssub.s32 $0x15C80, s4;
	(pc) =	sbr.rel .LBB2_1-.Ltmp0, $4  }
0x9: {  	s9 =	simm.s32 @!p0 $0x0;
	p0 =	sne.s32 s7, s6;
	s7 =	simm.s32 $0x1  }
0xa: {  	s8 =	sadd.s32 $0x32B200, s8;
	s6 =	simm.s32 $0x2;
	s7 =	simm.s32 @!p0 $0x0  }
0xb: {  	s11 =	smov.u32 s4;
	[sflag:s6] =	ssyncpa.u1 $0x0;
	s7 =	sadd.s32 s9, s7  }
0xc: {  	vm0 =	vmmov $0xffff;
	[sflag:s10] =	ssyncpa.u1 $0x0;
	s10 =	simm.s32 $0x0;
	s9 =	sadd.s32 $0x1, s7  }
.LBB2_4:
0xd: {  	vm2 =	veq.s32 v2, $0x80000000;
	v4 =	vand.u32 $0xF, v4;
	v5 =	vor.u32 v6, v5  }
0xe: {  	v1 =	vand.u32 $0x1FFF, v1;
	v7 =	vshrl.u32 v2, $0xD;
	v56 =	vand.u32 $0x1FFF, v2  }
0xf: {  	v4 =	vsel vm1, $0xFFFFFFFF, v4;
	v3 =	vor.u32 v3, v5;
	v1 =	vsel vm1, $0xFFFFFFFF, v1  }
0x10: {  	vm1 =	vmmov vm2;
	v7 =	vand.u32 $0xF, v7;
	v54 =	vshrl.u32 v4, $0x3  }
0x11: {  	v4 =	vshll.u32 v4, $0x7;
	v55 =	vshll.u32 v1, $0x3;
	v57 =	vsel vm1, $0xFFFFFFFF, v7  }
0x12: {  	v2 =	vsel vm1, $0xFFFFFFFF, v56;
	v1 =	vand.u32 $0x7F, v1;
	v5 =	vmul.u32 $0xB000, v54  }
0x13: {  	v6 =	vand.u32 $0xFFFFFC00, v55;
	v4 =	vand.u32 $0x380, v4;
	v7 =	vshrl.u32 v57, $0x3  }
0x14: {  	v59 =	vshll.u32 v2, $0x3;
	v58 =	vmul.u32 $0xB000, v7;
	v5 =	vadd.s32 v6, v5  }
0x15: {  	v7 =	vand.u32 $0xFFFFFC00, v59;
	v6 =	vshll.u32 v57, $0x7;
	v4 =	vor.u32 v4, v5  }
0x16: {  	v60 =	vadd.s32 v7, v58;
	v61 =	vand.u32 $0x380, v6;
	v1 =	vor.u32 v1, v4  }
0x17: {  	[tilespmem:s16], [sflag:$0x1] =	stream.indirect_vreg.gather [hbm4b:s2+s10], $0x1, v0, vm0, $0x4038;
	v62 =	vand.u32 $0x7F, v2;
	v63 =	vor.u32 v61, v60;
	[tilespmem:$0x2900] =	vst v63  }
0x18: {  	(ifvalue) =	ssetifvalue $0x7FFFFFFF;
	v0 =	vor.u32 v62, v63  }
0x19: {  	[tilespmem:s15], [sflag:$0x1] =	stream.indirect_vreg.gather [hbm4b:s2+s10], $0x1, v3, vm0, $0x4038;
	[tilespmem:$0x2900] =	vst v63  }
0x1a: {  	s29 =	sadd.s32 $0x10, s15;
	(ifvalue) =	ssetifvalue $0x7FFFFFFF  }
0x1b: {  	[tilespmem:s29], [sflag:$0x1] =	stream.indirect_vreg.gather [hbm4b:s2+s10], $0x1, v1, vm0, $0x4038;
	[tilespmem:$0x2900] =	vst v63  }
0x1c: {  	s15 =	sadd.s32 $0x10, s29;
	(ifvalue) =	ssetifvalue $0x7FFFFFFF  }
0x1d: {  	[tilespmem:s15], [sflag:$0x1] =	stream.indirect_vreg.gather [hbm4b:s2+s10], $0x1, v0, vm0, $0x4038;
	[tilespmem:$0x2900] =	vst v63  }
0x1e: {  	_ =	swait.ge [sflag:s5], $0xA40  }
0x1f: {  	s30 =	sshrl.u32 s13, $0x3;
	[sflag:s5] =	ssyncset.done $0x0  }
0x20: {  	s31 =	sand.u32 $0x7, s13;
	s15 =	sadd.s32 s8, s30;
	[sflag:s5] =	ssyncadd.s32 $0xFFFFF5C0  }
0x21: {  	[hbm4b:s15+s31] =	stream.linear.scatter [tilespmem:s14], [sflag:$0x3], $0xA40, $0x38;
	[tilespmem:$0x2900] =	vst v63  }
.LBB2_5:
0x22: {  	s15 =	sadd.s32 $0x14800, s11  }
0x23: {  	p1 =	sgt.s32 s15, $0x15C7F  }
0x24: {  	s15 =	smov.u32 @p1 s4;
	p1 =	sne.s32 s12, s9  }
.Ltmp1:
0x25: {  	p0 =	slt.u32 s12, $0x2;
	(pc) =	sbr.rel @!p1 .LBB2_6-.Ltmp1, $4  }
0x26: {  	s14 =	simm.s32 @!p0 $0x3  }
0x27: {  	_ =	swait.ge @!p0 [sflag:s14], $0xA40  }
0x28: {  	s16 =	sadd.s32 $0x1, s12;
	s13 =	smov.u32 s11;
	[sflag:s14] =	ssyncset.done @!p0 $0x0  }
0x29: {  	s12 =	smov.u32 s16;
	s11 =	smov.u32 s15;
	[sflag:s14] =	ssyncadd.s32 @!p0 $0xFFFFF5C0  }
.LBB2_1:
0x2a: {  	p0 =	sge.u32 s12, s7  }
0x2b: {  	s14 =	sxor.u32 @!p0 $0x1, s12  }
0x2c: {  	s14 =	smul.u32 @!p0 $0x2900, s14  }
0x2d: {  	s31 =	sadd.s32 $0xFFFFFFFF, s12;
	s15 =	sshrl.u32 @!p0 s11, $0x3  }
0x2e: {  	s16 =	sand.u32 @!p0 $0x7, s11;
	s15 =	sadd.s32 @!p0 s3, s15;
	s14 =	sshra.s32 @!p0 s14, $0x2  }
0x2f: {  	[tilespmem:s14], [sflag:$0x2] =	stream.linear.gather @!p0 [hbm4b:s15+s16], $0xA40, $0x38;
	[tilespmem:$0x2900] =	vst v63  }
0x30: {  	p0 =	sge.u32 s31, s7  }
.Ltmp2:
0x31: {  	_ = 	snop;
	(pc) =	sbr.rel @p0 .LBB2_5-.Ltmp2, $1  }
0x32: {  	_ =	sdelay $0x3  }
0x33: {  	s14 =	sand.u32 $0x1, s12  }
0x34: {  	_ =	swait.ge [sflag:s6], $0xA40;
	p0 =	seq.s32 s14, $0x1;
	s14 =	simm.s32 $0xA40  }
0x35: {  	[sflag:s6] =	ssyncset.done $0x0;
	s14 =	simm.s32 @!p0 $0x0  }
0x36: {  	[sflag:s6] =	ssyncadd.s32 $0xFFFFF5C0;
	(ifvalue) =	ssetifvalue $0x7FFFFFFF;
	v0 =	vld.msk [tilespmem:s14+$0x0 ss:$0x1], $0xffff;
	_ =	sdelay $0x2  }
0x37: {  	s15 =	sadd.s32 $0x10, s14  }
0x38: {  	v2 =	vld.msk [tilespmem:s15+$0x0 ss:$0x1], $0xffff  }
0x39: {  	vm1 =	veq.s32 v0, $0x80000000;
	v1 =	vshrl.u32 v0, $0xD  }
0x3a: {  	vm1 =	vmmov vm1;
	v3 =	vand.u32 $0xF, v1  }
0x3b: {  	v0 =	vand.u32 $0x1FFF, v0;
	v3 =	vsel vm1, $0xFFFFFFFF, v3  }
0x3c: {  	s15 =	sadd.s32 $0x10, s15;
	v0 =	vsel vm1, $0xFFFFFFFF, v0;
	v4 =	vshrl.u32 v3, $0x3  }
0x3d: {  	v1 =	vld.msk [tilespmem:s15+$0x0 ss:$0x1], $0xffff;
	v6 =	vshrl.u32 v2, $0xD;
	v5 =	vshll.u32 v0, $0x3;
	v4 =	vmul.u32 $0xB000, v4  }
0x3e: {  	vm1 =	veq.s32 v2, $0x80000000;
	v3 =	vshll.u32 v3, $0x7;
	v5 =	vand.u32 $0xFFFFFC00, v5  }
0x3f: {  	v0 =	vand.u32 $0x7F, v0;
	v3 =	vand.u32 $0x380, v3;
	v4 =	vadd.s32 v5, v4  }
0x40: {  	vm1 =	vmmov vm1;
	v5 =	vand.u32 $0xF, v6;
	v3 =	vor.u32 v3, v4  }
0x41: {  	v2 =	vand.u32 $0x1FFF, v2;
	v4 =	vsel vm1, $0xFFFFFFFF, v5;
	v0 =	vor.u32 v0, v3  }
0x42: {  	s15 =	sadd.s32 $0x10, s15;
	vm2 =	veq.s32 v1, $0x80000000;
	v3 =	vsel vm1, $0xFFFFFFFF, v2;
	v2 =	vshrl.u32 v4, $0x3  }
0x43: {  	s14 =	sor.u32 $0x1480, s14;
	v6 =	vshll.u32 v4, $0x7;
	v5 =	vmul.u32 $0xB000, v2;
	v4 =	vshll.u32 v3, $0x3;
	v2 =	vld.msk [tilespmem:s15+$0x0 ss:$0x1], $0xffff  }
0x44: {  	s17 =	simm.s32 $0x30;
	s16 =	smov.u32 s14;
	vm1 =	vmmov vm2;
	v3 =	vand.u32 $0x7F, v3;
	v7 =	vand.u32 $0xFFFFFC00, v4  }
0x45: {  	s18 =	sadd.s32 $0x10, s15;
	v6 =	vand.u32 $0x380, v6;
	(ifvalue) =	ssetifvalue $0x7FFFFFFF;
	s15 =	sadd.s32 $0x10, s14;
	v4 =	vshrl.u32 v1, $0xD;
	v5 =	vadd.s32 v7, v5  }
.LBB2_3:
0x46: {  	[tilespmem:s16], [sflag:$0x1] =	stream.indirect_vreg.gather [hbm4b:s2+s10], $0x1, v0, vm0, $0x4038;
	[tilespmem:$0x2900] =	vst v63  }
0x47: {  	s17 =	sadd.s32 $0x10, s17  }
0x48: {  	vm2 =	veq.s32 v2, $0x80000000;
	v4 =	vand.u32 $0xF, v4;
	v5 =	vor.u32 v6, v5;
	v6 =	vmovc v2;
	v2 =	vld.msk [tilespmem:s18+$0x0 ss:$0x1], $0xffff;
	p0 =	slt.u32 s17, $0xA30  }
.Ltmp3:
0x49: {  	v7 =	vand.u32 $0x1FFF, v1;
	s16 =	smov.u32 s15;
	v4 =	vsel vm1, $0xFFFFFFFF, v4;
	v0 =	vor.u32 v3, v5;
	v1 =	vmovc v6;
	(pc) =	sbr.rel @p0 .LBB2_3-.Ltmp3, $4  }
0x4a: {  	v5 =	vsel vm1, $0xFFFFFFFF, v7;
	v6 =	vshrl.u32 v4, $0x3;
	v7 =	vshll.u32 v4, $0x7  }
0x4b: {  	v3 =	vand.u32 $0x7F, v5;
	v4 =	vshll.u32 v5, $0x3;
	v6 =	vmul.u32 $0xB000, v6  }
0x4c: {  	vm1 =	vmmov vm2;
	v5 =	vand.u32 $0xFFFFFC00, v4  }
0x4d: {  	s18 =	sadd.s32 $0x10, s18;
	s15 =	sadd.s32 $0x10, s15;
	v4 =	vshrl.u32 v1, $0xD;
	v5 =	vadd.s32 v5, v6;
	v6 =	vand.u32 $0x380, v7;
	(ifvalue) =	ssetifvalue $0x7FFFFFFF  }
.Ltmp4:
0x4e: {  	_ = 	snop;
	(pc) =	sbr.rel .LBB2_4-.Ltmp4, $1  }
0x4f: {  	_ =	sdelay $0x3  }
.LBB2_6:
0x50: {  	_ =	sfence.sel $0x180000  }
0x51: {  	s2 =	simm.s32 $0x2;
	[bflag:$0x0] =	sbarrier.arrive $0xFFFF  }
0x52: {  	s30 =	simm.s32 $0x3;
	[sflag:s2] =	ssyncpa.u1 $0x1  }
0x53: {  	s31 =	simm.s32 $0x1;
	[sflag:s30] =	ssyncpa.u1 $0x1  }
0x54: {  	[sflag:s31] =	ssyncpa.u1 $0x1  }
0x55: {  	p0 =	sne.s32 s0, $0x0;
	_ =	strace $0x90000047  }
0x56: {  	s0 =	sadd.s32 @!p0 $0x100000, s1;
	[bflag:$0x2] =	sbarrier.arrive $0xFFFF  }
0x57: {  	[sflag:s0] =	ssyncadd.tile.s32 @!p0 $0x1;
	_ =	shalt  }
.Lfunc_end2:
_tile_overlayer_lowered:
.L_overlay_start_2:
0x58: {  	(tag) =	ssettag $0x2  }
0x59: {  	s0 =	rddreg [dreg:$0x0];
	s2 =	stileid.u32  }
0x5a: {  	s1 =	rddreg [dreg:$0x1];
	p0 =	sne.s32 s2, $0x0  }
0x5b: {  	s3 =	rddreg [dreg:$0x2];
	[bflag:$0x3] =	sbarrier.arrive $0xFFFF;
	s2 =	simm.s32 @!p0 $0x1C01  }
0x5c: {  	[timem:s3], [sflag:s2] =	dma.local @!p0 [hbm:s0], s1  }
0x5d: {  	s0 =	simm.s32 @!p0 $0x1  }
0x5e: {  	_ =	swait.ge @!p0 [sflag:s0], s1  }
0x5f: {  	s1 =	ssub.s32 @!p0 $0x0, s1;
	[sflag:s0] =	ssyncset.done @!p0 $0x0  }
0x60: {  	[sflag:s0] =	ssyncadd.s32 @!p0 s1  }
0x61: {  	[bflag:$0x3] =	sbarrier.arrive $0xFFFF  }
0x62: {  	_ =	shalt  }

// kernel: kernel.4.cloned.1.call-start
scs
__scs_entry_jumppad:
0x0: {  	(pc) =	sbr.rel $0x88, $3  }
0x1: {  	(tag) =	ssettag $0x0;
	lr =	simm.s32 $0x1  }
0x2: {  	[smem:$0x3F8C] =	sst lr;
	_ =	strace $0xD0000000  }
0x3: {  	_ = 	snop  }
0x4: {  	_ = 	snop  }
0x5: {  	_ = 	snop  }
0x6: {  	_ = 	snop  }
0x7: {  	_ = 	snop  }
__scs_overlays_trampoline_lowered:
0x8: {  	[smem:$0x3F9B] =	sst s0  }
0x9: {  	[smem:$0x3F9C] =	sst s1  }
0xa: {  	[smem:$0x3F9D] =	sst s2  }
0xb: {  	[smem:$0x3F9E] =	sst s3  }
0xc: {  	[smem:$0x3F9F] =	sst s4  }
0xd: {  	[smem:$0x3FA0] =	sst s5  }
0xe: {  	[smem:$0x3FA1] =	sst s6  }
0xf: {  	[smem:$0x3FA2] =	sst s7  }
0x10: {  	[smem:$0x3FA3] =	sst s8  }
0x11: {  	[smem:$0x3FA4] =	sst s9;
	s0 =	simm.s32 @!p0 $0x0  }
0x12: {  	s1 =	sld [smem:$0x3F8A];
	s0 =	simm.s32 @p0 $0x1  }
0x13: {  	[smem:$0x3FA5] =	sst s0;
	s0 =	simm.s32 @!p1 $0x0  }
0x14: {  	s2 =	sld [smem:$0x3F89];
	s0 =	simm.s32 @p1 $0x1  }
0x15: {  	[smem:$0x3FA6] =	sst s0;
	s0 =	simm.s32 @!p2 $0x0  }
0x16: {  	s3 =	sld [smem:$0x3FDB];
	s0 =	simm.s32 @p2 $0x1  }
0x17: {  	s4 =	simm.s32 $0x1BF5;
	[smem:$0x3FA8] =	sst s0  }
0x18: {  	s0 =	sld [smem:$0x3F8B];
	_ =	swait.ge [sflag:s4], $0x0  }
0x19: {  	s7 =	sld [smem:$0x3F8C]  }
0x1a: {  	s8 =	sadd.s32 $0xFFFFE003, lr  }
0x1b: {  	s9 =	sadd.s32 $0xFFFFFEF7, lr;
	s5 =	simm.s32 $0xFFFFFFFF;
	p2 =	slt.u32 s8, $0xFFFFF086  }
0x1c: {  	p1 =	slt.u32 s9, $0xF7A;
	s5 =	simm.s32 @!p2 $0x0  }
0x1d: {  	s5 =	simm.s32 @p1 $0x1;
	p0 =	seq.s32 s7, s2  }
0x1e: {  	s7 =	smul.u32 @!p0 $0xF7A, s2;
	p2 =	seq.s32 @!p0 s5, $0x0  }
0x1f: {  	s9 =	smul.u32 $0xF7A, s1;
	s8 =	simm.s32 @!p0 $0x1BF5;
	p2 =	por !p2, p0  }
0x20: {  	[sflag:s8] =	ssyncset.s32 @!p0 $0xFFFFF086;
	s6 =	sadd.s32 @!p0 s3, s7;
	s7 =	simm.s32 @!p0 $0x108  }
0x21: {  	s3 =	sadd.s32 s3, s9;
	s6 =	sadd.s32 @!p0 $0x88, s6;
	s7 =	simm.s32 @p2 $0x1082  }
0x22: {  	[simem:s7], [sflag:s8] =	dma.local @!p0 [hbm:s6], $0xF7A  }
0x23: {  	s9 =	sor.u32 $0xD0000000, s2;
	s6 =	simm.s32 $0x108;
	_ =	swait.ge @!p0 [sflag:s8], $0x0  }
0x24: {  	s3 =	sadd.s32 $0x88, s3;
	s6 =	simm.s32 @!p1 $0x1082;
	[sflag:s4] =	ssyncset.s32 $0xFFFFF086  }
0x25: {  	[simem:s6], [sflag:s4] =	dma.local [hbm:s3], $0xF7A  }
0x26: {  	[smem:$0x3F8C] =	sst s1;
	(tag) =	ssettag s2;
	_ =	strace s9  }
0x27: {  	s1 =	sld [smem:$0x3F9C]  }
0x28: {  	s2 =	sld [smem:$0x3F9D]  }
0x29: {  	s4 =	sld [smem:$0x3F9F]  }
0x2a: {  	p0 =	seq.s32 s5, $0x0;
	s5 =	sld [smem:$0x3FA0]  }
0x2b: {  	s6 =	sld [smem:$0x3FA1]  }
0x2c: {  	s7 =	sld [smem:$0x3FA2]  }
0x2d: {  	s3 =	simm.s32 $0x108;
	s8 =	sld [smem:$0x3FA3]  }
0x2e: {  	s3 =	simm.s32 @!p0 $0x1082;
	s9 =	sld [smem:$0x3FA4]  }
0x2f: {  	lr =	sadd.s32 s0, s3;
	s0 =	sld [smem:$0x3F9B]  }
0x30: {  	s3 =	sld [smem:$0x3F9E]  }
0x31: {  	[smem:$0x3FA7] =	sst s10  }
0x32: {  	s10 =	sld [smem:$0x3FA5];
	_ =	sdelay $0x3  }
0x33: {  	p0 =	seq.s32 s10, $0x1;
	s10 =	sld [smem:$0x3FA7];
	_ =	sdelay $0x3  }
0x34: {  	[smem:$0x3FA7] =	sst s10  }
0x35: {  	s10 =	sld [smem:$0x3FA6];
	_ =	sdelay $0x3  }
0x36: {  	p1 =	seq.s32 s10, $0x1;
	s10 =	sld [smem:$0x3FA7];
	_ =	sdelay $0x3  }
0x37: {  	[smem:$0x3FA7] =	sst s10  }
0x38: {  	s10 =	sld [smem:$0x3FA8]  }
0x39: {  	_ = 	snop;
	(pc) =	sbr.ind lr, $3  }
0x3a: {  	_ = 	snop  }
0x3b: {  	_ = 	snop  }
0x3c: {  	p2 =	seq.s32 s10, $0x1;
	s10 =	sld [smem:$0x3FA7]  }
0x3d: {  	_ =	shalt  }
0x3e: {  	_ =	shalt  }
0x3f: {  	_ =	shalt  }
0x40: {  	_ =	shalt  }
0x41: {  	_ =	shalt  }
0x42: {  	_ =	shalt  }
0x43: {  	_ =	shalt  }
0x44: {  	_ =	shalt  }
0x45: {  	_ =	shalt  }
0x46: {  	_ =	shalt  }
0x47: {  	_ =	shalt  }
0x48: {  	_ =	shalt  }
0x49: {  	_ =	shalt  }
0x4a: {  	_ =	shalt  }
0x4b: {  	_ =	shalt  }
0x4c: {  	_ =	shalt  }
0x4d: {  	_ =	shalt  }
0x4e: {  	_ =	shalt  }
0x4f: {  	_ =	shalt  }
0x50: {  	_ =	shalt  }
0x51: {  	_ =	shalt  }
0x52: {  	_ =	shalt  }
0x53: {  	_ =	shalt  }
0x54: {  	_ =	shalt  }
0x55: {  	_ =	shalt  }
0x56: {  	_ =	shalt  }
0x57: {  	_ =	shalt  }
0x58: {  	_ =	shalt  }
0x59: {  	_ =	shalt  }
0x5a: {  	_ =	shalt  }
0x5b: {  	_ =	shalt  }
0x5c: {  	_ =	shalt  }
0x5d: {  	_ =	shalt  }
0x5e: {  	_ =	shalt  }
0x5f: {  	_ =	shalt  }
0x60: {  	_ =	shalt  }
0x61: {  	_ =	shalt  }
0x62: {  	_ =	shalt  }
0x63: {  	_ =	shalt  }
0x64: {  	_ =	shalt  }
0x65: {  	_ =	shalt  }
0x66: {  	_ =	shalt  }
0x67: {  	_ =	shalt  }
0x68: {  	_ =	shalt  }
0x69: {  	_ =	shalt  }
0x6a: {  	_ =	shalt  }
0x6b: {  	_ =	shalt  }
0x6c: {  	_ =	shalt  }
0x6d: {  	_ =	shalt  }
0x6e: {  	_ =	shalt  }
0x6f: {  	_ =	shalt  }
0x70: {  	_ =	shalt  }
0x71: {  	_ =	shalt  }
0x72: {  	_ =	shalt  }
0x73: {  	_ =	shalt  }
0x74: {  	_ =	shalt  }
0x75: {  	_ =	shalt  }
0x76: {  	_ =	shalt  }
0x77: {  	_ =	shalt  }
0x78: {  	_ =	shalt  }
0x79: {  	_ =	shalt  }
0x7a: {  	_ =	shalt  }
0x7b: {  	_ =	shalt  }
0x7c: {  	_ =	shalt  }
0x7d: {  	_ =	shalt  }
0x7e: {  	_ =	shalt  }
0x7f: {  	_ =	shalt  }
0x80: {  	_ =	shalt  }
0x81: {  	_ =	shalt  }
0x82: {  	_ =	shalt  }
0x83: {  	_ =	shalt  }
0x84: {  	_ =	shalt  }
0x85: {  	_ =	shalt  }
0x86: {  	_ =	shalt  }
0x87: {  	_ =	shalt  }
.Lfunc_end0:
.L_simem_size_0:
called_computation.1_lowered:
.L_overlay_start_0:
0x88: {  	s2 =	sld [smem:$0x3FD9]  }
0x89: {  	s3 =	sld [smem:$0x3FFE];
	_ =	sdelay $0x1  }
0x8a: {  	s1 =	srdreg.scid  }
0x8b: {  	s0 =	sand.u32 $0x1, s1  }
0x8c: {  	s16 =	sshll.u32 s0, $0xA;
	s2 =	sadd.s32 s3, s2  }
0x8d: {  	s2 =	sadd.s32 s2, s16  }
0x8e: {  	[smem:$0x3FB3] =	sst s2  }
0x8f: {  	_ = 	snop  }
0x90: {  	(tm) =	ssettm $0x1  }
0x91: {  	s17 =	sld [smem:$0x3FFB];
	_ =	sdelay $0x3  }
0x92: {  	_ =	strace s17  }
0x93: {  	s2 =	sld [smem:$0x3FFC];
	_ =	sdelay $0x3  }
0x94: {  	_ =	strace s2  }
0x95: {  	s2 =	sld [smem:$0x3FFD];
	_ =	sdelay $0x3  }
0x96: {  	_ =	strace s2  }
0x97: {  	_ =	strace $0x8FFFFFFF  }
0x98: {  	s18 =	sld [smem:$0x3FDB];
	_ =	sdelay $0x1  }
0x99: {  	s19 =	simm.s32 $_scs_section_size  }
0x9a: {  	s4 =	simm.s32 $_size__tile_overlayer_lowered;
	s5 =	simm.s32 $_tile_overlayer_lowered  }
0x9b: {  	s22 =	simm.s32 $0x1BFF;
	s21 =	sshll.u32 s5, $0x1;
	s2 =	sadd.s32 s19, s18  }
0x9c: {  	s6 =	simm.s32 $0x0;
	s20 =	sshll.u32 s4, $0x1;
	s4 =	sadd.s32 s21, s2  }
0x9d: {  	[timem:s6], [sflag:s22] =	dma.local [hbm:s4], s20  }
0x9e: {  	_ =	swait.ge [sflag:s22], s20  }
0x9f: {  	s3 =	ssub.s32 $0x0, s20;
	[sflag:s22] =	ssyncset.done $0x0  }
0xa0: {  	[sflag:s22] =	ssyncadd.s32 s3;
	_ =	sdelay $0x1  }
0xa1: {  	s23 =	simm.s32 $0x1B8B  }
0xa2: {  	_ =	swait.ge [sflag:s23], $0x1  }
0xa3: {  	[sflag:s23] =	ssyncset.done $0x0  }
0xa4: {  	s25 =	simm.s32 $0x1B8E;
	s24 =	sld [smem:$0x3FFE];
	[sflag:s23] =	ssyncadd.s32 $0xFFFFFFFF  }
0xa5: {  	s26 =	simm.s32 $execute0_lowered;
	[smem:$0x3FD2] =	sst s25  }
0xa6: {  	s4 =	sshll.u32 s26, $0x1;
	_ =	strace $0x80000049;
	[dreg:$0x1] =	wrdreg $0xFFFFFFFF  }
0xa7: {  	s28 =	simm.s32 $_size_execute0_lowered;
	s2 =	sadd.s32 s2, s4;
	[dreg:$0x0] =	wrdreg $0x0  }
0xa8: {  	s4 =	sshll.u32 s28, $0x1;
	[dreg:$0x2] =	wrdreg s2  }
0xa9: {  	[dreg:$0x3] =	wrdreg s4  }
0xaa: {  	[dreg:$0x4] =	wrdreg $0xC0  }
0xab: {  	_ =	task [dreg:s6], $0x5FFFF  }
0xac: {  	[dreg:$0x1] =	wrdreg $0xFFFFFFFF  }
0xad: {  	[dreg:$0x0] =	wrdreg $0x60  }
0xae: {  	[dreg:$0x2] =	wrdreg s24  }
0xaf: {  	[dreg:$0x3] =	wrdreg $0x9  }
0xb0: {  	_ =	task.clear_ibuf [dreg:s6], $0x4FFFF;
	_ =	strace $0x90000049  }
0xb1: {  	s29 =	simm.s32 $0x9;
	_ =	strace $0x8000004B  }
0xb2: {  	_ =	swait.ge [sflag:s29], $0x1  }
0xb3: {  	[sflag:s29] =	ssyncadd.s32 $0xFFFFFFFF  }
0xb4: {  	_ =	strace $0x9000004B  }
0xb5: {  	_ =	sfence  }
0xb6: {  	s30 =	sld [smem:$0x0];
	_ =	sdelay $0x2  }
0xb7: {  	s31 =	sshll.u32 s1, $0xD;
	s1 =	sshrl.u32 s1, $0x2  }
0xb8: {  	s3 =	sand.u32 $0x4000, s31;
	s1 =	sadd.s32 s1, s30  }
0xb9: {  	s0 =	sor.u32 s3, s0;
	s1 =	sshll.u32 s1, $0x11  }
0xba: {  	s0 =	sor.u32 s1, s0  }
0xbb: {  	s0 =	sadd.s32 $0x8F2B, s0  }
0xbc: {  	[sflag:s0] =	ssyncadd.remote.s32 $0x1  }
0xbd: {  	_ =	sfence.sel $0xFFFF  }
0xbe: {  	[dreg:$0x0] =	wrdreg $0xFFFFFFFF;
	(pc) =	sbr.abs _section_cstart, $3  }
0xbf: {  	[dreg:$0x1] =	wrdreg $0xFFFFFFFF  }
0xc0: {  	_ =	task.clear_ibuf [dreg:s6], $0x2FFFF;
	_ =	strace $0x9FFFFFFF  }
0xc1: {  	(tm) =	ssettm $0x7FFFFFFF  }
tec
execute0_lowered:
.L_overlay_start_1:
0x0: {  	(tag) =	ssettag $0x1  }
0x1: {  	s5 =	rddreg [dreg:$0x0];
	v0 =	vlaneseq.u32  }
0x2: {  	s0 =	rddreg [dreg:$0x1];
	s1 =	simm.s32 $0x0;
	v0 =	vmul.u32 $0x13, v0  }
0x3: {  	s2 =	srdreg.scid;
	s10 =	simm.s32 $0x800;
	s11 =	simm.s32 $0x190000  }
0x4: {  	v17 =	vimm.s32 $0xDA2;
	s12 =	simm.s32 $0x17800;
	s13 =	simm.s32 $0x0;
	[smem:$0x7FF] =	sst s1;
	v1 =	vadd.s32 $0x2, v0;
	v2 =	vadd.s32 $0x3, v0  }
0x5: {  	s6 =	sand.u32 $0x1, s2;
	s2 =	stileid.u32;
	s3 =	sadd.s32 $0x2E00, s5;
	v3 =	vadd.s32 $0x4, v0;
	v4 =	vadd.s32 $0x7, v0;
	v5 =	vadd.s32 $0x5, v0  }
0x6: {  	s4 =	sadd.s32 $0x32DE00, s5;
	s5 =	sadd.s32 $0x5A00, s5;
	s7 =	ssub.s32 $0x2, s6;
	v6 =	vadd.s32 $0x8, v0;
	v7 =	vadd.s32 $0x6, v0;
	v8 =	vadd.s32 $0x11, v0  }
0x7: {  	_ =	strace $0x8000004A;
	s9 =	sshll.u32 s2, $0x1;
	s8 =	sshrl.u32 s7, $0x1;
	v9 =	vadd.s32 $0x9, v0;
	v10 =	vadd.s32 $0xA, v0;
	v11 =	vadd.s32 $0xB, v0  }
0x8: {  	s6 =	sor.u32 s6, s9;
	v12 =	vadd.s32 $0xC, v0;
	s9 =	simm.s32 $0x16000;
	v13 =	vadd.s32 $0xD, v0;
	v14 =	vadd.s32 $0xE, v0;
	s7 =	ssub.s32 s7, s8  }
0x9: {  	v15 =	vadd.s32 $0xF, v0;
	v16 =	vadd.s32 $0x12, v0;
	v18 =	vadd.s32 $0x10, v0;
	s6 =	smul.u32 $0x1900, s6;
	s8 =	simm.s32 $0x1;
	s7 =	smax.u32 s7, $0x1  }
.LBB2_1:
0xa: {  	[tilespmem:s1], [sflag:$0x1] =	stream.linear.gather [hbm4b:s3+s1], $0x15C80, $0x38;
	[tilespmem:$0x18800] =	vst v63  }
0xb: {  	_ =	swait.ge [sflag:s8], $0x15C80  }
0xc: {  	[sflag:s8] =	ssyncset.done $0x0  }
0xd: {  	s14 =	simm.s32 $0x0;
	[sflag:s8] =	ssyncadd.s32 $0xFFFEA380  }
.LBB2_2:
0xe: {  	s15 =	sshll.u32 s14, $0x8  }
0xf: {  	s15 =	sadd.s32 s6, s15  }
0x10: {  	s17 =	smul.u32 $0x13, s15;
	_ =	sdelay $0x1  }
0x11: {  	s16 =	sshrl.u32 s17, $0x7  }
0x12: {  	s16 =	sand.u32 $0xFFFFF8, s16  }
0x13: {  	s18 =	smin.u32 s16, $0x7690  }
0x14: {  	s16 =	sshll.u32 s18, $0x4  }
0x15: {  	s19 =	sadd.s32 s4, s16;
	s16 =	simm.s32 $0x0  }
0x16: {  	[tilespmem:s9], [sflag:$0x1] =	stream.linear.gather [hbm4b:s19+s16], $0x1800, $0x38;
	[tilespmem:$0x18800] =	vst v63  }
0x17: {  	s18 =	sshll.u32 s18, $0x7;
	_ =	swait.ge [sflag:s8], $0x1800  }
0x18: {  	s17 =	ssub.s32 s17, s18;
	[sflag:s8] =	ssyncset.done $0x0  }
0x19: {  	v19 =	vmov s17;
	s17 =	simm.s32 $0x0;
	[sflag:s8] =	ssyncadd.s32 $0xFFFFE800  }
.LBB2_3:
0x1a: {  	v20 =	vmov s17  }
0x1b: {  	v20 =	vmul.u32 $0x13, v20;
	_ =	sdelay $0x1  }
0x1c: {  	v20 =	vadd.s32 v19, v20  }
0x1d: {  	v20 =	vbroadcast v20, $0x0;
	_ =	sdelay $0x1  }
0x1e: {  	v21 =	vadd.s32 v0, v20  }
0x1f: {  	v22 =	vadd.s32 v1, v20  }
0x20: {  	v23 =	vadd.s32 v5, v20  }
0x21: {  	v25 =	vadd.s32 v7, v20  }
0x22: {  	v27 =	vadd.s32 v9, v20  }
0x23: {  	v29 =	vadd.s32 v11, v20;
	v21 =	vld.idx.msk [tilespmem:v21+s9+$0x0], $0xffff  }
0x24: {  	v30 =	vadd.s32 v13, v20;
	v22 =	vld.idx.msk [tilespmem:v22+s9+$0x0], $0xffff  }
0x25: {  	v31 =	vadd.s32 v15, v20;
	v23 =	vld.idx.msk [tilespmem:v23+s9+$0x0], $0xffff  }
0x26: {  	v35 =	vadd.s32 v2, v20;
	v25 =	vld.idx.msk [tilespmem:v25+s9+$0x0], $0xffff  }
0x27: {  	v36 =	vadd.s32 v3, v20;
	v27 =	vld.idx.msk [tilespmem:v27+s9+$0x0], $0xffff  }
0x28: {  	v37 =	vadd.s32 v4, v20;
	v29 =	vld.idx.msk [tilespmem:v29+s9+$0x0], $0xffff  }
0x29: {  	v24 =	vadd.s32 v6, v20;
	v30 =	vld.idx.msk [tilespmem:v30+s9+$0x0], $0xffff  }
0x2a: {  	v26 =	vadd.s32 v8, v20;
	v31 =	vld.idx.msk [tilespmem:v31+s9+$0x0], $0xffff  }
0x2b: {  	v28 =	vadd.s32 v10, v20;
	v60 =	vld.idx.msk [tilespmem:v35+s9+$0x0], $0xffff  }
0x2c: {  	v34 =	vadd.s32 v16, v20;
	v62 =	vld.idx.msk [tilespmem:v36+s9+$0x0], $0xffff  }
0x2d: {  	v32 =	vadd.s32 v12, v20;
	v33 =	vadd.s32 v14, v20;
	v63 =	vld.idx.msk [tilespmem:v37+s9+$0x0], $0xffff  }
0x2e: {  	v41 =	vadd.s32 v18, v20;
	v24 =	vld.idx.msk [tilespmem:v24+s9+$0x0], $0xffff;
	v23 =	vshll.u32 v23, $0x4;
	v25 =	vmul.u32 $0x14, v25  }
0x2f: {  	v26 =	vld.idx.msk [tilespmem:v26+s9+$0x0], $0xffff;
	v27 =	vmul.u32 $0xD, v27;
	v61 =	vmul.u32 $0xD, v29;
	v30 =	vmul.u32 $0xD, v30  }
0x30: {  	v28 =	vld.idx.msk [tilespmem:v28+s9+$0x0], $0xffff;
	v31 =	vmul.u32 $0x6, v31;
	vm0 =	vlt.s32 v21, $0x0;
	v20 =	vshll.u32 v22, $0x4  }
0x31: {  	v59 =	vld.idx.msk [tilespmem:v34+s9+$0x0], $0xffff;
	v22 =	vand.u32 $0xF, v22;
	v42 =	vshll.u32 v60, $0x4;
	v34 =	vand.u32 $0xF, v60  }
0x32: {  	v32 =	vld.idx.msk [tilespmem:v32+s9+$0x0], $0xffff;
	v44 =	vshll.u32 v62, $0x4;
	v46 =	vshll.u32 v63, $0x4;
	v29 =	vand.u32 $0xF, v62  }
0x33: {  	v33 =	vld.idx.msk [tilespmem:v33+s9+$0x0], $0xffff;
	v21 =	vand.u32 $0xF, v63;
	v49 =	vshll.u32 v24, $0x4;
	v23 =	vadd.s32 v24, v23  }
0x34: {  	v40 =	vsel vm0, $0xD9F, v17;
	v43 =	vand.u32 $0x70, v42;
	v45 =	vand.u32 $0x70, v44  }
0x35: {  	v47 =	vand.u32 $0x70, v46;
	v50 =	vand.u32 $0x70, v49;
	v24 =	vand.u32 $0xF, v24  }
0x36: {  	v51 =	vand.u32 $0xFFFFFF80, v42;
	v20 =	vor.u32 v22, v20;
	v52 =	vand.u32 $0xFFFFFF80, v44  }
0x37: {  	v53 =	vand.u32 $0xFFFFFF80, v46;
	v23 =	vshll.u32 v23, $0x4;
	v25 =	vadd.s32 v26, v25  }
0x38: {  	v27 =	vadd.s32 v28, v27;
	v28 =	vadd.s32 v32, v61;
	v30 =	vadd.s32 v33, v30  }
0x39: {  	v31 =	vadd.s32 v31, v40;
	v33 =	vor.u32 v43, v34;
	v29 =	vor.u32 v45, v29  }
0x3a: {  	v48 =	vor.u32 v47, v21;
	v24 =	vor.u32 v24, v50;
	v25 =	vadd.s32 $0x900, v25  }
0x3b: {  	v27 =	vadd.s32 $0xBD4, v27;
	v28 =	vadd.s32 $0xC7D, v28;
	v21 =	vor.u32 v33, v51  }
0x3c: {  	v30 =	vadd.s32 $0xD26, v30;
	v22 =	vor.u32 v29, v52;
	v21 =	vadd.s32 $0x4000, v21  }
0x3d: {  	v29 =	vor.u32 v48, v53;
	v54 =	vadd.s32 $0x8000, v23;
	v22 =	vadd.s32 $0x6000, v22  }
0x3e: {  	v31 =	vadd.s32 v59, v31;
	v23 =	vadd.s32 $0x7800, v29;
	v55 =	vand.u32 $0xFFFFFF80, v54  }
0x3f: {  	v56 =	vld.idx.msk [tilespmem:v41+s9+$0x0], $0xffff;
	v57 =	vshll.u32 v25, $0x4;
	v25 =	vand.u32 $0xF, v25;
	v24 =	vor.u32 v55, v24  }
0x40: {  	v58 =	vshll.u32 v27, $0x4;
	v27 =	vand.u32 $0xF, v27;
	v25 =	vor.u32 v25, v57;
	v59 =	vld.idx.msk [tilespmem:v20+s1+$0x0], $0xffff  }
0x41: {  	v60 =	vshll.u32 v28, $0x4;
	v28 =	vand.u32 $0xF, v28;
	v26 =	vor.u32 v27, v58;
	v61 =	vld.idx.msk [tilespmem:v21+s1+$0x0], $0xffff  }
0x42: {  	v62 =	vshll.u32 v30, $0x4;
	v30 =	vand.u32 $0xF, v30;
	v27 =	vor.u32 v28, v60;
	v63 =	vld.idx.msk [tilespmem:v22+s1+$0x0], $0xffff  }
0x43: {  	v44 =	vshll.u32 v31, $0x4;
	v31 =	vand.u32 $0xF, v31;
	v28 =	vor.u32 v30, v62;
	v45 =	vld.idx.msk [tilespmem:v23+s1+$0x0], $0xffff  }
0x44: {  	v46 =	vadd.s32 $0x11C8, v56;
	v32 =	vshll.u32 v56, $0x4;
	v29 =	vor.u32 v31, v44;
	v38 =	vld.idx.msk [tilespmem:v24+s1+$0x0], $0xffff  }
0x45: {  	v47 =	vand.u32 $0x70, v32;
	v48 =	vand.u32 $0xF, v46;
	v30 =	vshll.u32 v46, $0x4;
	v49 =	vld.idx.msk [tilespmem:v25+s1+$0x0], $0xffff  }
0x46: {  	v31 =	vor.u32 v48, v47;
	v30 =	vand.u32 $0xFFFFFF80, v30;
	v50 =	vld.idx.msk [tilespmem:v26+s1+$0x0], $0xffff  }
0x47: {  	v30 =	vor.u32 v30, v31;
	v39 =	vld.idx.msk [tilespmem:v27+s1+$0x0], $0xffff  }
0x48: {  	v51 =	vld.idx.msk [tilespmem:v28+s1+$0x0], $0xffff  }
0x49: {  	v40 =	vld.idx.msk [tilespmem:v29+s1+$0x0], $0xffff;
	_ =	sdelay $0x2  }
0x4a: {  	v41 =	vld.idx.msk [tilespmem:v30+s1+$0x0], $0xffff;
	v33 =	vadd.bf16 v61, v59;
	v52 =	vadd.bf16 v45, v63  }
0x4b: {  	v34 =	vadd.bf16 v49, v38;
	v32 =	vadd.bf16 v39, v50  }
0x4c: {  	v31 =	vadd.bf16 v40, v51  }
0x4d: {  	v33 =	vadd.bf16 v52, v33;
	v32 =	vadd.bf16 v32, v34;
	_ =	sdelay $0x1  }
0x4e: {  	v53 =	vxor.u32 $0x1, v20;
	v31 =	vadd.bf16 v41, v31;
	v32 =	vadd.bf16 v32, v33  }
0x4f: {  	v54 =	vxor.u32 $0x1, v21  }
0x50: {  	s18 =	sand.u32 $0x70, s17;
	s19 =	sand.u32 $0x400, s16;
	v55 =	vxor.u32 $0x1, v22;
	v31 =	vadd.bf16 v31, v32  }
0x51: {  	s18 =	sor.u32 s18, s19;
	v56 =	vxor.u32 $0x1, v23  }
0x52: {  	v57 =	vxor.u32 $0x1, v24;
	[tilespmem:s18+$0x17800] =	vst v31  }
0x53: {  	v58 =	vxor.u32 $0x1, v25;
	v33 =	vld.idx.msk [tilespmem:v53+s1+$0x0], $0xffff  }
0x54: {  	v59 =	vxor.u32 $0x1, v26;
	v34 =	vld.idx.msk [tilespmem:v54+s1+$0x0], $0xffff  }
0x55: {  	v60 =	vxor.u32 $0x1, v27;
	v32 =	vld.idx.msk [tilespmem:v55+s1+$0x0], $0xffff  }
0x56: {  	v61 =	vxor.u32 $0x1, v28;
	v35 =	vld.idx.msk [tilespmem:v56+s1+$0x0], $0xffff  }
0x57: {  	v62 =	vxor.u32 $0x1, v29;
	v31 =	vld.idx.msk [tilespmem:v57+s1+$0x0], $0xffff  }
0x58: {  	v36 =	vld.idx.msk [tilespmem:v58+s1+$0x0], $0xffff  }
0x59: {  	v37 =	vld.idx.msk [tilespmem:v59+s1+$0x0], $0xffff  }
0x5a: {  	v63 =	vxor.u32 $0x1, v30;
	v38 =	vld.idx.msk [tilespmem:v60+s1+$0x0], $0xffff  }
0x5b: {  	v39 =	vld.idx.msk [tilespmem:v61+s1+$0x0], $0xffff  }
0x5c: {  	v40 =	vld.idx.msk [tilespmem:v62+s1+$0x0], $0xffff;
	_ =	sdelay $0x2  }
0x5d: {  	v41 =	vld.idx.msk [tilespmem:v63+s1+$0x0], $0xffff;
	v33 =	vadd.bf16 v34, v33;
	v32 =	vadd.bf16 v35, v32  }
0x5e: {  	v31 =	vadd.bf16 v36, v31;
	v36 =	vadd.bf16 v38, v37  }
0x5f: {  	v37 =	vadd.bf16 v40, v39  }
0x60: {  	v32 =	vadd.bf16 v32, v33;
	v31 =	vadd.bf16 v36, v31;
	_ =	sdelay $0x1  }
0x61: {  	v39 =	vxor.u32 $0x2, v20;
	v38 =	vadd.bf16 v41, v37;
	v31 =	vadd.bf16 v31, v32  }
0x62: {  	v40 =	vxor.u32 $0x2, v21  }
0x63: {  	v41 =	vxor.u32 $0x2, v22;
	v31 =	vadd.bf16 v38, v31  }
0x64: {  	v42 =	vxor.u32 $0x2, v23  }
0x65: {  	v43 =	vxor.u32 $0x2, v24;
	[tilespmem:s18+$0x17880] =	vst v31  }
0x66: {  	v44 =	vxor.u32 $0x2, v25;
	v32 =	vld.idx.msk [tilespmem:v39+s1+$0x0], $0xffff  }
0x67: {  	v45 =	vxor.u32 $0x2, v26;
	v34 =	vld.idx.msk [tilespmem:v40+s1+$0x0], $0xffff  }
0x68: {  	v46 =	vxor.u32 $0x2, v27;
	v33 =	vld.idx.msk [tilespmem:v41+s1+$0x0], $0xffff  }
0x69: {  	v47 =	vxor.u32 $0x2, v28;
	v35 =	vld.idx.msk [tilespmem:v42+s1+$0x0], $0xffff  }
0x6a: {  	v48 =	vxor.u32 $0x2, v29;
	v31 =	vld.idx.msk [tilespmem:v43+s1+$0x0], $0xffff  }
0x6b: {  	v36 =	vld.idx.msk [tilespmem:v44+s1+$0x0], $0xffff  }
0x6c: {  	v37 =	vld.idx.msk [tilespmem:v45+s1+$0x0], $0xffff  }
0x6d: {  	v49 =	vxor.u32 $0x2, v30;
	v38 =	vld.idx.msk [tilespmem:v46+s1+$0x0], $0xffff  }
0x6e: {  	v39 =	vld.idx.msk [tilespmem:v47+s1+$0x0], $0xffff  }
0x6f: {  	v40 =	vld.idx.msk [tilespmem:v48+s1+$0x0], $0xffff;
	_ =	sdelay $0x2  }
0x70: {  	v41 =	vld.idx.msk [tilespmem:v49+s1+$0x0], $0xffff;
	v32 =	vadd.bf16 v34, v32;
	v33 =	vadd.bf16 v35, v33  }
0x71: {  	v31 =	vadd.bf16 v36, v31;
	v50 =	vadd.bf16 v38, v37  }
0x72: {  	v51 =	vadd.bf16 v40, v39  }
0x73: {  	v32 =	vadd.bf16 v33, v32;
	v31 =	vadd.bf16 v50, v31;
	_ =	sdelay $0x1  }
0x74: {  	v53 =	vxor.u32 $0x3, v20;
	v52 =	vadd.bf16 v41, v51;
	v31 =	vadd.bf16 v31, v32  }
0x75: {  	v54 =	vxor.u32 $0x3, v21  }
0x76: {  	v55 =	vxor.u32 $0x3, v22;
	v31 =	vadd.bf16 v52, v31  }
0x77: {  	v56 =	vxor.u32 $0x3, v23  }
0x78: {  	v57 =	vxor.u32 $0x3, v24;
	[tilespmem:s18+$0x17900] =	vst v31  }
0x79: {  	v58 =	vxor.u32 $0x3, v25;
	v32 =	vld.idx.msk [tilespmem:v53+s1+$0x0], $0xffff  }
0x7a: {  	v59 =	vxor.u32 $0x3, v26;
	v34 =	vld.idx.msk [tilespmem:v54+s1+$0x0], $0xffff  }
0x7b: {  	v60 =	vxor.u32 $0x3, v27;
	v33 =	vld.idx.msk [tilespmem:v55+s1+$0x0], $0xffff  }
0x7c: {  	v61 =	vxor.u32 $0x3, v28;
	v35 =	vld.idx.msk [tilespmem:v56+s1+$0x0], $0xffff  }
0x7d: {  	v62 =	vxor.u32 $0x3, v29;
	v31 =	vld.idx.msk [tilespmem:v57+s1+$0x0], $0xffff  }
0x7e: {  	v36 =	vld.idx.msk [tilespmem:v58+s1+$0x0], $0xffff  }
0x7f: {  	v37 =	vld.idx.msk [tilespmem:v59+s1+$0x0], $0xffff  }
0x80: {  	v63 =	vxor.u32 $0x3, v30;
	v38 =	vld.idx.msk [tilespmem:v60+s1+$0x0], $0xffff  }
0x81: {  	v39 =	vld.idx.msk [tilespmem:v61+s1+$0x0], $0xffff  }
0x82: {  	v40 =	vld.idx.msk [tilespmem:v62+s1+$0x0], $0xffff;
	_ =	sdelay $0x2  }
0x83: {  	v41 =	vld.idx.msk [tilespmem:v63+s1+$0x0], $0xffff;
	v32 =	vadd.bf16 v34, v32;
	v33 =	vadd.bf16 v35, v33  }
0x84: {  	v31 =	vadd.bf16 v36, v31;
	v36 =	vadd.bf16 v38, v37  }
0x85: {  	v37 =	vadd.bf16 v40, v39  }
0x86: {  	v32 =	vadd.bf16 v33, v32;
	v31 =	vadd.bf16 v36, v31;
	_ =	sdelay $0x1  }
0x87: {  	v39 =	vxor.u32 $0x4, v20;
	v38 =	vadd.bf16 v41, v37;
	v31 =	vadd.bf16 v31, v32  }
0x88: {  	v40 =	vxor.u32 $0x4, v21  }
0x89: {  	v41 =	vxor.u32 $0x4, v22;
	v31 =	vadd.bf16 v38, v31  }
0x8a: {  	v42 =	vxor.u32 $0x4, v23  }
0x8b: {  	v43 =	vxor.u32 $0x4, v24;
	[tilespmem:s18+$0x17980] =	vst v31  }
0x8c: {  	v44 =	vxor.u32 $0x4, v25;
	v32 =	vld.idx.msk [tilespmem:v39+s1+$0x0], $0xffff  }
0x8d: {  	v45 =	vxor.u32 $0x4, v26;
	v34 =	vld.idx.msk [tilespmem:v40+s1+$0x0], $0xffff  }
0x8e: {  	v46 =	vxor.u32 $0x4, v27;
	v33 =	vld.idx.msk [tilespmem:v41+s1+$0x0], $0xffff  }
0x8f: {  	v47 =	vxor.u32 $0x4, v28;
	v35 =	vld.idx.msk [tilespmem:v42+s1+$0x0], $0xffff  }
0x90: {  	v48 =	vxor.u32 $0x4, v29;
	v31 =	vld.idx.msk [tilespmem:v43+s1+$0x0], $0xffff  }
0x91: {  	v36 =	vld.idx.msk [tilespmem:v44+s1+$0x0], $0xffff  }
0x92: {  	v37 =	vld.idx.msk [tilespmem:v45+s1+$0x0], $0xffff  }
0x93: {  	v49 =	vxor.u32 $0x4, v30;
	v38 =	vld.idx.msk [tilespmem:v46+s1+$0x0], $0xffff  }
0x94: {  	v39 =	vld.idx.msk [tilespmem:v47+s1+$0x0], $0xffff  }
0x95: {  	v40 =	vld.idx.msk [tilespmem:v48+s1+$0x0], $0xffff;
	_ =	sdelay $0x2  }
0x96: {  	v41 =	vld.idx.msk [tilespmem:v49+s1+$0x0], $0xffff;
	v32 =	vadd.bf16 v34, v32;
	v33 =	vadd.bf16 v35, v33  }
0x97: {  	v31 =	vadd.bf16 v36, v31;
	v50 =	vadd.bf16 v38, v37  }
0x98: {  	v51 =	vadd.bf16 v40, v39  }
0x99: {  	v32 =	vadd.bf16 v33, v32;
	v31 =	vadd.bf16 v50, v31;
	_ =	sdelay $0x1  }
0x9a: {  	v53 =	vxor.u32 $0x5, v20;
	v52 =	vadd.bf16 v41, v51;
	v31 =	vadd.bf16 v31, v32  }
0x9b: {  	v54 =	vxor.u32 $0x5, v21  }
0x9c: {  	v55 =	vxor.u32 $0x5, v22;
	v31 =	vadd.bf16 v52, v31  }
0x9d: {  	v56 =	vxor.u32 $0x5, v23  }
0x9e: {  	v57 =	vxor.u32 $0x5, v24;
	[tilespmem:s18+$0x17A00] =	vst v31  }
0x9f: {  	v58 =	vxor.u32 $0x5, v25;
	v32 =	vld.idx.msk [tilespmem:v53+s1+$0x0], $0xffff  }
0xa0: {  	v59 =	vxor.u32 $0x5, v26;
	v34 =	vld.idx.msk [tilespmem:v54+s1+$0x0], $0xffff  }
0xa1: {  	v60 =	vxor.u32 $0x5, v27;
	v33 =	vld.idx.msk [tilespmem:v55+s1+$0x0], $0xffff  }
0xa2: {  	v61 =	vxor.u32 $0x5, v28;
	v35 =	vld.idx.msk [tilespmem:v56+s1+$0x0], $0xffff  }
0xa3: {  	v62 =	vxor.u32 $0x5, v29;
	v31 =	vld.idx.msk [tilespmem:v57+s1+$0x0], $0xffff  }
0xa4: {  	v36 =	vld.idx.msk [tilespmem:v58+s1+$0x0], $0xffff  }
0xa5: {  	v37 =	vld.idx.msk [tilespmem:v59+s1+$0x0], $0xffff  }
0xa6: {  	v63 =	vxor.u32 $0x5, v30;
	v38 =	vld.idx.msk [tilespmem:v60+s1+$0x0], $0xffff  }
0xa7: {  	v39 =	vld.idx.msk [tilespmem:v61+s1+$0x0], $0xffff  }
0xa8: {  	v40 =	vld.idx.msk [tilespmem:v62+s1+$0x0], $0xffff;
	_ =	sdelay $0x2  }
0xa9: {  	v41 =	vld.idx.msk [tilespmem:v63+s1+$0x0], $0xffff;
	v32 =	vadd.bf16 v34, v32;
	v33 =	vadd.bf16 v35, v33  }
0xaa: {  	v31 =	vadd.bf16 v36, v31;
	v36 =	vadd.bf16 v38, v37  }
0xab: {  	v37 =	vadd.bf16 v40, v39  }
0xac: {  	v32 =	vadd.bf16 v33, v32;
	v31 =	vadd.bf16 v36, v31;
	_ =	sdelay $0x1  }
0xad: {  	v39 =	vxor.u32 $0x6, v20;
	v38 =	vadd.bf16 v41, v37;
	v31 =	vadd.bf16 v31, v32  }
0xae: {  	v40 =	vxor.u32 $0x6, v21  }
0xaf: {  	v41 =	vxor.u32 $0x6, v22;
	v31 =	vadd.bf16 v38, v31  }
0xb0: {  	v42 =	vxor.u32 $0x6, v23  }
0xb1: {  	v43 =	vxor.u32 $0x6, v24;
	[tilespmem:s18+$0x17A80] =	vst v31  }
0xb2: {  	v44 =	vxor.u32 $0x6, v25;
	v32 =	vld.idx.msk [tilespmem:v39+s1+$0x0], $0xffff  }
0xb3: {  	v45 =	vxor.u32 $0x6, v26;
	v34 =	vld.idx.msk [tilespmem:v40+s1+$0x0], $0xffff  }
0xb4: {  	v46 =	vxor.u32 $0x6, v27;
	v33 =	vld.idx.msk [tilespmem:v41+s1+$0x0], $0xffff  }
0xb5: {  	v47 =	vxor.u32 $0x6, v28;
	v35 =	vld.idx.msk [tilespmem:v42+s1+$0x0], $0xffff  }
0xb6: {  	v48 =	vxor.u32 $0x6, v29;
	v31 =	vld.idx.msk [tilespmem:v43+s1+$0x0], $0xffff  }
0xb7: {  	v36 =	vld.idx.msk [tilespmem:v44+s1+$0x0], $0xffff  }
0xb8: {  	v37 =	vld.idx.msk [tilespmem:v45+s1+$0x0], $0xffff  }
0xb9: {  	v49 =	vxor.u32 $0x6, v30;
	v38 =	vld.idx.msk [tilespmem:v46+s1+$0x0], $0xffff  }
0xba: {  	v39 =	vld.idx.msk [tilespmem:v47+s1+$0x0], $0xffff  }
0xbb: {  	v40 =	vld.idx.msk [tilespmem:v48+s1+$0x0], $0xffff;
	_ =	sdelay $0x2  }
0xbc: {  	v41 =	vld.idx.msk [tilespmem:v49+s1+$0x0], $0xffff;
	v32 =	vadd.bf16 v34, v32;
	v33 =	vadd.bf16 v35, v33  }
0xbd: {  	v31 =	vadd.bf16 v36, v31;
	v50 =	vadd.bf16 v38, v37  }
0xbe: {  	v51 =	vadd.bf16 v40, v39  }
0xbf: {  	v32 =	vadd.bf16 v33, v32;
	v31 =	vadd.bf16 v50, v31;
	_ =	sdelay $0x1  }
0xc0: {  	v53 =	vxor.u32 $0x7, v20;
	v52 =	vadd.bf16 v41, v51;
	v31 =	vadd.bf16 v31, v32  }
0xc1: {  	v54 =	vxor.u32 $0x7, v21  }
0xc2: {  	v55 =	vxor.u32 $0x7, v22;
	v31 =	vadd.bf16 v52, v31  }
0xc3: {  	v56 =	vxor.u32 $0x7, v23  }
0xc4: {  	v57 =	vxor.u32 $0x7, v24;
	[tilespmem:s18+$0x17B00] =	vst v31  }
0xc5: {  	v58 =	vxor.u32 $0x7, v25;
	v32 =	vld.idx.msk [tilespmem:v53+s1+$0x0], $0xffff  }
0xc6: {  	v59 =	vxor.u32 $0x7, v26;
	v34 =	vld.idx.msk [tilespmem:v54+s1+$0x0], $0xffff  }
0xc7: {  	v60 =	vxor.u32 $0x7, v27;
	v33 =	vld.idx.msk [tilespmem:v55+s1+$0x0], $0xffff  }
0xc8: {  	v61 =	vxor.u32 $0x7, v28;
	v35 =	vld.idx.msk [tilespmem:v56+s1+$0x0], $0xffff  }
0xc9: {  	v62 =	vxor.u32 $0x7, v29;
	v31 =	vld.idx.msk [tilespmem:v57+s1+$0x0], $0xffff  }
0xca: {  	v36 =	vld.idx.msk [tilespmem:v58+s1+$0x0], $0xffff  }
0xcb: {  	v37 =	vld.idx.msk [tilespmem:v59+s1+$0x0], $0xffff  }
0xcc: {  	v63 =	vxor.u32 $0x7, v30;
	v38 =	vld.idx.msk [tilespmem:v60+s1+$0x0], $0xffff  }
0xcd: {  	v39 =	vld.idx.msk [tilespmem:v61+s1+$0x0], $0xffff  }
0xce: {  	v40 =	vld.idx.msk [tilespmem:v62+s1+$0x0], $0xffff;
	_ =	sdelay $0x2  }
0xcf: {  	v41 =	vld.idx.msk [tilespmem:v63+s1+$0x0], $0xffff;
	v32 =	vadd.bf16 v34, v32;
	v33 =	vadd.bf16 v35, v33  }
0xd0: {  	v31 =	vadd.bf16 v36, v31;
	v36 =	vadd.bf16 v38, v37  }
0xd1: {  	v37 =	vadd.bf16 v40, v39  }
0xd2: {  	v32 =	vadd.bf16 v33, v32;
	v31 =	vadd.bf16 v36, v31;
	_ =	sdelay $0x1  }
0xd3: {  	v39 =	vxor.u32 $0x8, v20;
	v38 =	vadd.bf16 v41, v37;
	v31 =	vadd.bf16 v31, v32  }
0xd4: {  	v40 =	vxor.u32 $0x8, v21  }
0xd5: {  	s31 =	sor.u32 s16, s17;
	v41 =	vxor.u32 $0x8, v22;
	v31 =	vadd.bf16 v38, v31  }
0xd6: {  	s19 =	sor.u32 $0x380, s31;
	v42 =	vxor.u32 $0x8, v23  }
0xd7: {  	v43 =	vxor.u32 $0x8, v24;
	[tilespmem:s19+$0x17800] =	vst v31  }
0xd8: {  	v44 =	vxor.u32 $0x8, v25;
	v32 =	vld.idx.msk [tilespmem:v39+s1+$0x0], $0xffff  }
0xd9: {  	v45 =	vxor.u32 $0x8, v26;
	v34 =	vld.idx.msk [tilespmem:v40+s1+$0x0], $0xffff  }
0xda: {  	v46 =	vxor.u32 $0x8, v27;
	v33 =	vld.idx.msk [tilespmem:v41+s1+$0x0], $0xffff  }
0xdb: {  	v47 =	vxor.u32 $0x8, v28;
	v35 =	vld.idx.msk [tilespmem:v42+s1+$0x0], $0xffff  }
0xdc: {  	v48 =	vxor.u32 $0x8, v29;
	v31 =	vld.idx.msk [tilespmem:v43+s1+$0x0], $0xffff  }
0xdd: {  	v36 =	vld.idx.msk [tilespmem:v44+s1+$0x0], $0xffff  }
0xde: {  	v37 =	vld.idx.msk [tilespmem:v45+s1+$0x0], $0xffff  }
0xdf: {  	v49 =	vxor.u32 $0x8, v30;
	v38 =	vld.idx.msk [tilespmem:v46+s1+$0x0], $0xffff  }
0xe0: {  	v39 =	vld.idx.msk [tilespmem:v47+s1+$0x0], $0xffff  }
0xe1: {  	v40 =	vld.idx.msk [tilespmem:v48+s1+$0x0], $0xffff;
	_ =	sdelay $0x2  }
0xe2: {  	v41 =	vld.idx.msk [tilespmem:v49+s1+$0x0], $0xffff;
	v32 =	vadd.bf16 v34, v32;
	v33 =	vadd.bf16 v35, v33  }
0xe3: {  	v31 =	vadd.bf16 v36, v31;
	v50 =	vadd.bf16 v38, v37  }
0xe4: {  	v51 =	vadd.bf16 v40, v39  }
0xe5: {  	v32 =	vadd.bf16 v33, v32;
	v31 =	vadd.bf16 v50, v31;
	_ =	sdelay $0x1  }
0xe6: {  	v53 =	vxor.u32 $0x9, v20;
	v52 =	vadd.bf16 v41, v51;
	v31 =	vadd.bf16 v31, v32  }
0xe7: {  	v54 =	vxor.u32 $0x9, v21  }
0xe8: {  	v55 =	vxor.u32 $0x9, v22;
	v31 =	vadd.bf16 v52, v31  }
0xe9: {  	v56 =	vxor.u32 $0x9, v23  }
0xea: {  	v57 =	vxor.u32 $0x9, v24;
	[tilespmem:s18+$0x18000] =	vst v31  }
0xeb: {  	v58 =	vxor.u32 $0x9, v25;
	v32 =	vld.idx.msk [tilespmem:v53+s1+$0x0], $0xffff  }
0xec: {  	v59 =	vxor.u32 $0x9, v26;
	v34 =	vld.idx.msk [tilespmem:v54+s1+$0x0], $0xffff  }
0xed: {  	v60 =	vxor.u32 $0x9, v27;
	v33 =	vld.idx.msk [tilespmem:v55+s1+$0x0], $0xffff  }
0xee: {  	v61 =	vxor.u32 $0x9, v28;
	v35 =	vld.idx.msk [tilespmem:v56+s1+$0x0], $0xffff  }
0xef: {  	v62 =	vxor.u32 $0x9, v29;
	v31 =	vld.idx.msk [tilespmem:v57+s1+$0x0], $0xffff  }
0xf0: {  	v36 =	vld.idx.msk [tilespmem:v58+s1+$0x0], $0xffff  }
0xf1: {  	v37 =	vld.idx.msk [tilespmem:v59+s1+$0x0], $0xffff  }
0xf2: {  	v63 =	vxor.u32 $0x9, v30;
	v38 =	vld.idx.msk [tilespmem:v60+s1+$0x0], $0xffff  }
0xf3: {  	v39 =	vld.idx.msk [tilespmem:v61+s1+$0x0], $0xffff  }
0xf4: {  	v40 =	vld.idx.msk [tilespmem:v62+s1+$0x0], $0xffff;
	_ =	sdelay $0x2  }
0xf5: {  	v41 =	vld.idx.msk [tilespmem:v63+s1+$0x0], $0xffff;
	v32 =	vadd.bf16 v34, v32;
	v33 =	vadd.bf16 v35, v33  }
0xf6: {  	v31 =	vadd.bf16 v36, v31;
	v36 =	vadd.bf16 v38, v37  }
0xf7: {  	v37 =	vadd.bf16 v40, v39  }
0xf8: {  	v32 =	vadd.bf16 v33, v32;
	v31 =	vadd.bf16 v36, v31;
	_ =	sdelay $0x1  }
0xf9: {  	v39 =	vxor.u32 $0xA, v20;
	v38 =	vadd.bf16 v41, v37;
	v31 =	vadd.bf16 v31, v32  }
0xfa: {  	v40 =	vxor.u32 $0xA, v21  }
0xfb: {  	v41 =	vxor.u32 $0xA, v22;
	v31 =	vadd.bf16 v38, v31  }
0xfc: {  	v42 =	vxor.u32 $0xA, v23  }
0xfd: {  	v43 =	vxor.u32 $0xA, v24;
	[tilespmem:s18+$0x18080] =	vst v31  }
0xfe: {  	v44 =	vxor.u32 $0xA, v25;
	v32 =	vld.idx.msk [tilespmem:v39+s1+$0x0], $0xffff  }
0xff: {  	v45 =	vxor.u32 $0xA, v26;
	v34 =	vld.idx.msk [tilespmem:v40+s1+$0x0], $0xffff  }
0x100: {  	v46 =	vxor.u32 $0xA, v27;
	v33 =	vld.idx.msk [tilespmem:v41+s1+$0x0], $0xffff  }
0x101: {  	v47 =	vxor.u32 $0xA, v28;
	v35 =	vld.idx.msk [tilespmem:v42+s1+$0x0], $0xffff  }
0x102: {  	v48 =	vxor.u32 $0xA, v29;
	v31 =	vld.idx.msk [tilespmem:v43+s1+$0x0], $0xffff  }
0x103: {  	v36 =	vld.idx.msk [tilespmem:v44+s1+$0x0], $0xffff  }
0x104: {  	v37 =	vld.idx.msk [tilespmem:v45+s1+$0x0], $0xffff  }
0x105: {  	v49 =	vxor.u32 $0xA, v30;
	v38 =	vld.idx.msk [tilespmem:v46+s1+$0x0], $0xffff  }
0x106: {  	v39 =	vld.idx.msk [tilespmem:v47+s1+$0x0], $0xffff  }
0x107: {  	v40 =	vld.idx.msk [tilespmem:v48+s1+$0x0], $0xffff;
	_ =	sdelay $0x2  }
0x108: {  	v41 =	vld.idx.msk [tilespmem:v49+s1+$0x0], $0xffff;
	v32 =	vadd.bf16 v34, v32;
	v33 =	vadd.bf16 v35, v33  }
0x109: {  	v31 =	vadd.bf16 v36, v31;
	v50 =	vadd.bf16 v38, v37  }
0x10a: {  	v51 =	vadd.bf16 v40, v39  }
0x10b: {  	v32 =	vadd.bf16 v33, v32;
	v31 =	vadd.bf16 v50, v31;
	_ =	sdelay $0x1  }
0x10c: {  	v53 =	vxor.u32 $0xB, v20;
	v52 =	vadd.bf16 v41, v51;
	v31 =	vadd.bf16 v31, v32  }
0x10d: {  	v54 =	vxor.u32 $0xB, v21  }
0x10e: {  	v55 =	vxor.u32 $0xB, v22;
	v31 =	vadd.bf16 v52, v31  }
0x10f: {  	v56 =	vxor.u32 $0xB, v23  }
0x110: {  	v57 =	vxor.u32 $0xB, v24;
	[tilespmem:s18+$0x18100] =	vst v31  }
0x111: {  	v58 =	vxor.u32 $0xB, v25;
	v32 =	vld.idx.msk [tilespmem:v53+s1+$0x0], $0xffff  }
0x112: {  	v59 =	vxor.u32 $0xB, v26;
	v34 =	vld.idx.msk [tilespmem:v54+s1+$0x0], $0xffff  }
0x113: {  	v60 =	vxor.u32 $0xB, v27;
	v33 =	vld.idx.msk [tilespmem:v55+s1+$0x0], $0xffff  }
0x114: {  	v61 =	vxor.u32 $0xB, v28;
	v35 =	vld.idx.msk [tilespmem:v56+s1+$0x0], $0xffff  }
0x115: {  	v62 =	vxor.u32 $0xB, v29;
	v31 =	vld.idx.msk [tilespmem:v57+s1+$0x0], $0xffff  }
0x116: {  	v36 =	vld.idx.msk [tilespmem:v58+s1+$0x0], $0xffff  }
0x117: {  	v37 =	vld.idx.msk [tilespmem:v59+s1+$0x0], $0xffff  }
0x118: {  	v63 =	vxor.u32 $0xB, v30;
	v38 =	vld.idx.msk [tilespmem:v60+s1+$0x0], $0xffff  }
0x119: {  	v39 =	vld.idx.msk [tilespmem:v61+s1+$0x0], $0xffff  }
0x11a: {  	v40 =	vld.idx.msk [tilespmem:v62+s1+$0x0], $0xffff;
	_ =	sdelay $0x2  }
0x11b: {  	v41 =	vld.idx.msk [tilespmem:v63+s1+$0x0], $0xffff;
	v32 =	vadd.bf16 v34, v32;
	v33 =	vadd.bf16 v35, v33  }
0x11c: {  	v31 =	vadd.bf16 v36, v31;
	v36 =	vadd.bf16 v38, v37  }
0x11d: {  	v37 =	vadd.bf16 v40, v39  }
0x11e: {  	v32 =	vadd.bf16 v33, v32;
	v31 =	vadd.bf16 v36, v31;
	_ =	sdelay $0x1  }
0x11f: {  	v39 =	vxor.u32 $0xC, v20;
	v38 =	vadd.bf16 v41, v37;
	v31 =	vadd.bf16 v31, v32  }
0x120: {  	v40 =	vxor.u32 $0xC, v21  }
0x121: {  	v41 =	vxor.u32 $0xC, v22;
	v31 =	vadd.bf16 v38, v31  }
0x122: {  	v42 =	vxor.u32 $0xC, v23  }
0x123: {  	v43 =	vxor.u32 $0xC, v24;
	[tilespmem:s18+$0x18180] =	vst v31  }
0x124: {  	v44 =	vxor.u32 $0xC, v25;
	v32 =	vld.idx.msk [tilespmem:v39+s1+$0x0], $0xffff  }
0x125: {  	v45 =	vxor.u32 $0xC, v26;
	v34 =	vld.idx.msk [tilespmem:v40+s1+$0x0], $0xffff  }
0x126: {  	v46 =	vxor.u32 $0xC, v27;
	v33 =	vld.idx.msk [tilespmem:v41+s1+$0x0], $0xffff  }
0x127: {  	v47 =	vxor.u32 $0xC, v28;
	v35 =	vld.idx.msk [tilespmem:v42+s1+$0x0], $0xffff  }
0x128: {  	v48 =	vxor.u32 $0xC, v29;
	v31 =	vld.idx.msk [tilespmem:v43+s1+$0x0], $0xffff  }
0x129: {  	v36 =	vld.idx.msk [tilespmem:v44+s1+$0x0], $0xffff  }
0x12a: {  	v37 =	vld.idx.msk [tilespmem:v45+s1+$0x0], $0xffff  }
0x12b: {  	v49 =	vxor.u32 $0xC, v30;
	v38 =	vld.idx.msk [tilespmem:v46+s1+$0x0], $0xffff  }
0x12c: {  	v39 =	vld.idx.msk [tilespmem:v47+s1+$0x0], $0xffff  }
0x12d: {  	v40 =	vld.idx.msk [tilespmem:v48+s1+$0x0], $0xffff;
	_ =	sdelay $0x2  }
0x12e: {  	v41 =	vld.idx.msk [tilespmem:v49+s1+$0x0], $0xffff;
	v32 =	vadd.bf16 v34, v32;
	v33 =	vadd.bf16 v35, v33  }
0x12f: {  	v31 =	vadd.bf16 v36, v31;
	v50 =	vadd.bf16 v38, v37  }
0x130: {  	v51 =	vadd.bf16 v40, v39  }
0x131: {  	v32 =	vadd.bf16 v33, v32;
	v31 =	vadd.bf16 v50, v31;
	_ =	sdelay $0x1  }
0x132: {  	v53 =	vxor.u32 $0xD, v20;
	v52 =	vadd.bf16 v41, v51;
	v31 =	vadd.bf16 v31, v32  }
0x133: {  	v54 =	vxor.u32 $0xD, v21  }
0x134: {  	v55 =	vxor.u32 $0xD, v22;
	v31 =	vadd.bf16 v52, v31  }
0x135: {  	v56 =	vxor.u32 $0xD, v23  }
0x136: {  	v57 =	vxor.u32 $0xD, v24;
	[tilespmem:s18+$0x18200] =	vst v31  }
0x137: {  	v58 =	vxor.u32 $0xD, v25;
	v32 =	vld.idx.msk [tilespmem:v53+s1+$0x0], $0xffff  }
0x138: {  	v59 =	vxor.u32 $0xD, v26;
	v34 =	vld.idx.msk [tilespmem:v54+s1+$0x0], $0xffff  }
0x139: {  	v60 =	vxor.u32 $0xD, v27;
	v33 =	vld.idx.msk [tilespmem:v55+s1+$0x0], $0xffff  }
0x13a: {  	v61 =	vxor.u32 $0xD, v28;
	v35 =	vld.idx.msk [tilespmem:v56+s1+$0x0], $0xffff  }
0x13b: {  	v62 =	vxor.u32 $0xD, v29;
	v31 =	vld.idx.msk [tilespmem:v57+s1+$0x0], $0xffff  }
0x13c: {  	v36 =	vld.idx.msk [tilespmem:v58+s1+$0x0], $0xffff  }
0x13d: {  	v37 =	vld.idx.msk [tilespmem:v59+s1+$0x0], $0xffff  }
0x13e: {  	v63 =	vxor.u32 $0xD, v30;
	v38 =	vld.idx.msk [tilespmem:v60+s1+$0x0], $0xffff  }
0x13f: {  	v39 =	vld.idx.msk [tilespmem:v61+s1+$0x0], $0xffff  }
0x140: {  	v40 =	vld.idx.msk [tilespmem:v62+s1+$0x0], $0xffff;
	_ =	sdelay $0x2  }
0x141: {  	v41 =	vld.idx.msk [tilespmem:v63+s1+$0x0], $0xffff;
	v32 =	vadd.bf16 v34, v32;
	v33 =	vadd.bf16 v35, v33  }
0x142: {  	v31 =	vadd.bf16 v36, v31;
	v38 =	vadd.bf16 v38, v37  }
0x143: {  	v42 =	vadd.bf16 v40, v39  }
0x144: {  	v32 =	vadd.bf16 v33, v32;
	v31 =	vadd.bf16 v38, v31;
	_ =	sdelay $0x1  }
0x145: {  	v44 =	vxor.u32 $0xE, v20;
	v43 =	vadd.bf16 v41, v42;
	v31 =	vadd.bf16 v31, v32  }
0x146: {  	v45 =	vxor.u32 $0xE, v21  }
0x147: {  	v46 =	vxor.u32 $0xE, v22;
	v31 =	vadd.bf16 v43, v31  }
0x148: {  	v47 =	vxor.u32 $0xE, v23  }
0x149: {  	v48 =	vxor.u32 $0xE, v24;
	[tilespmem:s18+$0x18280] =	vst v31  }
0x14a: {  	v49 =	vxor.u32 $0xE, v25;
	v32 =	vld.idx.msk [tilespmem:v44+s1+$0x0], $0xffff  }
0x14b: {  	v50 =	vxor.u32 $0xE, v26;
	v34 =	vld.idx.msk [tilespmem:v45+s1+$0x0], $0xffff  }
0x14c: {  	v51 =	vxor.u32 $0xE, v27;
	v33 =	vld.idx.msk [tilespmem:v46+s1+$0x0], $0xffff  }
0x14d: {  	v52 =	vxor.u32 $0xE, v28;
	v35 =	vld.idx.msk [tilespmem:v47+s1+$0x0], $0xffff  }
0x14e: {  	v53 =	vxor.u32 $0xE, v29;
	v31 =	vld.idx.msk [tilespmem:v48+s1+$0x0], $0xffff  }
0x14f: {  	v36 =	vld.idx.msk [tilespmem:v49+s1+$0x0], $0xffff  }
0x150: {  	v37 =	vld.idx.msk [tilespmem:v50+s1+$0x0], $0xffff  }
0x151: {  	v54 =	vxor.u32 $0xE, v30;
	v38 =	vld.idx.msk [tilespmem:v51+s1+$0x0], $0xffff  }
0x152: {  	v39 =	vld.idx.msk [tilespmem:v52+s1+$0x0], $0xffff  }
0x153: {  	v40 =	vld.idx.msk [tilespmem:v53+s1+$0x0], $0xffff;
	_ =	sdelay $0x2  }
0x154: {  	v41 =	vld.idx.msk [tilespmem:v54+s1+$0x0], $0xffff;
	v32 =	vadd.bf16 v34, v32;
	v33 =	vadd.bf16 v35, v33  }
0x155: {  	v31 =	vadd.bf16 v36, v31;
	v55 =	vadd.bf16 v38, v37  }
0x156: {  	v56 =	vadd.bf16 v40, v39  }
0x157: {  	v32 =	vadd.bf16 v33, v32;
	v31 =	vadd.bf16 v55, v31;
	_ =	sdelay $0x1  }
0x158: {  	v20 =	vxor.u32 $0xF, v20;
	v57 =	vadd.bf16 v41, v56;
	v31 =	vadd.bf16 v31, v32  }
0x159: {  	v21 =	vxor.u32 $0xF, v21  }
0x15a: {  	v22 =	vxor.u32 $0xF, v22;
	v31 =	vadd.bf16 v57, v31  }
0x15b: {  	v23 =	vxor.u32 $0xF, v23  }
0x15c: {  	v24 =	vxor.u32 $0xF, v24;
	[tilespmem:s18+$0x18300] =	vst v31  }
0x15d: {  	v25 =	vxor.u32 $0xF, v25;
	v20 =	vld.idx.msk [tilespmem:v20+s1+$0x0], $0xffff  }
0x15e: {  	v26 =	vxor.u32 $0xF, v26;
	v21 =	vld.idx.msk [tilespmem:v21+s1+$0x0], $0xffff  }
0x15f: {  	v27 =	vxor.u32 $0xF, v27;
	v22 =	vld.idx.msk [tilespmem:v22+s1+$0x0], $0xffff  }
0x160: {  	v28 =	vxor.u32 $0xF, v28;
	v23 =	vld.idx.msk [tilespmem:v23+s1+$0x0], $0xffff  }
0x161: {  	v29 =	vxor.u32 $0xF, v29;
	v24 =	vld.idx.msk [tilespmem:v24+s1+$0x0], $0xffff  }
0x162: {  	v25 =	vld.idx.msk [tilespmem:v25+s1+$0x0], $0xffff  }
0x163: {  	v26 =	vld.idx.msk [tilespmem:v26+s1+$0x0], $0xffff  }
0x164: {  	v30 =	vxor.u32 $0xF, v30;
	v27 =	vld.idx.msk [tilespmem:v27+s1+$0x0], $0xffff  }
0x165: {  	v28 =	vld.idx.msk [tilespmem:v28+s1+$0x0], $0xffff  }
0x166: {  	v29 =	vld.idx.msk [tilespmem:v29+s1+$0x0], $0xffff;
	_ =	sdelay $0x2  }
0x167: {  	v30 =	vld.idx.msk [tilespmem:v30+s1+$0x0], $0xffff;
	v20 =	vadd.bf16 v21, v20;
	v58 =	vadd.bf16 v23, v22  }
0x168: {  	v59 =	vadd.bf16 v25, v24;
	v60 =	vadd.bf16 v27, v26  }
0x169: {  	v61 =	vadd.bf16 v29, v28  }
0x16a: {  	v20 =	vadd.bf16 v58, v20;
	v62 =	vadd.bf16 v60, v59  }
0x16b: {  	p0 =	sne.s32 s17, $0xF0  }
.Ltmp0:
0x16c: {  	v63 =	vadd.bf16 v30, v61;
	v20 =	vadd.bf16 v62, v20;
	(pc) =	sbr.rel @p0 .LBB2_3-.Ltmp0, $3  }
0x16d: {  	_ = 	snop  }
0x16e: {  	v20 =	vadd.bf16 v63, v20;
	_ =	sdelay $0x1  }
0x16f: {  	s16 =	sadd.s32 $0x80, s16;
	s17 =	sadd.s32 $0x10, s17;
	[tilespmem:s18+$0x18380] =	vst v20  }
0x170: {  	s14 =	sadd.s32 $0x1, s14  }
0x171: {  	p0 =	sne.s32 s14, $0x19  }
.Ltmp1:
0x172: {  	s15 =	sadd.s32 s5, s15;
	(pc) =	sbr.rel @p0 .LBB2_2-.Ltmp1, $4  }
0x173: {  	[hbm4b:s15+s10] =	stream.strided.scatter [tilespmem:s12], [sflag:$0x1], $0x1000, s11, s10, $0x38;
	[tilespmem:$0x18800] =	vst v63  }
0x174: {  	_ =	swait.ge [sflag:s8], $0x1000  }
0x175: {  	[sflag:s8] =	ssyncset.done $0x0  }
0x176: {  	[sflag:s8] =	ssyncadd.s32 $0xFFFFF000  }
0x177: {  	s13 =	sadd.s32 $0x1, s13  }
0x178: {  	p0 =	sne.s32 s13, s7  }
.Ltmp2:
0x179: {  	_ = 	snop;
	(pc) =	sbr.rel @p0 .LBB2_1-.Ltmp2, $1  }
0x17a: {  	_ =	sdelay $0x3  }
0x17b: {  	_ =	sfence.sel $0x180000  }
0x17c: {  	[bflag:$0x0] =	sbarrier.arrive $0xFFFF  }
0x17d: {  	p0 =	sne.s32 s2, $0x0;
	_ =	strace $0x9000004A  }
0x17e: {  	s0 =	sadd.s32 @!p0 $0x100000, s0;
	[bflag:$0x2] =	sbarrier.arrive $0xFFFF  }
0x17f: {  	[sflag:s0] =	ssyncadd.tile.s32 @!p0 $0x1;
	_ =	shalt  }
.Lfunc_end2:
_tile_overlayer_lowered:
.L_overlay_start_2:
0x180: {  	(tag) =	ssettag $0x2  }
0x181: {  	s0 =	rddreg [dreg:$0x0];
	s2 =	stileid.u32  }
0x182: {  	s1 =	rddreg [dreg:$0x1];
	p0 =	sne.s32 s2, $0x0  }
0x183: {  	s3 =	rddreg [dreg:$0x2];
	[bflag:$0x3] =	sbarrier.arrive $0xFFFF;
	s2 =	simm.s32 @!p0 $0x1C01  }
0x184: {  	[timem:s3], [sflag:s2] =	dma.local @!p0 [hbm:s0], s1  }
0x185: {  	s0 =	simm.s32 @!p0 $0x1  }
0x186: {  	_ =	swait.ge @!p0 [sflag:s0], s1  }
0x187: {  	s1 =	ssub.s32 @!p0 $0x0, s1;
	[sflag:s0] =	ssyncset.done @!p0 $0x0  }
0x188: {  	[sflag:s0] =	ssyncadd.s32 @!p0 s1  }
0x189: {  	[bflag:$0x3] =	sbarrier.arrive $0xFFFF  }
0x18a: {  	_ =	shalt  }

</sc_bundles>
